<compile_context>
chip_gen: v7x
topology: tpu7x:2x2x1
jax: 0.10.2.dev20260603
libtpu: 0.0.44.dev20260713+nightly
codegen_flags: <defaults>
</compile_context>

<pallas_src>
import dataclasses
import math

import jax
import jax.numpy as jnp
from jax import lax
from jax.experimental import pallas as pl
from jax.experimental.pallas import tpu as pltpu
from jax.experimental.pallas import tpu_sc as plsc

N = 2048
E = 32768
IN_F = 128
OUT_F = 16
OUT_CH = 4
M = 17
ALPHA = 0.2
LOGCAP = math.log(9e15)
B = 256

SR = 64
HC = N // 2
ECH = 8192


def _scatter_body(zeros_hbm, idx_hbm, out_hbm, stripe, eb0, eb1, sem0, sem1):
    core = lax.axis_index("core")
    sub = lax.axis_index("subcore")
    one16 = jnp.full((16,), 1, jnp.int32)
    hi16 = jnp.full((16,), 65536, jnp.int32)
    ebufs = (eb0, eb1)
    sems = (sem0, sem1)
    NCH = E // ECH
    g = core * 16 + sub
    base = g * SR
    zcp = pltpu.async_copy(zeros_hbm, stripe, sem1)
    cps = [pltpu.async_copy(idx_hbm.at[:, pl.ds(0, ECH)], eb0, sem0)]
    zcp.wait()
    for eo in range(NCH):
        cps[eo].wait()
        if eo + 1 < NCH:
            cps.append(pltpu.async_copy(
                idx_hbm.at[:, pl.ds((eo + 1) * ECH, ECH)],
                ebufs[(eo + 1) % 2], sems[(eo + 1) % 2]))
        ebuf = ebufs[eo % 2]

        @pl.loop(0, ECH // 32)
        def _(k):
            for u in range(2):
                off = k * 32 + u * 16
                r = ebuf[0, pl.ds(off, 16)]
                c = ebuf[1, pl.ds(off, 16)]
                lr = r - base
                m = (lr >= 0) & (lr < SR)
                val = jnp.where(c < HC, one16, hi16)
                cc = jnp.where(c < HC, c, c - HC)
                plsc.addupdate_scatter(stripe, [lr, cc], val, mask=m)

    pltpu.sync_copy(stripe, out_hbm.at[pl.ds(base, SR), :])


def _prep_body(ab_ref, x_ref, w_ref, w1_ref, b1_ref, w2_ref, b2_ref, w3_ref,
               b3_ref, w4_ref, b4_ref, lhat_ref, c_ref, h_ref):
    h_ref[...] = jnp.dot(x_ref[...], w_ref[...],
                         preferred_element_type=jnp.float32)
    PT = 256

    def a_tile(t):
        pck = ab_ref[t * PT:(t + 1) * PT, :]
        cnt = jnp.concatenate(
            [pck & 0xFFFF, lax.shift_right_logical(pck, 16)], axis=1)
        cpk = ab_ref[:, (t * PT) % HC:((t * PT) % HC) + PT]
        chalf = (lax.shift_right_logical(cpk, 16)
                 if t * PT >= HC else cpk & 0xFFFF)
        cntT = jnp.transpose(chalf)
        At = jnp.minimum(cnt + cntT, 1).astype(jnp.float32)
        ri = lax.broadcasted_iota(jnp.int32, (PT, N), 0) + t * PT
        ci = lax.broadcasted_iota(jnp.int32, (PT, N), 1)
        return jnp.where(ri == ci, 0.0, At)

    deg_tiles = []
    deg_c = jnp.zeros((1, N), jnp.float32)
    for t in range(N // PT):
        At = a_tile(t)
        deg_tiles.append(jnp.sum(At, axis=1, keepdims=True))
        deg_c = deg_c + jnp.sum(At, axis=0, keepdims=True)
    deg_r = jnp.concatenate(deg_tiles, axis=0)
    dinv_r = jnp.where(deg_r > 0, 1.0 / jnp.sqrt(jnp.maximum(deg_r, 1e-12)), 0.0)
    dinv_c = jnp.where(deg_c > 0, 1.0 / jnp.sqrt(jnp.maximum(deg_c, 1e-12)), 0.0)
    for t in range(N // PT):
        At = a_tile(t)
        lhat_ref[t * PT:(t + 1) * PT, :] = (
            -((dinv_r[t * PT:(t + 1) * PT, :] * At) * dinv_c)
        ).astype(jnp.bfloat16)

    m = lax.broadcasted_iota(jnp.int32, (M, 1), 0).astype(jnp.float32)
    pts = jnp.cos(jnp.pi * (m + 0.5) / M)
    lam = pts + 1.0
    h = jnp.maximum(lam * w1_ref[...] + b1_ref[...], 0.0)
    h = jnp.maximum(jnp.dot(h, w2_ref[...], preferred_element_type=jnp.float32) + b2_ref[...], 0.0)
    h = jnp.maximum(jnp.dot(h, w3_ref[...], preferred_element_type=jnp.float32) + b3_ref[...], 0.0)
    g = jnp.maximum(jnp.dot(h, w4_ref[...], preferred_element_type=jnp.float32) + b4_ref[...], 0.0)
    j_row = lax.broadcasted_iota(jnp.int32, (M, M), 0).astype(jnp.float32)
    m_col = lax.broadcasted_iota(jnp.int32, (M, M), 1).astype(jnp.float32)
    T = jnp.cos(jnp.pi * j_row * (m_col + 0.5) / M)
    c = (2.0 / M) * jnp.dot(T, g, preferred_element_type=jnp.float32)
    c = c * jnp.where(lax.broadcasted_iota(jnp.int32, (M, OUT_CH), 0) == 0, 0.5, 1.0)
    c_ref[...] = c


def _main_body(c_ref, lhat_ref, h_ref, hout_ref, attn_ref):
    i = pl.program_id(0)
    col0 = i * B
    h = h_ref[...]

    RT = 256

    rowi = lax.broadcasted_iota(jnp.int32, (N, B), 0)
    coli = lax.broadcasted_iota(jnp.int32, (N, B), 1) + col0
    S = jnp.where(rowi == coli, 1.0, 0.0).astype(jnp.float32)
    X1 = lhat_ref[:, pl.ds(col0, B)]

    accs = [c_ref[0, k] * S + c_ref[1, k] * X1.astype(jnp.float32)
            for k in range(OUT_CH)]
    Xp, Xc = S.astype(jnp.bfloat16), X1
    for j in range(2, M):
        tiles = []
        for r in range(N // RT):
            t = jnp.dot(lhat_ref[r * RT:(r + 1) * RT, :], Xc,
                        preferred_element_type=jnp.float32)
            tiles.append(2.0 * t - Xp[r * RT:(r + 1) * RT, :].astype(jnp.float32))
        Xn = jnp.concatenate(tiles, axis=0)
        for k in range(OUT_CH):
            accs[k] = accs[k] + c_ref[j, k] * Xn
        Xp, Xc = Xc, Xn.astype(jnp.bfloat16)

    hps = []
    for k in range(OUT_CH):
        v = accs[k]
        v = jnp.where(v > 0, v, ALPHA * v)
        v = jnp.where(jnp.isnan(v) | (v == 0.0), -9e15, v)
        v = jnp.exp(jnp.minimum(v, LOGCAP))
        colsum = jnp.sum(v, axis=0, keepdims=True)
        div = jnp.where(colsum == 0.0, 1.0, colsum)
        vnT = (v / div).T
        attn_ref[k, :, :] = vnT
        hp = jnp.dot(vnT, h, preferred_element_type=jnp.float32)
        hps.append(jnp.where(hp > 0, hp, jnp.exp(jnp.minimum(hp, 0.0)) - 1.0))
    hout_ref[...] = jnp.concatenate(hps, axis=1)


def kernel(input, edge_index, W, w1, b1, w2, b2, w3, b3, w4, b4):
    ab = pl.kernel(
        _scatter_body,
        out_type=jax.ShapeDtypeStruct((N, HC), jnp.int32),
        mesh=plsc.VectorSubcoreMesh(core_axis_name="core",
                                    subcore_axis_name="subcore"),
        scratch_types=[pltpu.VMEM((SR, HC), jnp.int32),
                       pltpu.VMEM((2, ECH), jnp.int32),
                       pltpu.VMEM((2, ECH), jnp.int32),
                       pltpu.SemaphoreType.DMA,
                       pltpu.SemaphoreType.DMA],
        compiler_params=dataclasses.replace(
            pltpu.CompilerParams(), needs_layout_passes=False),
    )(jnp.zeros((SR, HC), jnp.int32), edge_index)

    lhat, c, h = pl.pallas_call(
        _prep_body,
        out_shape=(
            jax.ShapeDtypeStruct((N, N), jnp.bfloat16),
            jax.ShapeDtypeStruct((M, OUT_CH), jnp.float32),
            jax.ShapeDtypeStruct((N, OUT_F), jnp.float32),
        ),
        compiler_params=pltpu.CompilerParams(vmem_limit_bytes=100 * 1024 * 1024),
    )(ab, input, W, w1, b1.reshape(1, -1), w2, b2.reshape(1, -1),
      w3, b3.reshape(1, -1), w4, b4.reshape(1, -1))

    hout, attn = pl.pallas_call(
        _main_body,
        grid=(N // B,),
        in_specs=[
            pl.BlockSpec(memory_space=pltpu.SMEM),
            pl.BlockSpec((N, N), lambda i: (0, 0)),
            pl.BlockSpec((N, OUT_F), lambda i: (0, 0)),
        ],
        out_specs=[
            pl.BlockSpec((B, OUT_CH * OUT_F), lambda i: (i, 0)),
            pl.BlockSpec((OUT_CH, B, N), lambda i: (0, i, 0)),
        ],
        out_shape=(
            jax.ShapeDtypeStruct((N, OUT_CH * OUT_F), jnp.float32),
            jax.ShapeDtypeStruct((OUT_CH, N, N), jnp.float32),
        ),
        compiler_params=pltpu.CompilerParams(
            dimension_semantics=("parallel",),
            vmem_limit_bytes=100 * 1024 * 1024,
        ),
    )(c, lhat, h)
    return hout, attn

# --- scband reference (transcript-rebuilt; emitter-appended) ---
"""Pipeline reference for scband-graph-spectral-filter-layer-8796093022366 (READ-ONLY COPY).

The authoritative reference and input builder live on the scoring server;
editing this copy changes nothing except your own understanding.
"""

import jax, jax.numpy as jnp
import numpy as np

N = 2048
IN_F = 128
OUT_F = 16
OUT_CH = 4
CHEB = 16
E = 32768
ALPHA = 0.2


def setup_inputs(seed: int = 0):
    key = jax.random.key(seed)
    ks = jax.random.split(key, 12)
    inp = {}
    inp['input'] = jax.random.normal(ks[0], (N, IN_F), dtype=jnp.float32)
    inp['edge_index'] = jax.random.randint(ks[1], (2, E), 0, N, dtype=jnp.int32)

    def lin(k, fan_in, fan_out):
        bound = 1.0 / np.sqrt(fan_in)
        kw, kb = jax.random.split(k)
        w = jax.random.uniform(kw, (fan_in, fan_out), minval=-bound, maxval=bound, dtype=jnp.float32)
        b = jax.random.uniform(kb, (fan_out,), minval=-bound, maxval=bound, dtype=jnp.float32)
        return w, b

    inp['W'] = jax.random.normal(ks[2], (IN_F, OUT_F), dtype=jnp.float32) * (1.414 / np.sqrt(IN_F))
    inp['w1'], inp['b1'] = lin(ks[3], 1, 32)
    inp['w2'], inp['b2'] = lin(ks[4], 32, 64)
    inp['w3'], inp['b3'] = lin(ks[5], 64, 32)
    inp['w4'], inp['b4'] = lin(ks[6], 32, OUT_CH)
    return inp


def _kernel(lam, w1, b1, w2, b2, w3, b3, w4, b4):
    # AnalysisFilter: MLP 1->32->64->32->out_channels, ReLU after every layer
    h = lam.reshape(-1, 1)
    h = jax.nn.relu(h @ w1 + b1)
    h = jax.nn.relu(h @ w2 + b2)
    h = jax.nn.relu(h @ w3 + b3)
    h = jax.nn.relu(h @ w4 + b4)
    return h


def _forward(input, edge_index, W, w1, b1, w2, b2, w3, b3, w4, b4):
    # --- build normalized graph Laplacian from edge_index (pygsp G) ---
    row, col = edge_index[0], edge_index[1]
    A = jnp.zeros((N, N), dtype=jnp.float32).at[row, col].add(1.0)
    A = jnp.minimum(A + A.T, 1.0)
    A = A * (1.0 - jnp.eye(N, dtype=jnp.float32))
    deg = A.sum(axis=1)
    dinv = jnp.where(deg > 0, 1.0 / jnp.sqrt(jnp.maximum(deg, 1e-12)), 0.0)
    I = jnp.eye(N, dtype=jnp.float32)
    L = I - (dinv[:, None] * A) * dinv[None, :]
    lmax = 2.0
    L_hat = (2.0 / lmax) * L - I
    # --- Chebyshev coefficients of the learned spectral kernel (Filter) ---
    M = CHEB + 1
    m = jnp.arange(M, dtype=jnp.float32)
    pts = jnp.cos(jnp.pi * (m + 0.5) / M)
    lam = (lmax / 2.0) * (pts + 1.0)
    g = _kernel(lam, w1, b1, w2, b2, w3, b3, w4, b4)  # [M, OUT_CH]
    j = jnp.arange(M, dtype=jnp.float32)
    T = jnp.cos(jnp.pi * j[:, None] * (m[None, :] + 0.5) / M)  # [M, M]
    c = (2.0 / M) * (T @ g)  # [M, OUT_CH]
    c = c.at[0].mul(0.5)
    # --- coefficient matrix per output channel: sum_j c_j T_j(L_hat) ---
    Tprev = I
    Tcur = L_hat
    coefs = c[0][:, None, None] * I[None] + c[1][:, None, None] * L_hat[None]
    for jj in range(2, M):
        Tnext = 2.0 * (L_hat @ Tcur) - Tprev
        coefs = coefs + c[jj][:, None, None] * Tnext[None]
        Tprev, Tcur = Tcur, Tnext
    # --- GAT-like attention forward ---
    h = input @ W
    h_primes = []
    attentions = []
    for k in range(OUT_CH):
        Ak = coefs[k]
        vals = jnp.where(Ak > 0, Ak, ALPHA * Ak)  # LeakyReLU
        vals = jnp.where(jnp.isnan(vals) | (vals == 0), -9e15, vals)
        # exp then clamp(max=9e15) == exp(min(vals, log(9e15)))
        vals = jnp.exp(jnp.minimum(vals, jnp.log(9e15)))
        divisor = vals @ jnp.ones((N, 1), dtype=jnp.float32)
        divisor = jnp.where(divisor == 0, 1.0, divisor)
        h_prime = (vals @ h) / divisor  # dropout is a no-op in eval mode
        h_primes.append(jax.nn.elu(h_prime))
        attentions.append(vals / divisor)
    return jnp.concatenate(h_primes, axis=1), jnp.stack(attentions, axis=0)


def reference(input, edge_index, W, w1, b1, w2, b2, w3, b3, w4, b4):
    return _forward(input, edge_index, W, w1, b1, w2, b2, w3, b3, w4, b4)

if __name__ == "__main__":
    import jax
    _d = setup_inputs()
    print(jax.jit(kernel)(*tuple(_d.values())))

</pallas_src>

<mosaic_0001>
#map = affine_map<(d0, d1) -> (0, 0)>
module attributes {stable_mosaic.version = 14 : i64} {
  func.func @_scatter_body(%arg0: i32, %arg1: i32, %arg2: memref<64x1024xi32, #tpu.memory_space<hbm>>, %arg3: memref<2x32768xi32, #tpu.memory_space<hbm>>, %arg4: memref<2048x1024xi32, #tpu.memory_space<hbm>>, %arg5: memref<64x1024xi32, #tpu.memory_space<vmem>>, %arg6: memref<2x8192xi32, #tpu.memory_space<vmem>>, %arg7: memref<2x8192xi32, #tpu.memory_space<vmem>>, %arg8: memref<!tpu.dma_semaphore, #tpu.memory_space<semaphore_mem>>, %arg9: memref<!tpu.dma_semaphore, #tpu.memory_space<semaphore_mem>>) attributes {dimension_semantics = [#tpu.dimension_semantics<core_parallel>, #tpu.dimension_semantics<subcore_parallel>], iteration_bounds = array<i64: 2, 16>, scalar_prefetch = 0 : i64, scratch_operands = 5 : i64, tpu.core_type = #tpu.core_type<sc_vector_subcore>, window_params = [{transform_indices = #map}, {transform_indices = #map}, {transform_indices = #map}]} {
    %broadcast_in_dim3A = arith.constant 1 : i32
    %broadcast_in_dim3A_0 = vector.broadcast %broadcast_in_dim3A : i32 to vector<16xi32>
    %broadcast_in_dim3A_1 = arith.constant 65536 : i32
    %broadcast_in_dim3A_2 = vector.broadcast %broadcast_in_dim3A_1 : i32 to vector<16xi32>
    %mul3A = arith.constant 16 : i32
    %mul3A_3 = arith.muli %arg0, %mul3A : i32
    %add3A = arith.addi %mul3A_3, %arg1 : i32
    %mul3A_4 = arith.constant 64 : i32
    %mul3A_5 = arith.muli %add3A, %mul3A_4 : i32
    tpu.enqueue_dma source(%arg2 : memref<64x1024xi32, #tpu.memory_space<hbm>>) target(%arg5 : memref<64x1024xi32, #tpu.memory_space<vmem>>) target_semaphore(%arg9 : memref<!tpu.dma_semaphore, #tpu.memory_space<semaphore_mem>>)
    %dma_start3A = arith.constant 0 : i32
    %dma_start3A_6 = arith.constant 0 : i32
    %dma_start3A_7 = tpu.memref_slice %arg3[%dma_start3A, %dma_start3A_6] : memref<2x32768xi32, #tpu.memory_space<hbm>> -> memref<2x8192xi32, #tpu.memory_space<hbm>>
    %dma_start3A_8 = arith.constant 0 : i32
    %dma_start3A_9 = arith.constant 0 : i32
    %dma_start3A_10 = tpu.memref_slice %arg3[%dma_start3A_8, %dma_start3A_9] : memref<2x32768xi32, #tpu.memory_space<hbm>> -> memref<2x8192xi32, #tpu.memory_space<hbm>>
    tpu.enqueue_dma source(%dma_start3A_10 : memref<2x8192xi32, #tpu.memory_space<hbm>>) target(%arg6 : memref<2x8192xi32, #tpu.memory_space<vmem>>) target_semaphore(%arg8 : memref<!tpu.dma_semaphore, #tpu.memory_space<semaphore_mem>>)
    tpu.wait_dma2 semaphore(%arg9 : memref<!tpu.dma_semaphore, #tpu.memory_space<semaphore_mem>>) src(%arg2 : memref<64x1024xi32, #tpu.memory_space<hbm>>) dst(%arg5 : memref<64x1024xi32, #tpu.memory_space<vmem>>)
    %dma_wait3A = arith.constant 0 : i32
    %dma_wait3A_11 = arith.constant 0 : i32
    %dma_wait3A_12 = tpu.memref_slice %arg3[%dma_wait3A, %dma_wait3A_11] : memref<2x32768xi32, #tpu.memory_space<hbm>> -> memref<2x8192xi32, #tpu.memory_space<hbm>>
    %dma_wait3A_13 = arith.constant 0 : i32
    %dma_wait3A_14 = arith.constant 0 : i32
    %dma_wait3A_15 = tpu.memref_slice %arg3[%dma_wait3A_13, %dma_wait3A_14] : memref<2x32768xi32, #tpu.memory_space<hbm>> -> memref<2x8192xi32, #tpu.memory_space<hbm>>
    tpu.wait_dma2 semaphore(%arg8 : memref<!tpu.dma_semaphore, #tpu.memory_space<semaphore_mem>>) src(%dma_wait3A_15 : memref<2x8192xi32, #tpu.memory_space<hbm>>) dst(%arg6 : memref<2x8192xi32, #tpu.memory_space<vmem>>)
    %dma_start3A_16 = arith.constant 0 : i32
    %dma_start3A_17 = arith.constant 8192 : i32
    %dma_start3A_18 = tpu.memref_slice %arg3[%dma_start3A_16, %dma_start3A_17] : memref<2x32768xi32, #tpu.memory_space<hbm>> -> memref<2x8192xi32, #tpu.memory_space<hbm>>
    %dma_start3A_19 = arith.constant 0 : i32
    %dma_start3A_20 = arith.constant 8192 : i32
    %dma_start3A_21 = tpu.memref_slice %arg3[%dma_start3A_19, %dma_start3A_20] : memref<2x32768xi32, #tpu.memory_space<hbm>> -> memref<2x8192xi32, #tpu.memory_space<hbm>>
    tpu.enqueue_dma source(%dma_start3A_21 : memref<2x8192xi32, #tpu.memory_space<hbm>>) target(%arg7 : memref<2x8192xi32, #tpu.memory_space<vmem>>) target_semaphore(%arg9 : memref<!tpu.dma_semaphore, #tpu.memory_space<semaphore_mem>>)
    %scan3A = arith.constant 0 : i32
    %scan3A_22 = arith.constant 256 : i32
    %scan3A_23 = arith.addi %scan3A, %scan3A_22 : i32
    %scan3A_24 = arith.constant 1 : i32
    scf.for %scan3A_71 = %scan3A to %scan3A_23 step %scan3A_24  : i32 {
      %mul3A_72 = arith.constant 1 : i32
      %mul3A_73 = arith.muli %scan3A_71, %mul3A_72 : i32
      %add3A_74 = arith.constant 0 : i32
      %add3A_75 = arith.addi %add3A_74, %mul3A_73 : i32
      %mul3A_76 = arith.constant 32 : i32
      %mul3A_77 = arith.muli %add3A_75, %mul3A_76 : i32
      %add3A_78 = arith.constant 0 : i32
      %add3A_79 = arith.addi %mul3A_77, %add3A_78 : i32
      %get3A = arith.constant 0 : i32
      %get3A_80 = arith.index_cast %get3A : i32 to index
      %get3A_81 = arith.index_cast %add3A_79 : i32 to index
      %get3A_82 = tpu.vector_load %arg6[%get3A_80, %get3A_81] {strides = array<i32>} : memref<2x8192xi32, #tpu.memory_space<vmem>>, vector<16xi32>,
      %get3A_83 = arith.constant 1 : i32
      %get3A_84 = arith.index_cast %get3A_83 : i32 to index
      %get3A_85 = arith.index_cast %add3A_79 : i32 to index
      %get3A_86 = tpu.vector_load %arg6[%get3A_84, %get3A_85] {strides = array<i32>} : memref<2x8192xi32, #tpu.memory_space<vmem>>, vector<16xi32>,
      %sub3A = vector.broadcast %mul3A_5 : i32 to vector<16xi32>
      %sub3A_87 = arith.subi %get3A_82, %sub3A : vector<16xi32>
      %ge3A = arith.constant 0 : i32
      %ge3A_88 = vector.broadcast %ge3A : i32 to vector<16xi32>
      %ge3A_89 = arith.cmpi sge, %sub3A_87, %ge3A_88 : vector<16xi32>
      %lt3A = arith.constant 64 : i32
      %lt3A_90 = vector.broadcast %lt3A : i32 to vector<16xi32>
      %lt3A_91 = arith.cmpi slt, %sub3A_87, %lt3A_90 : vector<16xi32>
      %and3A = arith.andi %ge3A_89, %lt3A_91 : vector<16xi1>
      %lt3A_92 = arith.constant 1024 : i32
      %lt3A_93 = vector.broadcast %lt3A_92 : i32 to vector<16xi32>
      %lt3A_94 = arith.cmpi slt, %get3A_86, %lt3A_93 : vector<16xi32>
      %select_n3A = arith.select %lt3A_94, %broadcast_in_dim3A_0, %broadcast_in_dim3A_2 : vector<16xi1>, vector<16xi32>
      %lt3A_95 = arith.constant 1024 : i32
      %lt3A_96 = vector.broadcast %lt3A_95 : i32 to vector<16xi32>
      %lt3A_97 = arith.cmpi slt, %get3A_86, %lt3A_96 : vector<16xi32>
      %sub3A_98 = arith.constant 1024 : i32
      %sub3A_99 = vector.broadcast %sub3A_98 : i32 to vector<16xi32>
      %sub3A_100 = arith.subi %get3A_86, %sub3A_99 : vector<16xi32>
      %select_n3A_101 = arith.select %lt3A_97, %get3A_86, %sub3A_100 : vector<16xi1>, vector<16xi32>
      tpu.vector_store_idx %arg5[%sub3A_87, %select_n3A_101], %select_n3A masked %and3A {add = true} : memref<64x1024xi32, #tpu.memory_space<vmem>>[vector<16xi32>, vector<16xi32>], vector<16xi32>, vector<16xi1>
      %mul3A_102 = arith.constant 32 : i32
      %mul3A_103 = arith.muli %add3A_75, %mul3A_102 : i32
      %add3A_104 = arith.constant 16 : i32
      %add3A_105 = arith.addi %mul3A_103, %add3A_104 : i32
      %get3A_106 = arith.constant 0 : i32
      %get3A_107 = arith.index_cast %get3A_106 : i32 to index
      %get3A_108 = arith.index_cast %add3A_105 : i32 to index
      %get3A_109 = tpu.vector_load %arg6[%get3A_107, %get3A_108] {strides = array<i32>} : memref<2x8192xi32, #tpu.memory_space<vmem>>, vector<16xi32>,
      %get3A_110 = arith.constant 1 : i32
      %get3A_111 = arith.index_cast %get3A_110 : i32 to index
      %get3A_112 = arith.index_cast %add3A_105 : i32 to index
      %get3A_113 = tpu.vector_load %arg6[%get3A_111, %get3A_112] {strides = array<i32>} : memref<2x8192xi32, #tpu.memory_space<vmem>>, vector<16xi32>,
      %sub3A_114 = vector.broadcast %mul3A_5 : i32 to vector<16xi32>
      %sub3A_115 = arith.subi %get3A_109, %sub3A_114 : vector<16xi32>
      %ge3A_116 = arith.constant 0 : i32
      %ge3A_117 = vector.broadcast %ge3A_116 : i32 to vector<16xi32>
      %ge3A_118 = arith.cmpi sge, %sub3A_115, %ge3A_117 : vector<16xi32>
      %lt3A_119 = arith.constant 64 : i32
      %lt3A_120 = vector.broadcast %lt3A_119 : i32 to vector<16xi32>
      %lt3A_121 = arith.cmpi slt, %sub3A_115, %lt3A_120 : vector<16xi32>
      %and3A_122 = arith.andi %ge3A_118, %lt3A_121 : vector<16xi1>
      %lt3A_123 = arith.constant 1024 : i32
      %lt3A_124 = vector.broadcast %lt3A_123 : i32 to vector<16xi32>
      %lt3A_125 = arith.cmpi slt, %get3A_113, %lt3A_124 : vector<16xi32>
      %select_n3A_126 = arith.select %lt3A_125, %broadcast_in_dim3A_0, %broadcast_in_dim3A_2 : vector<16xi1>, vector<16xi32>
      %lt3A_127 = arith.constant 1024 : i32
      %lt3A_128 = vector.broadcast %lt3A_127 : i32 to vector<16xi32>
      %lt3A_129 = arith.cmpi slt, %get3A_113, %lt3A_128 : vector<16xi32>
      %sub3A_130 = arith.constant 1024 : i32
      %sub3A_131 = vector.broadcast %sub3A_130 : i32 to vector<16xi32>
      %sub3A_132 = arith.subi %get3A_113, %sub3A_131 : vector<16xi32>
      %select_n3A_133 = arith.select %lt3A_129, %get3A_113, %sub3A_132 : vector<16xi1>, vector<16xi32>
      tpu.vector_store_idx %arg5[%sub3A_115, %select_n3A_133], %select_n3A_126 masked %and3A_122 {add = true} : memref<64x1024xi32, #tpu.memory_space<vmem>>[vector<16xi32>, vector<16xi32>], vector<16xi32>, vector<16xi1>
    }
    %scan3A_25 = arith.constant 256 : i32
    %dma_wait3A_26 = arith.constant 0 : i32
    %dma_wait3A_27 = arith.constant 8192 : i32
    %dma_wait3A_28 = tpu.memref_slice %arg3[%dma_wait3A_26, %dma_wait3A_27] : memref<2x32768xi32, #tpu.memory_space<hbm>> -> memref<2x8192xi32, #tpu.memory_space<hbm>>
    %dma_wait3A_29 = arith.constant 0 : i32
    %dma_wait3A_30 = arith.constant 8192 : i32
    %dma_wait3A_31 = tpu.memref_slice %arg3[%dma_wait3A_29, %dma_wait3A_30] : memref<2x32768xi32, #tpu.memory_space<hbm>> -> memref<2x8192xi32, #tpu.memory_space<hbm>>
    tpu.wait_dma2 semaphore(%arg9 : memref<!tpu.dma_semaphore, #tpu.memory_space<semaphore_mem>>) src(%dma_wait3A_31 : memref<2x8192xi32, #tpu.memory_space<hbm>>) dst(%arg7 : memref<2x8192xi32, #tpu.memory_space<vmem>>)
    %dma_start3A_32 = arith.constant 0 : i32
    %dma_start3A_33 = arith.constant 16384 : i32
    %dma_start3A_34 = tpu.memref_slice %arg3[%dma_start3A_32, %dma_start3A_33] : memref<2x32768xi32, #tpu.memory_space<hbm>> -> memref<2x8192xi32, #tpu.memory_space<hbm>>
    %dma_start3A_35 = arith.constant 0 : i32
    %dma_start3A_36 = arith.constant 16384 : i32
    %dma_start3A_37 = tpu.memref_slice %arg3[%dma_start3A_35, %dma_start3A_36] : memref<2x32768xi32, #tpu.memory_space<hbm>> -> memref<2x8192xi32, #tpu.memory_space<hbm>>
    tpu.enqueue_dma source(%dma_start3A_37 : memref<2x8192xi32, #tpu.memory_space<hbm>>) target(%arg6 : memref<2x8192xi32, #tpu.memory_space<vmem>>) target_semaphore(%arg8 : memref<!tpu.dma_semaphore, #tpu.memory_space<semaphore_mem>>)
    %scan3A_38 = arith.constant 0 : i32
    %scan3A_39 = arith.constant 256 : i32
    %scan3A_40 = arith.addi %scan3A_38, %scan3A_39 : i32
    %scan3A_41 = arith.constant 1 : i32
    scf.for %scan3A_71 = %scan3A_38 to %scan3A_40 step %scan3A_41  : i32 {
      %mul3A_72 = arith.constant 1 : i32
      %mul3A_73 = arith.muli %scan3A_71, %mul3A_72 : i32
      %add3A_74 = arith.constant 0 : i32
      %add3A_75 = arith.addi %add3A_74, %mul3A_73 : i32
      %mul3A_76 = arith.constant 32 : i32
      %mul3A_77 = arith.muli %add3A_75, %mul3A_76 : i32
      %add3A_78 = arith.constant 0 : i32
      %add3A_79 = arith.addi %mul3A_77, %add3A_78 : i32
      %get3A = arith.constant 0 : i32
      %get3A_80 = arith.index_cast %get3A : i32 to index
      %get3A_81 = arith.index_cast %add3A_79 : i32 to index
      %get3A_82 = tpu.vector_load %arg7[%get3A_80, %get3A_81] {strides = array<i32>} : memref<2x8192xi32, #tpu.memory_space<vmem>>, vector<16xi32>,
      %get3A_83 = arith.constant 1 : i32
      %get3A_84 = arith.index_cast %get3A_83 : i32 to index
      %get3A_85 = arith.index_cast %add3A_79 : i32 to index
      %get3A_86 = tpu.vector_load %arg7[%get3A_84, %get3A_85] {strides = array<i32>} : memref<2x8192xi32, #tpu.memory_space<vmem>>, vector<16xi32>,
      %sub3A = vector.broadcast %mul3A_5 : i32 to vector<16xi32>
      %sub3A_87 = arith.subi %get3A_82, %sub3A : vector<16xi32>
      %ge3A = arith.constant 0 : i32
      %ge3A_88 = vector.broadcast %ge3A : i32 to vector<16xi32>
      %ge3A_89 = arith.cmpi sge, %sub3A_87, %ge3A_88 : vector<16xi32>
      %lt3A = arith.constant 64 : i32
      %lt3A_90 = vector.broadcast %lt3A : i32 to vector<16xi32>
      %lt3A_91 = arith.cmpi slt, %sub3A_87, %lt3A_90 : vector<16xi32>
      %and3A = arith.andi %ge3A_89, %lt3A_91 : vector<16xi1>
      %lt3A_92 = arith.constant 1024 : i32
      %lt3A_93 = vector.broadcast %lt3A_92 : i32 to vector<16xi32>
      %lt3A_94 = arith.cmpi slt, %get3A_86, %lt3A_93 : vector<16xi32>
      %select_n3A = arith.select %lt3A_94, %broadcast_in_dim3A_0, %broadcast_in_dim3A_2 : vector<16xi1>, vector<16xi32>
      %lt3A_95 = arith.constant 1024 : i32
      %lt3A_96 = vector.broadcast %lt3A_95 : i32 to vector<16xi32>
      %lt3A_97 = arith.cmpi slt, %get3A_86, %lt3A_96 : vector<16xi32>
      %sub3A_98 = arith.constant 1024 : i32
      %sub3A_99 = vector.broadcast %sub3A_98 : i32 to vector<16xi32>
      %sub3A_100 = arith.subi %get3A_86, %sub3A_99 : vector<16xi32>
      %select_n3A_101 = arith.select %lt3A_97, %get3A_86, %sub3A_100 : vector<16xi1>, vector<16xi32>
      tpu.vector_store_idx %arg5[%sub3A_87, %select_n3A_101], %select_n3A masked %and3A {add = true} : memref<64x1024xi32, #tpu.memory_space<vmem>>[vector<16xi32>, vector<16xi32>], vector<16xi32>, vector<16xi1>
      %mul3A_102 = arith.constant 32 : i32
      %mul3A_103 = arith.muli %add3A_75, %mul3A_102 : i32
      %add3A_104 = arith.constant 16 : i32
      %add3A_105 = arith.addi %mul3A_103, %add3A_104 : i32
      %get3A_106 = arith.constant 0 : i32
      %get3A_107 = arith.index_cast %get3A_106 : i32 to index
      %get3A_108 = arith.index_cast %add3A_105 : i32 to index
      %get3A_109 = tpu.vector_load %arg7[%get3A_107, %get3A_108] {strides = array<i32>} : memref<2x8192xi32, #tpu.memory_space<vmem>>, vector<16xi32>,
      %get3A_110 = arith.constant 1 : i32
      %get3A_111 = arith.index_cast %get3A_110 : i32 to index
      %get3A_112 = arith.index_cast %add3A_105 : i32 to index
      %get3A_113 = tpu.vector_load %arg7[%get3A_111, %get3A_112] {strides = array<i32>} : memref<2x8192xi32, #tpu.memory_space<vmem>>, vector<16xi32>,
      %sub3A_114 = vector.broadcast %mul3A_5 : i32 to vector<16xi32>
      %sub3A_115 = arith.subi %get3A_109, %sub3A_114 : vector<16xi32>
      %ge3A_116 = arith.constant 0 : i32
      %ge3A_117 = vector.broadcast %ge3A_116 : i32 to vector<16xi32>
      %ge3A_118 = arith.cmpi sge, %sub3A_115, %ge3A_117 : vector<16xi32>
      %lt3A_119 = arith.constant 64 : i32
      %lt3A_120 = vector.broadcast %lt3A_119 : i32 to vector<16xi32>
      %lt3A_121 = arith.cmpi slt, %sub3A_115, %lt3A_120 : vector<16xi32>
      %and3A_122 = arith.andi %ge3A_118, %lt3A_121 : vector<16xi1>
      %lt3A_123 = arith.constant 1024 : i32
      %lt3A_124 = vector.broadcast %lt3A_123 : i32 to vector<16xi32>
      %lt3A_125 = arith.cmpi slt, %get3A_113, %lt3A_124 : vector<16xi32>
      %select_n3A_126 = arith.select %lt3A_125, %broadcast_in_dim3A_0, %broadcast_in_dim3A_2 : vector<16xi1>, vector<16xi32>
      %lt3A_127 = arith.constant 1024 : i32
      %lt3A_128 = vector.broadcast %lt3A_127 : i32 to vector<16xi32>
      %lt3A_129 = arith.cmpi slt, %get3A_113, %lt3A_128 : vector<16xi32>
      %sub3A_130 = arith.constant 1024 : i32
      %sub3A_131 = vector.broadcast %sub3A_130 : i32 to vector<16xi32>
      %sub3A_132 = arith.subi %get3A_113, %sub3A_131 : vector<16xi32>
      %select_n3A_133 = arith.select %lt3A_129, %get3A_113, %sub3A_132 : vector<16xi1>, vector<16xi32>
      tpu.vector_store_idx %arg5[%sub3A_115, %select_n3A_133], %select_n3A_126 masked %and3A_122 {add = true} : memref<64x1024xi32, #tpu.memory_space<vmem>>[vector<16xi32>, vector<16xi32>], vector<16xi32>, vector<16xi1>
    }
    %scan3A_42 = arith.constant 256 : i32
    %dma_wait3A_43 = arith.constant 0 : i32
    %dma_wait3A_44 = arith.constant 16384 : i32
    %dma_wait3A_45 = tpu.memref_slice %arg3[%dma_wait3A_43, %dma_wait3A_44] : memref<2x32768xi32, #tpu.memory_space<hbm>> -> memref<2x8192xi32, #tpu.memory_space<hbm>>
    %dma_wait3A_46 = arith.constant 0 : i32
    %dma_wait3A_47 = arith.constant 16384 : i32
    %dma_wait3A_48 = tpu.memref_slice %arg3[%dma_wait3A_46, %dma_wait3A_47] : memref<2x32768xi32, #tpu.memory_space<hbm>> -> memref<2x8192xi32, #tpu.memory_space<hbm>>
    tpu.wait_dma2 semaphore(%arg8 : memref<!tpu.dma_semaphore, #tpu.memory_space<semaphore_mem>>) src(%dma_wait3A_48 : memref<2x8192xi32, #tpu.memory_space<hbm>>) dst(%arg6 : memref<2x8192xi32, #tpu.memory_space<vmem>>)
    %dma_start3A_49 = arith.constant 0 : i32
    %dma_start3A_50 = arith.constant 24576 : i32
    %dma_start3A_51 = tpu.memref_slice %arg3[%dma_start3A_49, %dma_start3A_50] : memref<2x32768xi32, #tpu.memory_space<hbm>> -> memref<2x8192xi32, #tpu.memory_space<hbm>>
    %dma_start3A_52 = arith.constant 0 : i32
    %dma_start3A_53 = arith.constant 24576 : i32
    %dma_start3A_54 = tpu.memref_slice %arg3[%dma_start3A_52, %dma_start3A_53] : memref<2x32768xi32, #tpu.memory_space<hbm>> -> memref<2x8192xi32, #tpu.memory_space<hbm>>
    tpu.enqueue_dma source(%dma_start3A_54 : memref<2x8192xi32, #tpu.memory_space<hbm>>) target(%arg7 : memref<2x8192xi32, #tpu.memory_space<vmem>>) target_semaphore(%arg9 : memref<!tpu.dma_semaphore, #tpu.memory_space<semaphore_mem>>)
    %scan3A_55 = arith.constant 0 : i32
    %scan3A_56 = arith.constant 256 : i32
    %scan3A_57 = arith.addi %scan3A_55, %scan3A_56 : i32
    %scan3A_58 = arith.constant 1 : i32
    scf.for %scan3A_71 = %scan3A_55 to %scan3A_57 step %scan3A_58  : i32 {
      %mul3A_72 = arith.constant 1 : i32
      %mul3A_73 = arith.muli %scan3A_71, %mul3A_72 : i32
      %add3A_74 = arith.constant 0 : i32
      %add3A_75 = arith.addi %add3A_74, %mul3A_73 : i32
      %mul3A_76 = arith.constant 32 : i32
      %mul3A_77 = arith.muli %add3A_75, %mul3A_76 : i32
      %add3A_78 = arith.constant 0 : i32
      %add3A_79 = arith.addi %mul3A_77, %add3A_78 : i32
      %get3A = arith.constant 0 : i32
      %get3A_80 = arith.index_cast %get3A : i32 to index
      %get3A_81 = arith.index_cast %add3A_79 : i32 to index
      %get3A_82 = tpu.vector_load %arg6[%get3A_80, %get3A_81] {strides = array<i32>} : memref<2x8192xi32, #tpu.memory_space<vmem>>, vector<16xi32>,
      %get3A_83 = arith.constant 1 : i32
      %get3A_84 = arith.index_cast %get3A_83 : i32 to index
      %get3A_85 = arith.index_cast %add3A_79 : i32 to index
      %get3A_86 = tpu.vector_load %arg6[%get3A_84, %get3A_85] {strides = array<i32>} : memref<2x8192xi32, #tpu.memory_space<vmem>>, vector<16xi32>,
      %sub3A = vector.broadcast %mul3A_5 : i32 to vector<16xi32>
      %sub3A_87 = arith.subi %get3A_82, %sub3A : vector<16xi32>
      %ge3A = arith.constant 0 : i32
      %ge3A_88 = vector.broadcast %ge3A : i32 to vector<16xi32>
      %ge3A_89 = arith.cmpi sge, %sub3A_87, %ge3A_88 : vector<16xi32>
      %lt3A = arith.constant 64 : i32
      %lt3A_90 = vector.broadcast %lt3A : i32 to vector<16xi32>
      %lt3A_91 = arith.cmpi slt, %sub3A_87, %lt3A_90 : vector<16xi32>
      %and3A = arith.andi %ge3A_89, %lt3A_91 : vector<16xi1>
      %lt3A_92 = arith.constant 1024 : i32
      %lt3A_93 = vector.broadcast %lt3A_92 : i32 to vector<16xi32>
      %lt3A_94 = arith.cmpi slt, %get3A_86, %lt3A_93 : vector<16xi32>
      %select_n3A = arith.select %lt3A_94, %broadcast_in_dim3A_0, %broadcast_in_dim3A_2 : vector<16xi1>, vector<16xi32>
      %lt3A_95 = arith.constant 1024 : i32
      %lt3A_96 = vector.broadcast %lt3A_95 : i32 to vector<16xi32>
      %lt3A_97 = arith.cmpi slt, %get3A_86, %lt3A_96 : vector<16xi32>
      %sub3A_98 = arith.constant 1024 : i32
      %sub3A_99 = vector.broadcast %sub3A_98 : i32 to vector<16xi32>
      %sub3A_100 = arith.subi %get3A_86, %sub3A_99 : vector<16xi32>
      %select_n3A_101 = arith.select %lt3A_97, %get3A_86, %sub3A_100 : vector<16xi1>, vector<16xi32>
      tpu.vector_store_idx %arg5[%sub3A_87, %select_n3A_101], %select_n3A masked %and3A {add = true} : memref<64x1024xi32, #tpu.memory_space<vmem>>[vector<16xi32>, vector<16xi32>], vector<16xi32>, vector<16xi1>
      %mul3A_102 = arith.constant 32 : i32
      %mul3A_103 = arith.muli %add3A_75, %mul3A_102 : i32
      %add3A_104 = arith.constant 16 : i32
      %add3A_105 = arith.addi %mul3A_103, %add3A_104 : i32
      %get3A_106 = arith.constant 0 : i32
      %get3A_107 = arith.index_cast %get3A_106 : i32 to index
      %get3A_108 = arith.index_cast %add3A_105 : i32 to index
      %get3A_109 = tpu.vector_load %arg6[%get3A_107, %get3A_108] {strides = array<i32>} : memref<2x8192xi32, #tpu.memory_space<vmem>>, vector<16xi32>,
      %get3A_110 = arith.constant 1 : i32
      %get3A_111 = arith.index_cast %get3A_110 : i32 to index
      %get3A_112 = arith.index_cast %add3A_105 : i32 to index
      %get3A_113 = tpu.vector_load %arg6[%get3A_111, %get3A_112] {strides = array<i32>} : memref<2x8192xi32, #tpu.memory_space<vmem>>, vector<16xi32>,
      %sub3A_114 = vector.broadcast %mul3A_5 : i32 to vector<16xi32>
      %sub3A_115 = arith.subi %get3A_109, %sub3A_114 : vector<16xi32>
      %ge3A_116 = arith.constant 0 : i32
      %ge3A_117 = vector.broadcast %ge3A_116 : i32 to vector<16xi32>
      %ge3A_118 = arith.cmpi sge, %sub3A_115, %ge3A_117 : vector<16xi32>
      %lt3A_119 = arith.constant 64 : i32
      %lt3A_120 = vector.broadcast %lt3A_119 : i32 to vector<16xi32>
      %lt3A_121 = arith.cmpi slt, %sub3A_115, %lt3A_120 : vector<16xi32>
      %and3A_122 = arith.andi %ge3A_118, %lt3A_121 : vector<16xi1>
      %lt3A_123 = arith.constant 1024 : i32
      %lt3A_124 = vector.broadcast %lt3A_123 : i32 to vector<16xi32>
      %lt3A_125 = arith.cmpi slt, %get3A_113, %lt3A_124 : vector<16xi32>
      %select_n3A_126 = arith.select %lt3A_125, %broadcast_in_dim3A_0, %broadcast_in_dim3A_2 : vector<16xi1>, vector<16xi32>
      %lt3A_127 = arith.constant 1024 : i32
      %lt3A_128 = vector.broadcast %lt3A_127 : i32 to vector<16xi32>
      %lt3A_129 = arith.cmpi slt, %get3A_113, %lt3A_128 : vector<16xi32>
      %sub3A_130 = arith.constant 1024 : i32
      %sub3A_131 = vector.broadcast %sub3A_130 : i32 to vector<16xi32>
      %sub3A_132 = arith.subi %get3A_113, %sub3A_131 : vector<16xi32>
      %select_n3A_133 = arith.select %lt3A_129, %get3A_113, %sub3A_132 : vector<16xi1>, vector<16xi32>
      tpu.vector_store_idx %arg5[%sub3A_115, %select_n3A_133], %select_n3A_126 masked %and3A_122 {add = true} : memref<64x1024xi32, #tpu.memory_space<vmem>>[vector<16xi32>, vector<16xi32>], vector<16xi32>, vector<16xi1>
    }
    %scan3A_59 = arith.constant 256 : i32
    %dma_wait3A_60 = arith.constant 0 : i32
    %dma_wait3A_61 = arith.constant 24576 : i32
    %dma_wait3A_62 = tpu.memref_slice %arg3[%dma_wait3A_60, %dma_wait3A_61] : memref<2x32768xi32, #tpu.memory_space<hbm>> -> memref<2x8192xi32, #tpu.memory_space<hbm>>
    %dma_wait3A_63 = arith.constant 0 : i32
    %dma_wait3A_64 = arith.constant 24576 : i32
    %dma_wait3A_65 = tpu.memref_slice %arg3[%dma_wait3A_63, %dma_wait3A_64] : memref<2x32768xi32, #tpu.memory_space<hbm>> -> memref<2x8192xi32, #tpu.memory_space<hbm>>
    tpu.wait_dma2 semaphore(%arg9 : memref<!tpu.dma_semaphore, #tpu.memory_space<semaphore_mem>>) src(%dma_wait3A_65 : memref<2x8192xi32, #tpu.memory_space<hbm>>) dst(%arg7 : memref<2x8192xi32, #tpu.memory_space<vmem>>)
    %scan3A_66 = arith.constant 0 : i32
    %scan3A_67 = arith.constant 256 : i32
    %scan3A_68 = arith.addi %scan3A_66, %scan3A_67 : i32
    %scan3A_69 = arith.constant 1 : i32
    scf.for %scan3A_71 = %scan3A_66 to %scan3A_68 step %scan3A_69  : i32 {
      %mul3A_72 = arith.constant 1 : i32
      %mul3A_73 = arith.muli %scan3A_71, %mul3A_72 : i32
      %add3A_74 = arith.constant 0 : i32
      %add3A_75 = arith.addi %add3A_74, %mul3A_73 : i32
      %mul3A_76 = arith.constant 32 : i32
      %mul3A_77 = arith.muli %add3A_75, %mul3A_76 : i32
      %add3A_78 = arith.constant 0 : i32
      %add3A_79 = arith.addi %mul3A_77, %add3A_78 : i32
      %get3A = arith.constant 0 : i32
      %get3A_80 = arith.index_cast %get3A : i32 to index
      %get3A_81 = arith.index_cast %add3A_79 : i32 to index
      %get3A_82 = tpu.vector_load %arg7[%get3A_80, %get3A_81] {strides = array<i32>} : memref<2x8192xi32, #tpu.memory_space<vmem>>, vector<16xi32>,
      %get3A_83 = arith.constant 1 : i32
      %get3A_84 = arith.index_cast %get3A_83 : i32 to index
      %get3A_85 = arith.index_cast %add3A_79 : i32 to index
      %get3A_86 = tpu.vector_load %arg7[%get3A_84, %get3A_85] {strides = array<i32>} : memref<2x8192xi32, #tpu.memory_space<vmem>>, vector<16xi32>,
      %sub3A = vector.broadcast %mul3A_5 : i32 to vector<16xi32>
      %sub3A_87 = arith.subi %get3A_82, %sub3A : vector<16xi32>
      %ge3A = arith.constant 0 : i32
      %ge3A_88 = vector.broadcast %ge3A : i32 to vector<16xi32>
      %ge3A_89 = arith.cmpi sge, %sub3A_87, %ge3A_88 : vector<16xi32>
      %lt3A = arith.constant 64 : i32
      %lt3A_90 = vector.broadcast %lt3A : i32 to vector<16xi32>
      %lt3A_91 = arith.cmpi slt, %sub3A_87, %lt3A_90 : vector<16xi32>
      %and3A = arith.andi %ge3A_89, %lt3A_91 : vector<16xi1>
      %lt3A_92 = arith.constant 1024 : i32
      %lt3A_93 = vector.broadcast %lt3A_92 : i32 to vector<16xi32>
      %lt3A_94 = arith.cmpi slt, %get3A_86, %lt3A_93 : vector<16xi32>
      %select_n3A = arith.select %lt3A_94, %broadcast_in_dim3A_0, %broadcast_in_dim3A_2 : vector<16xi1>, vector<16xi32>
      %lt3A_95 = arith.constant 1024 : i32
      %lt3A_96 = vector.broadcast %lt3A_95 : i32 to vector<16xi32>
      %lt3A_97 = arith.cmpi slt, %get3A_86, %lt3A_96 : vector<16xi32>
      %sub3A_98 = arith.constant 1024 : i32
      %sub3A_99 = vector.broadcast %sub3A_98 : i32 to vector<16xi32>
      %sub3A_100 = arith.subi %get3A_86, %sub3A_99 : vector<16xi32>
      %select_n3A_101 = arith.select %lt3A_97, %get3A_86, %sub3A_100 : vector<16xi1>, vector<16xi32>
      tpu.vector_store_idx %arg5[%sub3A_87, %select_n3A_101], %select_n3A masked %and3A {add = true} : memref<64x1024xi32, #tpu.memory_space<vmem>>[vector<16xi32>, vector<16xi32>], vector<16xi32>, vector<16xi1>
      %mul3A_102 = arith.constant 32 : i32
      %mul3A_103 = arith.muli %add3A_75, %mul3A_102 : i32
      %add3A_104 = arith.constant 16 : i32
      %add3A_105 = arith.addi %mul3A_103, %add3A_104 : i32
      %get3A_106 = arith.constant 0 : i32
      %get3A_107 = arith.index_cast %get3A_106 : i32 to index
      %get3A_108 = arith.index_cast %add3A_105 : i32 to index
      %get3A_109 = tpu.vector_load %arg7[%get3A_107, %get3A_108] {strides = array<i32>} : memref<2x8192xi32, #tpu.memory_space<vmem>>, vector<16xi32>,
      %get3A_110 = arith.constant 1 : i32
      %get3A_111 = arith.index_cast %get3A_110 : i32 to index
      %get3A_112 = arith.index_cast %add3A_105 : i32 to index
      %get3A_113 = tpu.vector_load %arg7[%get3A_111, %get3A_112] {strides = array<i32>} : memref<2x8192xi32, #tpu.memory_space<vmem>>, vector<16xi32>,
      %sub3A_114 = vector.broadcast %mul3A_5 : i32 to vector<16xi32>
      %sub3A_115 = arith.subi %get3A_109, %sub3A_114 : vector<16xi32>
      %ge3A_116 = arith.constant 0 : i32
      %ge3A_117 = vector.broadcast %ge3A_116 : i32 to vector<16xi32>
      %ge3A_118 = arith.cmpi sge, %sub3A_115, %ge3A_117 : vector<16xi32>
      %lt3A_119 = arith.constant 64 : i32
      %lt3A_120 = vector.broadcast %lt3A_119 : i32 to vector<16xi32>
      %lt3A_121 = arith.cmpi slt, %sub3A_115, %lt3A_120 : vector<16xi32>
      %and3A_122 = arith.andi %ge3A_118, %lt3A_121 : vector<16xi1>
      %lt3A_123 = arith.constant 1024 : i32
      %lt3A_124 = vector.broadcast %lt3A_123 : i32 to vector<16xi32>
      %lt3A_125 = arith.cmpi slt, %get3A_113, %lt3A_124 : vector<16xi32>
      %select_n3A_126 = arith.select %lt3A_125, %broadcast_in_dim3A_0, %broadcast_in_dim3A_2 : vector<16xi1>, vector<16xi32>
      %lt3A_127 = arith.constant 1024 : i32
      %lt3A_128 = vector.broadcast %lt3A_127 : i32 to vector<16xi32>
      %lt3A_129 = arith.cmpi slt, %get3A_113, %lt3A_128 : vector<16xi32>
      %sub3A_130 = arith.constant 1024 : i32
      %sub3A_131 = vector.broadcast %sub3A_130 : i32 to vector<16xi32>
      %sub3A_132 = arith.subi %get3A_113, %sub3A_131 : vector<16xi32>
      %select_n3A_133 = arith.select %lt3A_129, %get3A_113, %sub3A_132 : vector<16xi1>, vector<16xi32>
      tpu.vector_store_idx %arg5[%sub3A_115, %select_n3A_133], %select_n3A_126 masked %and3A_122 {add = true} : memref<64x1024xi32, #tpu.memory_space<vmem>>[vector<16xi32>, vector<16xi32>], vector<16xi32>, vector<16xi1>
    }
    %scan3A_70 = arith.constant 256 : i32
    "tpu.region"() ({
      %run_scoped3A = tpu.sem_alloc : memref<!tpu.dma_semaphore, #tpu.memory_space<semaphore_mem>>
      %dma_start3A_71 = arith.constant 0 : i32
      %dma_start3A_72 = tpu.memref_slice %arg4[%mul3A_5, %dma_start3A_71] : memref<2048x1024xi32, #tpu.memory_space<hbm>> -> memref<64x1024xi32, #tpu.memory_space<hbm>>
      %dma_start3A_73 = arith.constant 0 : i32
      %dma_start3A_74 = tpu.memref_slice %arg4[%mul3A_5, %dma_start3A_73] : memref<2048x1024xi32, #tpu.memory_space<hbm>> -> memref<64x1024xi32, #tpu.memory_space<hbm>>
      tpu.enqueue_dma source(%arg5 : memref<64x1024xi32, #tpu.memory_space<vmem>>) target(%dma_start3A_74 : memref<64x1024xi32, #tpu.memory_space<hbm>>) target_semaphore(%run_scoped3A : memref<!tpu.dma_semaphore, #tpu.memory_space<semaphore_mem>>)
      %dma_wait3A_75 = arith.constant 0 : i32
      %dma_wait3A_76 = tpu.memref_slice %arg4[%mul3A_5, %dma_wait3A_75] : memref<2048x1024xi32, #tpu.memory_space<hbm>> -> memref<64x1024xi32, #tpu.memory_space<hbm>>
      %dma_wait3A_77 = arith.constant 0 : i32
      %dma_wait3A_78 = tpu.memref_slice %arg4[%mul3A_5, %dma_wait3A_77] : memref<2048x1024xi32, #tpu.memory_space<hbm>> -> memref<64x1024xi32, #tpu.memory_space<hbm>>
      tpu.wait_dma2 semaphore(%run_scoped3A : memref<!tpu.dma_semaphore, #tpu.memory_space<semaphore_mem>>) src(%arg5 : memref<64x1024xi32, #tpu.memory_space<vmem>>) dst(%dma_wait3A_78 : memref<64x1024xi32, #tpu.memory_space<hbm>>)
      tpu.yield
    }) : () -> ()
    return
  }
}

module attributes {stable_mosaic.version = 14 : i64} {
  func.func @_prep_body(%arg0: memref<2048x1024xi32, #tpu.memory_space<vmem>>, %arg1: memref<2048x128xf32, #tpu.memory_space<vmem>>, %arg2: memref<128x16xf32, #tpu.memory_space<vmem>>, %arg3: memref<1x32xf32, #tpu.memory_space<vmem>>, %arg4: memref<1x32xf32, #tpu.memory_space<vmem>>, %arg5: memref<32x64xf32, #tpu.memory_space<vmem>>, %arg6: memref<1x64xf32, #tpu.memory_space<vmem>>, %arg7: memref<64x32xf32, #tpu.memory_space<vmem>>, %arg8: memref<1x32xf32, #tpu.memory_space<vmem>>, %arg9: memref<32x4xf32, #tpu.memory_space<vmem>>, %arg10: memref<1x4xf32, #tpu.memory_space<vmem>>, %arg11: memref<2048x2048xbf16, #tpu.memory_space<vmem>>, %arg12: memref<17x4xf32, #tpu.memory_space<vmem>>, %arg13: memref<2048x16xf32, #tpu.memory_space<vmem>>) attributes {dimension_semantics = [], scalar_prefetch = 0 : i64, scratch_operands = 0 : i64, tpu.core_type = #tpu.core_type<tc>} {
    %get3A = arith.constant 0 : index
    %get3A_0 = arith.constant 0 : index
    %get3A_1 = vector.load %arg1[%get3A, %get3A_0] : memref<2048x128xf32, #tpu.memory_space<vmem>>, vector<2048x128xf32>
    %get3A_2 = arith.constant 0 : index
    %get3A_3 = arith.constant 0 : index
    %get3A_4 = vector.load %arg2[%get3A_2, %get3A_3] : memref<128x16xf32, #tpu.memory_space<vmem>>, vector<128x16xf32>
    %dot_general3A = arith.constant dense<0.000000e+00> : vector<2048x16xf32>
    %dot_general3A_5 = tpu.matmul %get3A_1, %get3A_4, %dot_general3A {dimension_numbers = #tpu.dot_dimension_numbers<[1], [0], [0], [1], [0, 0, 1, 1], [], []>, transpose_lhs_hint = false} : vector<2048x128xf32>, vector<128x16xf32>, vector<2048x16xf32> -> vector<2048x16xf32>
    %swap3A = arith.constant 0 : index
    %swap3A_6 = arith.constant 0 : index
    %swap3A_7 = vector.load %arg13[%swap3A, %swap3A_6] : memref<2048x16xf32, #tpu.memory_space<vmem>>, vector<2048x16xf32>
    tpu.vector_store %arg13[%swap3A, %swap3A_6], %dot_general3A_5 {strides = array<i32>} : memref<2048x16xf32, #tpu.memory_space<vmem>>, vector<2048x16xf32>,
    %broadcast_in_dim3A = arith.constant 0.000000e+00 : f32
    %broadcast_in_dim3A_8 = vector.broadcast %broadcast_in_dim3A : f32 to vector<1x2048xf32>
    %get3A_9 = arith.constant 0 : index
    %get3A_10 = arith.constant 0 : index
    %get3A_11 = vector.load %arg0[%get3A_9, %get3A_10] : memref<2048x1024xi32, #tpu.memory_space<vmem>>, vector<256x1024xi32>
    %and3A = arith.constant 65535 : i32
    %and3A_12 = vector.broadcast %and3A : i32 to vector<256x1024xi32>
    %and3A_13 = arith.andi %get3A_11, %and3A_12 : vector<256x1024xi32>
    %shift_right_logical3A = arith.constant 16 : i32
    %shift_right_logical3A_14 = vector.broadcast %shift_right_logical3A : i32 to vector<256x1024xi32>
    %shift_right_logical3A_15 = arith.shrui %get3A_11, %shift_right_logical3A_14 : vector<256x1024xi32>
    %concatenate3A = tpu.concatenate %and3A_13, %shift_right_logical3A_15 in 1 : vector<256x1024xi32>, vector<256x1024xi32> -> vector<256x2048xi32>
    %get3A_16 = arith.constant 0 : index
    %get3A_17 = arith.constant 0 : index
    %get3A_18 = vector.load %arg0[%get3A_16, %get3A_17] : memref<2048x1024xi32, #tpu.memory_space<vmem>>, vector<2048x256xi32>
    %and3A_19 = arith.constant 65535 : i32
    %and3A_20 = vector.broadcast %and3A_19 : i32 to vector<2048x256xi32>
    %and3A_21 = arith.andi %get3A_18, %and3A_20 : vector<2048x256xi32>
    %transpose3A = tpu.transpose %and3A_21, [1, 0] : vector<2048x256xi32> -> vector<256x2048xi32>
    %add3A = arith.addi %concatenate3A, %transpose3A : vector<256x2048xi32>
    %min3A = arith.constant 1 : i32
    %min3A_22 = vector.broadcast %min3A : i32 to vector<256x2048xi32>
    %min3A_23 = arith.minsi %add3A, %min3A_22 : vector<256x2048xi32>
    %convert_element_type3A = arith.sitofp %min3A_23 : vector<256x2048xi32> to vector<256x2048xf32>
    %iota3A = tpu.iota {dimensions = array<i32: 0>} : vector<256x2048xi32>
    %add3A_24 = arith.constant 0 : i32
    %add3A_25 = vector.broadcast %add3A_24 : i32 to vector<256x2048xi32>
    %add3A_26 = arith.addi %iota3A, %add3A_25 : vector<256x2048xi32>
    %iota3A_27 = tpu.iota {dimensions = array<i32: 1>} : vector<256x2048xi32>
    %eq3A = arith.cmpi eq, %add3A_26, %iota3A_27 : vector<256x2048xi32>
    %jit3A = arith.constant 0.000000e+00 : f32
    %broadcast_in_dim3A_28 = vector.broadcast %jit3A : f32 to vector<256x2048xf32>
    %select_n3A = arith.select %eq3A, %broadcast_in_dim3A_28, %convert_element_type3A : vector<256x2048xi1>, vector<256x2048xf32>
    %reduce_sum3A = arith.constant dense<0.000000e+00> : vector<256xf32>
    %reduce_sum3A_29 = vector.multi_reduction <add>, %select_n3A, %reduce_sum3A [1] : vector<256x2048xf32> to vector<256xf32>
    %broadcast_in_dim3A_30 = vector.shape_cast %reduce_sum3A_29 : vector<256xf32> to vector<256x1xf32>
    %reduce_sum3A_31 = arith.constant dense<0.000000e+00> : vector<2048xf32>
    %reduce_sum3A_32 = vector.multi_reduction <add>, %select_n3A, %reduce_sum3A_31 [0] : vector<256x2048xf32> to vector<2048xf32>
    %broadcast_in_dim3A_33 = vector.shape_cast %reduce_sum3A_32 : vector<2048xf32> to vector<1x2048xf32>
    %add3A_34 = arith.addf %broadcast_in_dim3A_8, %broadcast_in_dim3A_33 : vector<1x2048xf32>
    %get3A_35 = arith.constant 256 : index
    %get3A_36 = arith.constant 0 : index
    %get3A_37 = vector.load %arg0[%get3A_35, %get3A_36] : memref<2048x1024xi32, #tpu.memory_space<vmem>>, vector<256x1024xi32>
    %and3A_38 = arith.constant 65535 : i32
    %and3A_39 = vector.broadcast %and3A_38 : i32 to vector<256x1024xi32>
    %and3A_40 = arith.andi %get3A_37, %and3A_39 : vector<256x1024xi32>
    %shift_right_logical3A_41 = arith.constant 16 : i32
    %shift_right_logical3A_42 = vector.broadcast %shift_right_logical3A_41 : i32 to vector<256x1024xi32>
    %shift_right_logical3A_43 = arith.shrui %get3A_37, %shift_right_logical3A_42 : vector<256x1024xi32>
    %concatenate3A_44 = tpu.concatenate %and3A_40, %shift_right_logical3A_43 in 1 : vector<256x1024xi32>, vector<256x1024xi32> -> vector<256x2048xi32>
    %get3A_45 = arith.constant 0 : index
    %get3A_46 = arith.constant 256 : index
    %get3A_47 = vector.load %arg0[%get3A_45, %get3A_46] : memref<2048x1024xi32, #tpu.memory_space<vmem>>, vector<2048x256xi32>
    %and3A_48 = arith.constant 65535 : i32
    %and3A_49 = vector.broadcast %and3A_48 : i32 to vector<2048x256xi32>
    %and3A_50 = arith.andi %get3A_47, %and3A_49 : vector<2048x256xi32>
    %transpose3A_51 = tpu.transpose %and3A_50, [1, 0] : vector<2048x256xi32> -> vector<256x2048xi32>
    %add3A_52 = arith.addi %concatenate3A_44, %transpose3A_51 : vector<256x2048xi32>
    %min3A_53 = arith.constant 1 : i32
    %min3A_54 = vector.broadcast %min3A_53 : i32 to vector<256x2048xi32>
    %min3A_55 = arith.minsi %add3A_52, %min3A_54 : vector<256x2048xi32>
    %convert_element_type3A_56 = arith.sitofp %min3A_55 : vector<256x2048xi32> to vector<256x2048xf32>
    %iota3A_57 = tpu.iota {dimensions = array<i32: 0>} : vector<256x2048xi32>
    %add3A_58 = arith.constant 256 : i32
    %add3A_59 = vector.broadcast %add3A_58 : i32 to vector<256x2048xi32>
    %add3A_60 = arith.addi %iota3A_57, %add3A_59 : vector<256x2048xi32>
    %iota3A_61 = tpu.iota {dimensions = array<i32: 1>} : vector<256x2048xi32>
    %eq3A_62 = arith.cmpi eq, %add3A_60, %iota3A_61 : vector<256x2048xi32>
    %jit3A_63 = arith.constant 0.000000e+00 : f32
    %broadcast_in_dim3A_64 = vector.broadcast %jit3A_63 : f32 to vector<256x2048xf32>
    %select_n3A_65 = arith.select %eq3A_62, %broadcast_in_dim3A_64, %convert_element_type3A_56 : vector<256x2048xi1>, vector<256x2048xf32>
    %reduce_sum3A_66 = arith.constant dense<0.000000e+00> : vector<256xf32>
    %reduce_sum3A_67 = vector.multi_reduction <add>, %select_n3A_65, %reduce_sum3A_66 [1] : vector<256x2048xf32> to vector<256xf32>
    %broadcast_in_dim3A_68 = vector.shape_cast %reduce_sum3A_67 : vector<256xf32> to vector<256x1xf32>
    %reduce_sum3A_69 = arith.constant dense<0.000000e+00> : vector<2048xf32>
    %reduce_sum3A_70 = vector.multi_reduction <add>, %select_n3A_65, %reduce_sum3A_69 [0] : vector<256x2048xf32> to vector<2048xf32>
    %broadcast_in_dim3A_71 = vector.shape_cast %reduce_sum3A_70 : vector<2048xf32> to vector<1x2048xf32>
    %add3A_72 = arith.addf %add3A_34, %broadcast_in_dim3A_71 : vector<1x2048xf32>
    %get3A_73 = arith.constant 512 : index
    %get3A_74 = arith.constant 0 : index
    %get3A_75 = vector.load %arg0[%get3A_73, %get3A_74] : memref<2048x1024xi32, #tpu.memory_space<vmem>>, vector<256x1024xi32>
    %and3A_76 = arith.constant 65535 : i32
    %and3A_77 = vector.broadcast %and3A_76 : i32 to vector<256x1024xi32>
    %and3A_78 = arith.andi %get3A_75, %and3A_77 : vector<256x1024xi32>
    %shift_right_logical3A_79 = arith.constant 16 : i32
    %shift_right_logical3A_80 = vector.broadcast %shift_right_logical3A_79 : i32 to vector<256x1024xi32>
    %shift_right_logical3A_81 = arith.shrui %get3A_75, %shift_right_logical3A_80 : vector<256x1024xi32>
    %concatenate3A_82 = tpu.concatenate %and3A_78, %shift_right_logical3A_81 in 1 : vector<256x1024xi32>, vector<256x1024xi32> -> vector<256x2048xi32>
    %get3A_83 = arith.constant 0 : index
    %get3A_84 = arith.constant 512 : index
    %get3A_85 = vector.load %arg0[%get3A_83, %get3A_84] : memref<2048x1024xi32, #tpu.memory_space<vmem>>, vector<2048x256xi32>
    %and3A_86 = arith.constant 65535 : i32
    %and3A_87 = vector.broadcast %and3A_86 : i32 to vector<2048x256xi32>
    %and3A_88 = arith.andi %get3A_85, %and3A_87 : vector<2048x256xi32>
    %transpose3A_89 = tpu.transpose %and3A_88, [1, 0] : vector<2048x256xi32> -> vector<256x2048xi32>
    %add3A_90 = arith.addi %concatenate3A_82, %transpose3A_89 : vector<256x2048xi32>
    %min3A_91 = arith.constant 1 : i32
    %min3A_92 = vector.broadcast %min3A_91 : i32 to vector<256x2048xi32>
    %min3A_93 = arith.minsi %add3A_90, %min3A_92 : vector<256x2048xi32>
    %convert_element_type3A_94 = arith.sitofp %min3A_93 : vector<256x2048xi32> to vector<256x2048xf32>
    %iota3A_95 = tpu.iota {dimensions = array<i32: 0>} : vector<256x2048xi32>
    %add3A_96 = arith.constant 512 : i32
    %add3A_97 = vector.broadcast %add3A_96 : i32 to vector<256x2048xi32>
    %add3A_98 = arith.addi %iota3A_95, %add3A_97 : vector<256x2048xi32>
    %iota3A_99 = tpu.iota {dimensions = array<i32: 1>} : vector<256x2048xi32>
    %eq3A_100 = arith.cmpi eq, %add3A_98, %iota3A_99 : vector<256x2048xi32>
    %jit3A_101 = arith.constant 0.000000e+00 : f32
    %broadcast_in_dim3A_102 = vector.broadcast %jit3A_101 : f32 to vector<256x2048xf32>
    %select_n3A_103 = arith.select %eq3A_100, %broadcast_in_dim3A_102, %convert_element_type3A_94 : vector<256x2048xi1>, vector<256x2048xf32>
    %reduce_sum3A_104 = arith.constant dense<0.000000e+00> : vector<256xf32>
    %reduce_sum3A_105 = vector.multi_reduction <add>, %select_n3A_103, %reduce_sum3A_104 [1] : vector<256x2048xf32> to vector<256xf32>
    %broadcast_in_dim3A_106 = vector.shape_cast %reduce_sum3A_105 : vector<256xf32> to vector<256x1xf32>
    %reduce_sum3A_107 = arith.constant dense<0.000000e+00> : vector<2048xf32>
    %reduce_sum3A_108 = vector.multi_reduction <add>, %select_n3A_103, %reduce_sum3A_107 [0] : vector<256x2048xf32> to vector<2048xf32>
    %broadcast_in_dim3A_109 = vector.shape_cast %reduce_sum3A_108 : vector<2048xf32> to vector<1x2048xf32>
    %add3A_110 = arith.addf %add3A_72, %broadcast_in_dim3A_109 : vector<1x2048xf32>
    %get3A_111 = arith.constant 768 : index
    %get3A_112 = arith.constant 0 : index
    %get3A_113 = vector.load %arg0[%get3A_111, %get3A_112] : memref<2048x1024xi32, #tpu.memory_space<vmem>>, vector<256x1024xi32>
    %and3A_114 = arith.constant 65535 : i32
    %and3A_115 = vector.broadcast %and3A_114 : i32 to vector<256x1024xi32>
    %and3A_116 = arith.andi %get3A_113, %and3A_115 : vector<256x1024xi32>
    %shift_right_logical3A_117 = arith.constant 16 : i32
    %shift_right_logical3A_118 = vector.broadcast %shift_right_logical3A_117 : i32 to vector<256x1024xi32>
    %shift_right_logical3A_119 = arith.shrui %get3A_113, %shift_right_logical3A_118 : vector<256x1024xi32>
    %concatenate3A_120 = tpu.concatenate %and3A_116, %shift_right_logical3A_119 in 1 : vector<256x1024xi32>, vector<256x1024xi32> -> vector<256x2048xi32>
    %get3A_121 = arith.constant 0 : index
    %get3A_122 = arith.constant 768 : index
    %get3A_123 = vector.load %arg0[%get3A_121, %get3A_122] : memref<2048x1024xi32, #tpu.memory_space<vmem>>, vector<2048x256xi32>
    %and3A_124 = arith.constant 65535 : i32
    %and3A_125 = vector.broadcast %and3A_124 : i32 to vector<2048x256xi32>
    %and3A_126 = arith.andi %get3A_123, %and3A_125 : vector<2048x256xi32>
    %transpose3A_127 = tpu.transpose %and3A_126, [1, 0] : vector<2048x256xi32> -> vector<256x2048xi32>
    %add3A_128 = arith.addi %concatenate3A_120, %transpose3A_127 : vector<256x2048xi32>
    %min3A_129 = arith.constant 1 : i32
    %min3A_130 = vector.broadcast %min3A_129 : i32 to vector<256x2048xi32>
    %min3A_131 = arith.minsi %add3A_128, %min3A_130 : vector<256x2048xi32>
    %convert_element_type3A_132 = arith.sitofp %min3A_131 : vector<256x2048xi32> to vector<256x2048xf32>
    %iota3A_133 = tpu.iota {dimensions = array<i32: 0>} : vector<256x2048xi32>
    %add3A_134 = arith.constant 768 : i32
    %add3A_135 = vector.broadcast %add3A_134 : i32 to vector<256x2048xi32>
    %add3A_136 = arith.addi %iota3A_133, %add3A_135 : vector<256x2048xi32>
    %iota3A_137 = tpu.iota {dimensions = array<i32: 1>} : vector<256x2048xi32>
    %eq3A_138 = arith.cmpi eq, %add3A_136, %iota3A_137 : vector<256x2048xi32>
    %jit3A_139 = arith.constant 0.000000e+00 : f32
    %broadcast_in_dim3A_140 = vector.broadcast %jit3A_139 : f32 to vector<256x2048xf32>
    %select_n3A_141 = arith.select %eq3A_138, %broadcast_in_dim3A_140, %convert_element_type3A_132 : vector<256x2048xi1>, vector<256x2048xf32>
    %reduce_sum3A_142 = arith.constant dense<0.000000e+00> : vector<256xf32>
    %reduce_sum3A_143 = vector.multi_reduction <add>, %select_n3A_141, %reduce_sum3A_142 [1] : vector<256x2048xf32> to vector<256xf32>
    %broadcast_in_dim3A_144 = vector.shape_cast %reduce_sum3A_143 : vector<256xf32> to vector<256x1xf32>
    %reduce_sum3A_145 = arith.constant dense<0.000000e+00> : vector<2048xf32>
    %reduce_sum3A_146 = vector.multi_reduction <add>, %select_n3A_141, %reduce_sum3A_145 [0] : vector<256x2048xf32> to vector<2048xf32>
    %broadcast_in_dim3A_147 = vector.shape_cast %reduce_sum3A_146 : vector<2048xf32> to vector<1x2048xf32>
    %add3A_148 = arith.addf %add3A_110, %broadcast_in_dim3A_147 : vector<1x2048xf32>
    %get3A_149 = arith.constant 1024 : index
    %get3A_150 = arith.constant 0 : index
    %get3A_151 = vector.load %arg0[%get3A_149, %get3A_150] : memref<2048x1024xi32, #tpu.memory_space<vmem>>, vector<256x1024xi32>
    %and3A_152 = arith.constant 65535 : i32
    %and3A_153 = vector.broadcast %and3A_152 : i32 to vector<256x1024xi32>
    %and3A_154 = arith.andi %get3A_151, %and3A_153 : vector<256x1024xi32>
    %shift_right_logical3A_155 = arith.constant 16 : i32
    %shift_right_logical3A_156 = vector.broadcast %shift_right_logical3A_155 : i32 to vector<256x1024xi32>
    %shift_right_logical3A_157 = arith.shrui %get3A_151, %shift_right_logical3A_156 : vector<256x1024xi32>
    %concatenate3A_158 = tpu.concatenate %and3A_154, %shift_right_logical3A_157 in 1 : vector<256x1024xi32>, vector<256x1024xi32> -> vector<256x2048xi32>
    %get3A_159 = arith.constant 0 : index
    %get3A_160 = arith.constant 0 : index
    %get3A_161 = vector.load %arg0[%get3A_159, %get3A_160] : memref<2048x1024xi32, #tpu.memory_space<vmem>>, vector<2048x256xi32>
    %shift_right_logical3A_162 = arith.constant 16 : i32
    %shift_right_logical3A_163 = vector.broadcast %shift_right_logical3A_162 : i32 to vector<2048x256xi32>
    %shift_right_logical3A_164 = arith.shrui %get3A_161, %shift_right_logical3A_163 : vector<2048x256xi32>
    %transpose3A_165 = tpu.transpose %shift_right_logical3A_164, [1, 0] : vector<2048x256xi32> -> vector<256x2048xi32>
    %add3A_166 = arith.addi %concatenate3A_158, %transpose3A_165 : vector<256x2048xi32>
    %min3A_167 = arith.constant 1 : i32
    %min3A_168 = vector.broadcast %min3A_167 : i32 to vector<256x2048xi32>
    %min3A_169 = arith.minsi %add3A_166, %min3A_168 : vector<256x2048xi32>
    %convert_element_type3A_170 = arith.sitofp %min3A_169 : vector<256x2048xi32> to vector<256x2048xf32>
    %iota3A_171 = tpu.iota {dimensions = array<i32: 0>} : vector<256x2048xi32>
    %add3A_172 = arith.constant 1024 : i32
    %add3A_173 = vector.broadcast %add3A_172 : i32 to vector<256x2048xi32>
    %add3A_174 = arith.addi %iota3A_171, %add3A_173 : vector<256x2048xi32>
    %iota3A_175 = tpu.iota {dimensions = array<i32: 1>} : vector<256x2048xi32>
    %eq3A_176 = arith.cmpi eq, %add3A_174, %iota3A_175 : vector<256x2048xi32>
    %jit3A_177 = arith.constant 0.000000e+00 : f32
    %broadcast_in_dim3A_178 = vector.broadcast %jit3A_177 : f32 to vector<256x2048xf32>
    %select_n3A_179 = arith.select %eq3A_176, %broadcast_in_dim3A_178, %convert_element_type3A_170 : vector<256x2048xi1>, vector<256x2048xf32>
    %reduce_sum3A_180 = arith.constant dense<0.000000e+00> : vector<256xf32>
    %reduce_sum3A_181 = vector.multi_reduction <add>, %select_n3A_179, %reduce_sum3A_180 [1] : vector<256x2048xf32> to vector<256xf32>
    %broadcast_in_dim3A_182 = vector.shape_cast %reduce_sum3A_181 : vector<256xf32> to vector<256x1xf32>
    %reduce_sum3A_183 = arith.constant dense<0.000000e+00> : vector<2048xf32>
    %reduce_sum3A_184 = vector.multi_reduction <add>, %select_n3A_179, %reduce_sum3A_183 [0] : vector<256x2048xf32> to vector<2048xf32>
    %broadcast_in_dim3A_185 = vector.shape_cast %reduce_sum3A_184 : vector<2048xf32> to vector<1x2048xf32>
    %add3A_186 = arith.addf %add3A_148, %broadcast_in_dim3A_185 : vector<1x2048xf32>
    %get3A_187 = arith.constant 1280 : index
    %get3A_188 = arith.constant 0 : index
    %get3A_189 = vector.load %arg0[%get3A_187, %get3A_188] : memref<2048x1024xi32, #tpu.memory_space<vmem>>, vector<256x1024xi32>
    %and3A_190 = arith.constant 65535 : i32
    %and3A_191 = vector.broadcast %and3A_190 : i32 to vector<256x1024xi32>
    %and3A_192 = arith.andi %get3A_189, %and3A_191 : vector<256x1024xi32>
    %shift_right_logical3A_193 = arith.constant 16 : i32
    %shift_right_logical3A_194 = vector.broadcast %shift_right_logical3A_193 : i32 to vector<256x1024xi32>
    %shift_right_logical3A_195 = arith.shrui %get3A_189, %shift_right_logical3A_194 : vector<256x1024xi32>
    %concatenate3A_196 = tpu.concatenate %and3A_192, %shift_right_logical3A_195 in 1 : vector<256x1024xi32>, vector<256x1024xi32> -> vector<256x2048xi32>
    %get3A_197 = arith.constant 0 : index
    %get3A_198 = arith.constant 256 : index
    %get3A_199 = vector.load %arg0[%get3A_197, %get3A_198] : memref<2048x1024xi32, #tpu.memory_space<vmem>>, vector<2048x256xi32>
    %shift_right_logical3A_200 = arith.constant 16 : i32
    %shift_right_logical3A_201 = vector.broadcast %shift_right_logical3A_200 : i32 to vector<2048x256xi32>
    %shift_right_logical3A_202 = arith.shrui %get3A_199, %shift_right_logical3A_201 : vector<2048x256xi32>
    %transpose3A_203 = tpu.transpose %shift_right_logical3A_202, [1, 0] : vector<2048x256xi32> -> vector<256x2048xi32>
    %add3A_204 = arith.addi %concatenate3A_196, %transpose3A_203 : vector<256x2048xi32>
    %min3A_205 = arith.constant 1 : i32
    %min3A_206 = vector.broadcast %min3A_205 : i32 to vector<256x2048xi32>
    %min3A_207 = arith.minsi %add3A_204, %min3A_206 : vector<256x2048xi32>
    %convert_element_type3A_208 = arith.sitofp %min3A_207 : vector<256x2048xi32> to vector<256x2048xf32>
    %iota3A_209 = tpu.iota {dimensions = array<i32: 0>} : vector<256x2048xi32>
    %add3A_210 = arith.constant 1280 : i32
    %add3A_211 = vector.broadcast %add3A_210 : i32 to vector<256x2048xi32>
    %add3A_212 = arith.addi %iota3A_209, %add3A_211 : vector<256x2048xi32>
    %iota3A_213 = tpu.iota {dimensions = array<i32: 1>} : vector<256x2048xi32>
    %eq3A_214 = arith.cmpi eq, %add3A_212, %iota3A_213 : vector<256x2048xi32>
    %jit3A_215 = arith.constant 0.000000e+00 : f32
    %broadcast_in_dim3A_216 = vector.broadcast %jit3A_215 : f32 to vector<256x2048xf32>
    %select_n3A_217 = arith.select %eq3A_214, %broadcast_in_dim3A_216, %convert_element_type3A_208 : vector<256x2048xi1>, vector<256x2048xf32>
    %reduce_sum3A_218 = arith.constant dense<0.000000e+00> : vector<256xf32>
    %reduce_sum3A_219 = vector.multi_reduction <add>, %select_n3A_217, %reduce_sum3A_218 [1] : vector<256x2048xf32> to vector<256xf32>
    %broadcast_in_dim3A_220 = vector.shape_cast %reduce_sum3A_219 : vector<256xf32> to vector<256x1xf32>
    %reduce_sum3A_221 = arith.constant dense<0.000000e+00> : vector<2048xf32>
    %reduce_sum3A_222 = vector.multi_reduction <add>, %select_n3A_217, %reduce_sum3A_221 [0] : vector<256x2048xf32> to vector<2048xf32>
    %broadcast_in_dim3A_223 = vector.shape_cast %reduce_sum3A_222 : vector<2048xf32> to vector<1x2048xf32>
    %add3A_224 = arith.addf %add3A_186, %broadcast_in_dim3A_223 : vector<1x2048xf32>
    %get3A_225 = arith.constant 1536 : index
    %get3A_226 = arith.constant 0 : index
    %get3A_227 = vector.load %arg0[%get3A_225, %get3A_226] : memref<2048x1024xi32, #tpu.memory_space<vmem>>, vector<256x1024xi32>
    %and3A_228 = arith.constant 65535 : i32
    %and3A_229 = vector.broadcast %and3A_228 : i32 to vector<256x1024xi32>
    %and3A_230 = arith.andi %get3A_227, %and3A_229 : vector<256x1024xi32>
    %shift_right_logical3A_231 = arith.constant 16 : i32
    %shift_right_logical3A_232 = vector.broadcast %shift_right_logical3A_231 : i32 to vector<256x1024xi32>
    %shift_right_logical3A_233 = arith.shrui %get3A_227, %shift_right_logical3A_232 : vector<256x1024xi32>
    %concatenate3A_234 = tpu.concatenate %and3A_230, %shift_right_logical3A_233 in 1 : vector<256x1024xi32>, vector<256x1024xi32> -> vector<256x2048xi32>
    %get3A_235 = arith.constant 0 : index
    %get3A_236 = arith.constant 512 : index
    %get3A_237 = vector.load %arg0[%get3A_235, %get3A_236] : memref<2048x1024xi32, #tpu.memory_space<vmem>>, vector<2048x256xi32>
    %shift_right_logical3A_238 = arith.constant 16 : i32
    %shift_right_logical3A_239 = vector.broadcast %shift_right_logical3A_238 : i32 to vector<2048x256xi32>
    %shift_right_logical3A_240 = arith.shrui %get3A_237, %shift_right_logical3A_239 : vector<2048x256xi32>
    %transpose3A_241 = tpu.transpose %shift_right_logical3A_240, [1, 0] : vector<2048x256xi32> -> vector<256x2048xi32>
    %add3A_242 = arith.addi %concatenate3A_234, %transpose3A_241 : vector<256x2048xi32>
    %min3A_243 = arith.constant 1 : i32
    %min3A_244 = vector.broadcast %min3A_243 : i32 to vector<256x2048xi32>
    %min3A_245 = arith.minsi %add3A_242, %min3A_244 : vector<256x2048xi32>
    %convert_element_type3A_246 = arith.sitofp %min3A_245 : vector<256x2048xi32> to vector<256x2048xf32>
    %iota3A_247 = tpu.iota {dimensions = array<i32: 0>} : vector<256x2048xi32>
    %add3A_248 = arith.constant 1536 : i32
    %add3A_249 = vector.broadcast %add3A_248 : i32 to vector<256x2048xi32>
    %add3A_250 = arith.addi %iota3A_247, %add3A_249 : vector<256x2048xi32>
    %iota3A_251 = tpu.iota {dimensions = array<i32: 1>} : vector<256x2048xi32>
    %eq3A_252 = arith.cmpi eq, %add3A_250, %iota3A_251 : vector<256x2048xi32>
    %jit3A_253 = arith.constant 0.000000e+00 : f32
    %broadcast_in_dim3A_254 = vector.broadcast %jit3A_253 : f32 to vector<256x2048xf32>
    %select_n3A_255 = arith.select %eq3A_252, %broadcast_in_dim3A_254, %convert_element_type3A_246 : vector<256x2048xi1>, vector<256x2048xf32>
    %reduce_sum3A_256 = arith.constant dense<0.000000e+00> : vector<256xf32>
    %reduce_sum3A_257 = vector.multi_reduction <add>, %select_n3A_255, %reduce_sum3A_256 [1] : vector<256x2048xf32> to vector<256xf32>
    %broadcast_in_dim3A_258 = vector.shape_cast %reduce_sum3A_257 : vector<256xf32> to vector<256x1xf32>
    %reduce_sum3A_259 = arith.constant dense<0.000000e+00> : vector<2048xf32>
    %reduce_sum3A_260 = vector.multi_reduction <add>, %select_n3A_255, %reduce_sum3A_259 [0] : vector<256x2048xf32> to vector<2048xf32>
    %broadcast_in_dim3A_261 = vector.shape_cast %reduce_sum3A_260 : vector<2048xf32> to vector<1x2048xf32>
    %add3A_262 = arith.addf %add3A_224, %broadcast_in_dim3A_261 : vector<1x2048xf32>
    %get3A_263 = arith.constant 1792 : index
    %get3A_264 = arith.constant 0 : index
    %get3A_265 = vector.load %arg0[%get3A_263, %get3A_264] : memref<2048x1024xi32, #tpu.memory_space<vmem>>, vector<256x1024xi32>
    %and3A_266 = arith.constant 65535 : i32
    %and3A_267 = vector.broadcast %and3A_266 : i32 to vector<256x1024xi32>
    %and3A_268 = arith.andi %get3A_265, %and3A_267 : vector<256x1024xi32>
    %shift_right_logical3A_269 = arith.constant 16 : i32
    %shift_right_logical3A_270 = vector.broadcast %shift_right_logical3A_269 : i32 to vector<256x1024xi32>
    %shift_right_logical3A_271 = arith.shrui %get3A_265, %shift_right_logical3A_270 : vector<256x1024xi32>
    %concatenate3A_272 = tpu.concatenate %and3A_268, %shift_right_logical3A_271 in 1 : vector<256x1024xi32>, vector<256x1024xi32> -> vector<256x2048xi32>
    %get3A_273 = arith.constant 0 : index
    %get3A_274 = arith.constant 768 : index
    %get3A_275 = vector.load %arg0[%get3A_273, %get3A_274] : memref<2048x1024xi32, #tpu.memory_space<vmem>>, vector<2048x256xi32>
    %shift_right_logical3A_276 = arith.constant 16 : i32
    %shift_right_logical3A_277 = vector.broadcast %shift_right_logical3A_276 : i32 to vector<2048x256xi32>
    %shift_right_logical3A_278 = arith.shrui %get3A_275, %shift_right_logical3A_277 : vector<2048x256xi32>
    %transpose3A_279 = tpu.transpose %shift_right_logical3A_278, [1, 0] : vector<2048x256xi32> -> vector<256x2048xi32>
    %add3A_280 = arith.addi %concatenate3A_272, %transpose3A_279 : vector<256x2048xi32>
    %min3A_281 = arith.constant 1 : i32
    %min3A_282 = vector.broadcast %min3A_281 : i32 to vector<256x2048xi32>
    %min3A_283 = arith.minsi %add3A_280, %min3A_282 : vector<256x2048xi32>
    %convert_element_type3A_284 = arith.sitofp %min3A_283 : vector<256x2048xi32> to vector<256x2048xf32>
    %iota3A_285 = tpu.iota {dimensions = array<i32: 0>} : vector<256x2048xi32>
    %add3A_286 = arith.constant 1792 : i32
    %add3A_287 = vector.broadcast %add3A_286 : i32 to vector<256x2048xi32>
    %add3A_288 = arith.addi %iota3A_285, %add3A_287 : vector<256x2048xi32>
    %iota3A_289 = tpu.iota {dimensions = array<i32: 1>} : vector<256x2048xi32>
    %eq3A_290 = arith.cmpi eq, %add3A_288, %iota3A_289 : vector<256x2048xi32>
    %jit3A_291 = arith.constant 0.000000e+00 : f32
    %broadcast_in_dim3A_292 = vector.broadcast %jit3A_291 : f32 to vector<256x2048xf32>
    %select_n3A_293 = arith.select %eq3A_290, %broadcast_in_dim3A_292, %convert_element_type3A_284 : vector<256x2048xi1>, vector<256x2048xf32>
    %reduce_sum3A_294 = arith.constant dense<0.000000e+00> : vector<256xf32>
    %reduce_sum3A_295 = vector.multi_reduction <add>, %select_n3A_293, %reduce_sum3A_294 [1] : vector<256x2048xf32> to vector<256xf32>
    %broadcast_in_dim3A_296 = vector.shape_cast %reduce_sum3A_295 : vector<256xf32> to vector<256x1xf32>
    %reduce_sum3A_297 = arith.constant dense<0.000000e+00> : vector<2048xf32>
    %reduce_sum3A_298 = vector.multi_reduction <add>, %select_n3A_293, %reduce_sum3A_297 [0] : vector<256x2048xf32> to vector<2048xf32>
    %broadcast_in_dim3A_299 = vector.shape_cast %reduce_sum3A_298 : vector<2048xf32> to vector<1x2048xf32>
    %add3A_300 = arith.addf %add3A_262, %broadcast_in_dim3A_299 : vector<1x2048xf32>
    %concatenate3A_301 = tpu.concatenate %broadcast_in_dim3A_30, %broadcast_in_dim3A_68, %broadcast_in_dim3A_106, %broadcast_in_dim3A_144, %broadcast_in_dim3A_182, %broadcast_in_dim3A_220, %broadcast_in_dim3A_258, %broadcast_in_dim3A_296 in 0 : vector<256x1xf32>, vector<256x1xf32>, vector<256x1xf32>, vector<256x1xf32>, vector<256x1xf32>, vector<256x1xf32>, vector<256x1xf32>, vector<256x1xf32> -> vector<2048x1xf32>
    %gt3A = arith.constant 0.000000e+00 : f32
    %gt3A_302 = vector.broadcast %gt3A : f32 to vector<2048x1xf32>
    %gt3A_303 = arith.cmpf ogt, %concatenate3A_301, %gt3A_302 : vector<2048x1xf32>
    %max3A = arith.constant 9.99999996E-13 : f32
    %max3A_304 = vector.broadcast %max3A : f32 to vector<2048x1xf32>
    %max3A_305 = arith.maximumf %concatenate3A_301, %max3A_304 : vector<2048x1xf32>
    %sqrt3A = math.sqrt %max3A_305 : vector<2048x1xf32>
    %div3A = arith.constant 1.000000e+00 : f32
    %div3A_306 = vector.broadcast %div3A : f32 to vector<2048x1xf32>
    %div3A_307 = arith.divf %div3A_306, %sqrt3A : vector<2048x1xf32>
    %jit3A_308 = arith.constant 0.000000e+00 : f32
    %broadcast_in_dim3A_309 = vector.broadcast %jit3A_308 : f32 to vector<2048x1xf32>
    %select_n3A_310 = arith.select %gt3A_303, %div3A_307, %broadcast_in_dim3A_309 : vector<2048x1xi1>, vector<2048x1xf32>
    %gt3A_311 = arith.constant 0.000000e+00 : f32
    %gt3A_312 = vector.broadcast %gt3A_311 : f32 to vector<1x2048xf32>
    %gt3A_313 = arith.cmpf ogt, %add3A_300, %gt3A_312 : vector<1x2048xf32>
    %max3A_314 = arith.constant 9.99999996E-13 : f32
    %max3A_315 = vector.broadcast %max3A_314 : f32 to vector<1x2048xf32>
    %max3A_316 = arith.maximumf %add3A_300, %max3A_315 : vector<1x2048xf32>
    %sqrt3A_317 = math.sqrt %max3A_316 : vector<1x2048xf32>
    %div3A_318 = arith.constant 1.000000e+00 : f32
    %div3A_319 = vector.broadcast %div3A_318 : f32 to vector<1x2048xf32>
    %div3A_320 = arith.divf %div3A_319, %sqrt3A_317 : vector<1x2048xf32>
    %jit3A_321 = arith.constant 0.000000e+00 : f32
    %broadcast_in_dim3A_322 = vector.broadcast %jit3A_321 : f32 to vector<1x2048xf32>
    %select_n3A_323 = arith.select %gt3A_313, %div3A_320, %broadcast_in_dim3A_322 : vector<1x2048xi1>, vector<1x2048xf32>
    %get3A_324 = arith.constant 0 : index
    %get3A_325 = arith.constant 0 : index
    %get3A_326 = vector.load %arg0[%get3A_324, %get3A_325] : memref<2048x1024xi32, #tpu.memory_space<vmem>>, vector<256x1024xi32>
    %and3A_327 = arith.constant 65535 : i32
    %and3A_328 = vector.broadcast %and3A_327 : i32 to vector<256x1024xi32>
    %and3A_329 = arith.andi %get3A_326, %and3A_328 : vector<256x1024xi32>
    %shift_right_logical3A_330 = arith.constant 16 : i32
    %shift_right_logical3A_331 = vector.broadcast %shift_right_logical3A_330 : i32 to vector<256x1024xi32>
    %shift_right_logical3A_332 = arith.shrui %get3A_326, %shift_right_logical3A_331 : vector<256x1024xi32>
    %concatenate3A_333 = tpu.concatenate %and3A_329, %shift_right_logical3A_332 in 1 : vector<256x1024xi32>, vector<256x1024xi32> -> vector<256x2048xi32>
    %get3A_334 = arith.constant 0 : index
    %get3A_335 = arith.constant 0 : index
    %get3A_336 = vector.load %arg0[%get3A_334, %get3A_335] : memref<2048x1024xi32, #tpu.memory_space<vmem>>, vector<2048x256xi32>
    %and3A_337 = arith.constant 65535 : i32
    %and3A_338 = vector.broadcast %and3A_337 : i32 to vector<2048x256xi32>
    %and3A_339 = arith.andi %get3A_336, %and3A_338 : vector<2048x256xi32>
    %transpose3A_340 = tpu.transpose %and3A_339, [1, 0] : vector<2048x256xi32> -> vector<256x2048xi32>
    %add3A_341 = arith.addi %concatenate3A_333, %transpose3A_340 : vector<256x2048xi32>
    %min3A_342 = arith.constant 1 : i32
    %min3A_343 = vector.broadcast %min3A_342 : i32 to vector<256x2048xi32>
    %min3A_344 = arith.minsi %add3A_341, %min3A_343 : vector<256x2048xi32>
    %convert_element_type3A_345 = arith.sitofp %min3A_344 : vector<256x2048xi32> to vector<256x2048xf32>
    %iota3A_346 = tpu.iota {dimensions = array<i32: 0>} : vector<256x2048xi32>
    %add3A_347 = arith.constant 0 : i32
    %add3A_348 = vector.broadcast %add3A_347 : i32 to vector<256x2048xi32>
    %add3A_349 = arith.addi %iota3A_346, %add3A_348 : vector<256x2048xi32>
    %iota3A_350 = tpu.iota {dimensions = array<i32: 1>} : vector<256x2048xi32>
    %eq3A_351 = arith.cmpi eq, %add3A_349, %iota3A_350 : vector<256x2048xi32>
    %jit3A_352 = arith.constant 0.000000e+00 : f32
    %broadcast_in_dim3A_353 = vector.broadcast %jit3A_352 : f32 to vector<256x2048xf32>
    %select_n3A_354 = arith.select %eq3A_351, %broadcast_in_dim3A_353, %convert_element_type3A_345 : vector<256x2048xi1>, vector<256x2048xf32>
    %slice3A = vector.extract_strided_slice %select_n3A_310 {offsets = [0, 0], sizes = [256, 1], strides = [1, 1]} : vector<2048x1xf32> to vector<256x1xf32>
    %mul3A = vector.broadcast %slice3A : vector<256x1xf32> to vector<256x2048xf32>
    %mul3A_355 = arith.mulf %mul3A, %select_n3A_354 : vector<256x2048xf32>
    %mul3A_356 = vector.broadcast %select_n3A_323 : vector<1x2048xf32> to vector<256x2048xf32>
    %mul3A_357 = arith.mulf %mul3A_355, %mul3A_356 : vector<256x2048xf32>
    %neg3A = arith.constant 0.000000e+00 : f32
    %neg3A_358 = vector.broadcast %neg3A : f32 to vector<256x2048xf32>
    %neg3A_359 = arith.subf %neg3A_358, %mul3A_357 : vector<256x2048xf32>
    %convert_element_type3A_360 = arith.truncf %neg3A_359 : vector<256x2048xf32> to vector<256x2048xbf16>
    %swap3A_361 = arith.constant 0 : index
    %swap3A_362 = arith.constant 0 : index
    %swap3A_363 = vector.load %arg11[%swap3A_361, %swap3A_362] : memref<2048x2048xbf16, #tpu.memory_space<vmem>>, vector<256x2048xbf16>
    tpu.vector_store %arg11[%swap3A_361, %swap3A_362], %convert_element_type3A_360 {strides = array<i32>} : memref<2048x2048xbf16, #tpu.memory_space<vmem>>, vector<256x2048xbf16>,
    %get3A_364 = arith.constant 256 : index
    %get3A_365 = arith.constant 0 : index
    %get3A_366 = vector.load %arg0[%get3A_364, %get3A_365] : memref<2048x1024xi32, #tpu.memory_space<vmem>>, vector<256x1024xi32>
    %and3A_367 = arith.constant 65535 : i32
    %and3A_368 = vector.broadcast %and3A_367 : i32 to vector<256x1024xi32>
    %and3A_369 = arith.andi %get3A_366, %and3A_368 : vector<256x1024xi32>
    %shift_right_logical3A_370 = arith.constant 16 : i32
    %shift_right_logical3A_371 = vector.broadcast %shift_right_logical3A_370 : i32 to vector<256x1024xi32>
    %shift_right_logical3A_372 = arith.shrui %get3A_366, %shift_right_logical3A_371 : vector<256x1024xi32>
    %concatenate3A_373 = tpu.concatenate %and3A_369, %shift_right_logical3A_372 in 1 : vector<256x1024xi32>, vector<256x1024xi32> -> vector<256x2048xi32>
    %get3A_374 = arith.constant 0 : index
    %get3A_375 = arith.constant 256 : index
    %get3A_376 = vector.load %arg0[%get3A_374, %get3A_375] : memref<2048x1024xi32, #tpu.memory_space<vmem>>, vector<2048x256xi32>
    %and3A_377 = arith.constant 65535 : i32
    %and3A_378 = vector.broadcast %and3A_377 : i32 to vector<2048x256xi32>
    %and3A_379 = arith.andi %get3A_376, %and3A_378 : vector<2048x256xi32>
    %transpose3A_380 = tpu.transpose %and3A_379, [1, 0] : vector<2048x256xi32> -> vector<256x2048xi32>
    %add3A_381 = arith.addi %concatenate3A_373, %transpose3A_380 : vector<256x2048xi32>
    %min3A_382 = arith.constant 1 : i32
    %min3A_383 = vector.broadcast %min3A_382 : i32 to vector<256x2048xi32>
    %min3A_384 = arith.minsi %add3A_381, %min3A_383 : vector<256x2048xi32>
    %convert_element_type3A_385 = arith.sitofp %min3A_384 : vector<256x2048xi32> to vector<256x2048xf32>
    %iota3A_386 = tpu.iota {dimensions = array<i32: 0>} : vector<256x2048xi32>
    %add3A_387 = arith.constant 256 : i32
    %add3A_388 = vector.broadcast %add3A_387 : i32 to vector<256x2048xi32>
    %add3A_389 = arith.addi %iota3A_386, %add3A_388 : vector<256x2048xi32>
    %iota3A_390 = tpu.iota {dimensions = array<i32: 1>} : vector<256x2048xi32>
    %eq3A_391 = arith.cmpi eq, %add3A_389, %iota3A_390 : vector<256x2048xi32>
    %jit3A_392 = arith.constant 0.000000e+00 : f32
    %broadcast_in_dim3A_393 = vector.broadcast %jit3A_392 : f32 to vector<256x2048xf32>
    %select_n3A_394 = arith.select %eq3A_391, %broadcast_in_dim3A_393, %convert_element_type3A_385 : vector<256x2048xi1>, vector<256x2048xf32>
    %slice3A_395 = vector.extract_strided_slice %select_n3A_310 {offsets = [256, 0], sizes = [256, 1], strides = [1, 1]} : vector<2048x1xf32> to vector<256x1xf32>
    %mul3A_396 = vector.broadcast %slice3A_395 : vector<256x1xf32> to vector<256x2048xf32>
    %mul3A_397 = arith.mulf %mul3A_396, %select_n3A_394 : vector<256x2048xf32>
    %mul3A_398 = vector.broadcast %select_n3A_323 : vector<1x2048xf32> to vector<256x2048xf32>
    %mul3A_399 = arith.mulf %mul3A_397, %mul3A_398 : vector<256x2048xf32>
    %neg3A_400 = arith.constant 0.000000e+00 : f32
    %neg3A_401 = vector.broadcast %neg3A_400 : f32 to vector<256x2048xf32>
    %neg3A_402 = arith.subf %neg3A_401, %mul3A_399 : vector<256x2048xf32>
    %convert_element_type3A_403 = arith.truncf %neg3A_402 : vector<256x2048xf32> to vector<256x2048xbf16>
    %swap3A_404 = arith.constant 256 : index
    %swap3A_405 = arith.constant 0 : index
    %swap3A_406 = vector.load %arg11[%swap3A_404, %swap3A_405] : memref<2048x2048xbf16, #tpu.memory_space<vmem>>, vector<256x2048xbf16>
    tpu.vector_store %arg11[%swap3A_404, %swap3A_405], %convert_element_type3A_403 {strides = array<i32>} : memref<2048x2048xbf16, #tpu.memory_space<vmem>>, vector<256x2048xbf16>,
    %get3A_407 = arith.constant 512 : index
    %get3A_408 = arith.constant 0 : index
    %get3A_409 = vector.load %arg0[%get3A_407, %get3A_408] : memref<2048x1024xi32, #tpu.memory_space<vmem>>, vector<256x1024xi32>
    %and3A_410 = arith.constant 65535 : i32
    %and3A_411 = vector.broadcast %and3A_410 : i32 to vector<256x1024xi32>
    %and3A_412 = arith.andi %get3A_409, %and3A_411 : vector<256x1024xi32>
    %shift_right_logical3A_413 = arith.constant 16 : i32
    %shift_right_logical3A_414 = vector.broadcast %shift_right_logical3A_413 : i32 to vector<256x1024xi32>
    %shift_right_logical3A_415 = arith.shrui %get3A_409, %shift_right_logical3A_414 : vector<256x1024xi32>
    %concatenate3A_416 = tpu.concatenate %and3A_412, %shift_right_logical3A_415 in 1 : vector<256x1024xi32>, vector<256x1024xi32> -> vector<256x2048xi32>
    %get3A_417 = arith.constant 0 : index
    %get3A_418 = arith.constant 512 : index
    %get3A_419 = vector.load %arg0[%get3A_417, %get3A_418] : memref<2048x1024xi32, #tpu.memory_space<vmem>>, vector<2048x256xi32>
    %and3A_420 = arith.constant 65535 : i32
    %and3A_421 = vector.broadcast %and3A_420 : i32 to vector<2048x256xi32>
    %and3A_422 = arith.andi %get3A_419, %and3A_421 : vector<2048x256xi32>
    %transpose3A_423 = tpu.transpose %and3A_422, [1, 0] : vector<2048x256xi32> -> vector<256x2048xi32>
    %add3A_424 = arith.addi %concatenate3A_416, %transpose3A_423 : vector<256x2048xi32>
    %min3A_425 = arith.constant 1 : i32
    %min3A_426 = vector.broadcast %min3A_425 : i32 to vector<256x2048xi32>
    %min3A_427 = arith.minsi %add3A_424, %min3A_426 : vector<256x2048xi32>
    %convert_element_type3A_428 = arith.sitofp %min3A_427 : vector<256x2048xi32> to vector<256x2048xf32>
    %iota3A_429 = tpu.iota {dimensions = array<i32: 0>} : vector<256x2048xi32>
    %add3A_430 = arith.constant 512 : i32
    %add3A_431 = vector.broadcast %add3A_430 : i32 to vector<256x2048xi32>
    %add3A_432 = arith.addi %iota3A_429, %add3A_431 : vector<256x2048xi32>
    %iota3A_433 = tpu.iota {dimensions = array<i32: 1>} : vector<256x2048xi32>
    %eq3A_434 = arith.cmpi eq, %add3A_432, %iota3A_433 : vector<256x2048xi32>
    %jit3A_435 = arith.constant 0.000000e+00 : f32
    %broadcast_in_dim3A_436 = vector.broadcast %jit3A_435 : f32 to vector<256x2048xf32>
    %select_n3A_437 = arith.select %eq3A_434, %broadcast_in_dim3A_436, %convert_element_type3A_428 : vector<256x2048xi1>, vector<256x2048xf32>
    %slice3A_438 = vector.extract_strided_slice %select_n3A_310 {offsets = [512, 0], sizes = [256, 1], strides = [1, 1]} : vector<2048x1xf32> to vector<256x1xf32>
    %mul3A_439 = vector.broadcast %slice3A_438 : vector<256x1xf32> to vector<256x2048xf32>
    %mul3A_440 = arith.mulf %mul3A_439, %select_n3A_437 : vector<256x2048xf32>
    %mul3A_441 = vector.broadcast %select_n3A_323 : vector<1x2048xf32> to vector<256x2048xf32>
    %mul3A_442 = arith.mulf %mul3A_440, %mul3A_441 : vector<256x2048xf32>
    %neg3A_443 = arith.constant 0.000000e+00 : f32
    %neg3A_444 = vector.broadcast %neg3A_443 : f32 to vector<256x2048xf32>
    %neg3A_445 = arith.subf %neg3A_444, %mul3A_442 : vector<256x2048xf32>
    %convert_element_type3A_446 = arith.truncf %neg3A_445 : vector<256x2048xf32> to vector<256x2048xbf16>
    %swap3A_447 = arith.constant 512 : index
    %swap3A_448 = arith.constant 0 : index
    %swap3A_449 = vector.load %arg11[%swap3A_447, %swap3A_448] : memref<2048x2048xbf16, #tpu.memory_space<vmem>>, vector<256x2048xbf16>
    tpu.vector_store %arg11[%swap3A_447, %swap3A_448], %convert_element_type3A_446 {strides = array<i32>} : memref<2048x2048xbf16, #tpu.memory_space<vmem>>, vector<256x2048xbf16>,
    %get3A_450 = arith.constant 768 : index
    %get3A_451 = arith.constant 0 : index
    %get3A_452 = vector.load %arg0[%get3A_450, %get3A_451] : memref<2048x1024xi32, #tpu.memory_space<vmem>>, vector<256x1024xi32>
    %and3A_453 = arith.constant 65535 : i32
    %and3A_454 = vector.broadcast %and3A_453 : i32 to vector<256x1024xi32>
    %and3A_455 = arith.andi %get3A_452, %and3A_454 : vector<256x1024xi32>
    %shift_right_logical3A_456 = arith.constant 16 : i32
    %shift_right_logical3A_457 = vector.broadcast %shift_right_logical3A_456 : i32 to vector<256x1024xi32>
    %shift_right_logical3A_458 = arith.shrui %get3A_452, %shift_right_logical3A_457 : vector<256x1024xi32>
    %concatenate3A_459 = tpu.concatenate %and3A_455, %shift_right_logical3A_458 in 1 : vector<256x1024xi32>, vector<256x1024xi32> -> vector<256x2048xi32>
    %get3A_460 = arith.constant 0 : index
    %get3A_461 = arith.constant 768 : index
    %get3A_462 = vector.load %arg0[%get3A_460, %get3A_461] : memref<2048x1024xi32, #tpu.memory_space<vmem>>, vector<2048x256xi32>
    %and3A_463 = arith.constant 65535 : i32
    %and3A_464 = vector.broadcast %and3A_463 : i32 to vector<2048x256xi32>
    %and3A_465 = arith.andi %get3A_462, %and3A_464 : vector<2048x256xi32>
    %transpose3A_466 = tpu.transpose %and3A_465, [1, 0] : vector<2048x256xi32> -> vector<256x2048xi32>
    %add3A_467 = arith.addi %concatenate3A_459, %transpose3A_466 : vector<256x2048xi32>
    %min3A_468 = arith.constant 1 : i32
    %min3A_469 = vector.broadcast %min3A_468 : i32 to vector<256x2048xi32>
    %min3A_470 = arith.minsi %add3A_467, %min3A_469 : vector<256x2048xi32>
    %convert_element_type3A_471 = arith.sitofp %min3A_470 : vector<256x2048xi32> to vector<256x2048xf32>
    %iota3A_472 = tpu.iota {dimensions = array<i32: 0>} : vector<256x2048xi32>
    %add3A_473 = arith.constant 768 : i32
    %add3A_474 = vector.broadcast %add3A_473 : i32 to vector<256x2048xi32>
    %add3A_475 = arith.addi %iota3A_472, %add3A_474 : vector<256x2048xi32>
    %iota3A_476 = tpu.iota {dimensions = array<i32: 1>} : vector<256x2048xi32>
    %eq3A_477 = arith.cmpi eq, %add3A_475, %iota3A_476 : vector<256x2048xi32>
    %jit3A_478 = arith.constant 0.000000e+00 : f32
    %broadcast_in_dim3A_479 = vector.broadcast %jit3A_478 : f32 to vector<256x2048xf32>
    %select_n3A_480 = arith.select %eq3A_477, %broadcast_in_dim3A_479, %convert_element_type3A_471 : vector<256x2048xi1>, vector<256x2048xf32>
    %slice3A_481 = vector.extract_strided_slice %select_n3A_310 {offsets = [768, 0], sizes = [256, 1], strides = [1, 1]} : vector<2048x1xf32> to vector<256x1xf32>
    %mul3A_482 = vector.broadcast %slice3A_481 : vector<256x1xf32> to vector<256x2048xf32>
    %mul3A_483 = arith.mulf %mul3A_482, %select_n3A_480 : vector<256x2048xf32>
    %mul3A_484 = vector.broadcast %select_n3A_323 : vector<1x2048xf32> to vector<256x2048xf32>
    %mul3A_485 = arith.mulf %mul3A_483, %mul3A_484 : vector<256x2048xf32>
    %neg3A_486 = arith.constant 0.000000e+00 : f32
    %neg3A_487 = vector.broadcast %neg3A_486 : f32 to vector<256x2048xf32>
    %neg3A_488 = arith.subf %neg3A_487, %mul3A_485 : vector<256x2048xf32>
    %convert_element_type3A_489 = arith.truncf %neg3A_488 : vector<256x2048xf32> to vector<256x2048xbf16>
    %swap3A_490 = arith.constant 768 : index
    %swap3A_491 = arith.constant 0 : index
    %swap3A_492 = vector.load %arg11[%swap3A_490, %swap3A_491] : memref<2048x2048xbf16, #tpu.memory_space<vmem>>, vector<256x2048xbf16>
    tpu.vector_store %arg11[%swap3A_490, %swap3A_491], %convert_element_type3A_489 {strides = array<i32>} : memref<2048x2048xbf16, #tpu.memory_space<vmem>>, vector<256x2048xbf16>,
    %get3A_493 = arith.constant 1024 : index
    %get3A_494 = arith.constant 0 : index
    %get3A_495 = vector.load %arg0[%get3A_493, %get3A_494] : memref<2048x1024xi32, #tpu.memory_space<vmem>>, vector<256x1024xi32>
    %and3A_496 = arith.constant 65535 : i32
    %and3A_497 = vector.broadcast %and3A_496 : i32 to vector<256x1024xi32>
    %and3A_498 = arith.andi %get3A_495, %and3A_497 : vector<256x1024xi32>
    %shift_right_logical3A_499 = arith.constant 16 : i32
    %shift_right_logical3A_500 = vector.broadcast %shift_right_logical3A_499 : i32 to vector<256x1024xi32>
    %shift_right_logical3A_501 = arith.shrui %get3A_495, %shift_right_logical3A_500 : vector<256x1024xi32>
    %concatenate3A_502 = tpu.concatenate %and3A_498, %shift_right_logical3A_501 in 1 : vector<256x1024xi32>, vector<256x1024xi32> -> vector<256x2048xi32>
    %get3A_503 = arith.constant 0 : index
    %get3A_504 = arith.constant 0 : index
    %get3A_505 = vector.load %arg0[%get3A_503, %get3A_504] : memref<2048x1024xi32, #tpu.memory_space<vmem>>, vector<2048x256xi32>
    %shift_right_logical3A_506 = arith.constant 16 : i32
    %shift_right_logical3A_507 = vector.broadcast %shift_right_logical3A_506 : i32 to vector<2048x256xi32>
    %shift_right_logical3A_508 = arith.shrui %get3A_505, %shift_right_logical3A_507 : vector<2048x256xi32>
    %transpose3A_509 = tpu.transpose %shift_right_logical3A_508, [1, 0] : vector<2048x256xi32> -> vector<256x2048xi32>
    %add3A_510 = arith.addi %concatenate3A_502, %transpose3A_509 : vector<256x2048xi32>
    %min3A_511 = arith.constant 1 : i32
    %min3A_512 = vector.broadcast %min3A_511 : i32 to vector<256x2048xi32>
    %min3A_513 = arith.minsi %add3A_510, %min3A_512 : vector<256x2048xi32>
    %convert_element_type3A_514 = arith.sitofp %min3A_513 : vector<256x2048xi32> to vector<256x2048xf32>
    %iota3A_515 = tpu.iota {dimensions = array<i32: 0>} : vector<256x2048xi32>
    %add3A_516 = arith.constant 1024 : i32
    %add3A_517 = vector.broadcast %add3A_516 : i32 to vector<256x2048xi32>
    %add3A_518 = arith.addi %iota3A_515, %add3A_517 : vector<256x2048xi32>
    %iota3A_519 = tpu.iota {dimensions = array<i32: 1>} : vector<256x2048xi32>
    %eq3A_520 = arith.cmpi eq, %add3A_518, %iota3A_519 : vector<256x2048xi32>
    %jit3A_521 = arith.constant 0.000000e+00 : f32
    %broadcast_in_dim3A_522 = vector.broadcast %jit3A_521 : f32 to vector<256x2048xf32>
    %select_n3A_523 = arith.select %eq3A_520, %broadcast_in_dim3A_522, %convert_element_type3A_514 : vector<256x2048xi1>, vector<256x2048xf32>
    %slice3A_524 = vector.extract_strided_slice %select_n3A_310 {offsets = [1024, 0], sizes = [256, 1], strides = [1, 1]} : vector<2048x1xf32> to vector<256x1xf32>
    %mul3A_525 = vector.broadcast %slice3A_524 : vector<256x1xf32> to vector<256x2048xf32>
    %mul3A_526 = arith.mulf %mul3A_525, %select_n3A_523 : vector<256x2048xf32>
    %mul3A_527 = vector.broadcast %select_n3A_323 : vector<1x2048xf32> to vector<256x2048xf32>
    %mul3A_528 = arith.mulf %mul3A_526, %mul3A_527 : vector<256x2048xf32>
    %neg3A_529 = arith.constant 0.000000e+00 : f32
    %neg3A_530 = vector.broadcast %neg3A_529 : f32 to vector<256x2048xf32>
    %neg3A_531 = arith.subf %neg3A_530, %mul3A_528 : vector<256x2048xf32>
    %convert_element_type3A_532 = arith.truncf %neg3A_531 : vector<256x2048xf32> to vector<256x2048xbf16>
    %swap3A_533 = arith.constant 1024 : index
    %swap3A_534 = arith.constant 0 : index
    %swap3A_535 = vector.load %arg11[%swap3A_533, %swap3A_534] : memref<2048x2048xbf16, #tpu.memory_space<vmem>>, vector<256x2048xbf16>
    tpu.vector_store %arg11[%swap3A_533, %swap3A_534], %convert_element_type3A_532 {strides = array<i32>} : memref<2048x2048xbf16, #tpu.memory_space<vmem>>, vector<256x2048xbf16>,
    %get3A_536 = arith.constant 1280 : index
    %get3A_537 = arith.constant 0 : index
    %get3A_538 = vector.load %arg0[%get3A_536, %get3A_537] : memref<2048x1024xi32, #tpu.memory_space<vmem>>, vector<256x1024xi32>
    %and3A_539 = arith.constant 65535 : i32
    %and3A_540 = vector.broadcast %and3A_539 : i32 to vector<256x1024xi32>
    %and3A_541 = arith.andi %get3A_538, %and3A_540 : vector<256x1024xi32>
    %shift_right_logical3A_542 = arith.constant 16 : i32
    %shift_right_logical3A_543 = vector.broadcast %shift_right_logical3A_542 : i32 to vector<256x1024xi32>
    %shift_right_logical3A_544 = arith.shrui %get3A_538, %shift_right_logical3A_543 : vector<256x1024xi32>
    %concatenate3A_545 = tpu.concatenate %and3A_541, %shift_right_logical3A_544 in 1 : vector<256x1024xi32>, vector<256x1024xi32> -> vector<256x2048xi32>
    %get3A_546 = arith.constant 0 : index
    %get3A_547 = arith.constant 256 : index
    %get3A_548 = vector.load %arg0[%get3A_546, %get3A_547] : memref<2048x1024xi32, #tpu.memory_space<vmem>>, vector<2048x256xi32>
    %shift_right_logical3A_549 = arith.constant 16 : i32
    %shift_right_logical3A_550 = vector.broadcast %shift_right_logical3A_549 : i32 to vector<2048x256xi32>
    %shift_right_logical3A_551 = arith.shrui %get3A_548, %shift_right_logical3A_550 : vector<2048x256xi32>
    %transpose3A_552 = tpu.transpose %shift_right_logical3A_551, [1, 0] : vector<2048x256xi32> -> vector<256x2048xi32>
    %add3A_553 = arith.addi %concatenate3A_545, %transpose3A_552 : vector<256x2048xi32>
    %min3A_554 = arith.constant 1 : i32
    %min3A_555 = vector.broadcast %min3A_554 : i32 to vector<256x2048xi32>
    %min3A_556 = arith.minsi %add3A_553, %min3A_555 : vector<256x2048xi32>
    %convert_element_type3A_557 = arith.sitofp %min3A_556 : vector<256x2048xi32> to vector<256x2048xf32>
    %iota3A_558 = tpu.iota {dimensions = array<i32: 0>} : vector<256x2048xi32>
    %add3A_559 = arith.constant 1280 : i32
    %add3A_560 = vector.broadcast %add3A_559 : i32 to vector<256x2048xi32>
    %add3A_561 = arith.addi %iota3A_558, %add3A_560 : vector<256x2048xi32>
    %iota3A_562 = tpu.iota {dimensions = array<i32: 1>} : vector<256x2048xi32>
    %eq3A_563 = arith.cmpi eq, %add3A_561, %iota3A_562 : vector<256x2048xi32>
    %jit3A_564 = arith.constant 0.000000e+00 : f32
    %broadcast_in_dim3A_565 = vector.broadcast %jit3A_564 : f32 to vector<256x2048xf32>
    %select_n3A_566 = arith.select %eq3A_563, %broadcast_in_dim3A_565, %convert_element_type3A_557 : vector<256x2048xi1>, vector<256x2048xf32>
    %slice3A_567 = vector.extract_strided_slice %select_n3A_310 {offsets = [1280, 0], sizes = [256, 1], strides = [1, 1]} : vector<2048x1xf32> to vector<256x1xf32>
    %mul3A_568 = vector.broadcast %slice3A_567 : vector<256x1xf32> to vector<256x2048xf32>
    %mul3A_569 = arith.mulf %mul3A_568, %select_n3A_566 : vector<256x2048xf32>
    %mul3A_570 = vector.broadcast %select_n3A_323 : vector<1x2048xf32> to vector<256x2048xf32>
    %mul3A_571 = arith.mulf %mul3A_569, %mul3A_570 : vector<256x2048xf32>
    %neg3A_572 = arith.constant 0.000000e+00 : f32
    %neg3A_573 = vector.broadcast %neg3A_572 : f32 to vector<256x2048xf32>
    %neg3A_574 = arith.subf %neg3A_573, %mul3A_571 : vector<256x2048xf32>
    %convert_element_type3A_575 = arith.truncf %neg3A_574 : vector<256x2048xf32> to vector<256x2048xbf16>
    %swap3A_576 = arith.constant 1280 : index
    %swap3A_577 = arith.constant 0 : index
    %swap3A_578 = vector.load %arg11[%swap3A_576, %swap3A_577] : memref<2048x2048xbf16, #tpu.memory_space<vmem>>, vector<256x2048xbf16>
    tpu.vector_store %arg11[%swap3A_576, %swap3A_577], %convert_element_type3A_575 {strides = array<i32>} : memref<2048x2048xbf16, #tpu.memory_space<vmem>>, vector<256x2048xbf16>,
    %get3A_579 = arith.constant 1536 : index
    %get3A_580 = arith.constant 0 : index
    %get3A_581 = vector.load %arg0[%get3A_579, %get3A_580] : memref<2048x1024xi32, #tpu.memory_space<vmem>>, vector<256x1024xi32>
    %and3A_582 = arith.constant 65535 : i32
    %and3A_583 = vector.broadcast %and3A_582 : i32 to vector<256x1024xi32>
    %and3A_584 = arith.andi %get3A_581, %and3A_583 : vector<256x1024xi32>
    %shift_right_logical3A_585 = arith.constant 16 : i32
    %shift_right_logical3A_586 = vector.broadcast %shift_right_logical3A_585 : i32 to vector<256x1024xi32>
    %shift_right_logical3A_587 = arith.shrui %get3A_581, %shift_right_logical3A_586 : vector<256x1024xi32>
    %concatenate3A_588 = tpu.concatenate %and3A_584, %shift_right_logical3A_587 in 1 : vector<256x1024xi32>, vector<256x1024xi32> -> vector<256x2048xi32>
    %get3A_589 = arith.constant 0 : index
    %get3A_590 = arith.constant 512 : index
    %get3A_591 = vector.load %arg0[%get3A_589, %get3A_590] : memref<2048x1024xi32, #tpu.memory_space<vmem>>, vector<2048x256xi32>
    %shift_right_logical3A_592 = arith.constant 16 : i32
    %shift_right_logical3A_593 = vector.broadcast %shift_right_logical3A_592 : i32 to vector<2048x256xi32>
    %shift_right_logical3A_594 = arith.shrui %get3A_591, %shift_right_logical3A_593 : vector<2048x256xi32>
    %transpose3A_595 = tpu.transpose %shift_right_logical3A_594, [1, 0] : vector<2048x256xi32> -> vector<256x2048xi32>
    %add3A_596 = arith.addi %concatenate3A_588, %transpose3A_595 : vector<256x2048xi32>
    %min3A_597 = arith.constant 1 : i32
    %min3A_598 = vector.broadcast %min3A_597 : i32 to vector<256x2048xi32>
    %min3A_599 = arith.minsi %add3A_596, %min3A_598 : vector<256x2048xi32>
    %convert_element_type3A_600 = arith.sitofp %min3A_599 : vector<256x2048xi32> to vector<256x2048xf32>
    %iota3A_601 = tpu.iota {dimensions = array<i32: 0>} : vector<256x2048xi32>
    %add3A_602 = arith.constant 1536 : i32
    %add3A_603 = vector.broadcast %add3A_602 : i32 to vector<256x2048xi32>
    %add3A_604 = arith.addi %iota3A_601, %add3A_603 : vector<256x2048xi32>
    %iota3A_605 = tpu.iota {dimensions = array<i32: 1>} : vector<256x2048xi32>
    %eq3A_606 = arith.cmpi eq, %add3A_604, %iota3A_605 : vector<256x2048xi32>
    %jit3A_607 = arith.constant 0.000000e+00 : f32
    %broadcast_in_dim3A_608 = vector.broadcast %jit3A_607 : f32 to vector<256x2048xf32>
    %select_n3A_609 = arith.select %eq3A_606, %broadcast_in_dim3A_608, %convert_element_type3A_600 : vector<256x2048xi1>, vector<256x2048xf32>
    %slice3A_610 = vector.extract_strided_slice %select_n3A_310 {offsets = [1536, 0], sizes = [256, 1], strides = [1, 1]} : vector<2048x1xf32> to vector<256x1xf32>
    %mul3A_611 = vector.broadcast %slice3A_610 : vector<256x1xf32> to vector<256x2048xf32>
    %mul3A_612 = arith.mulf %mul3A_611, %select_n3A_609 : vector<256x2048xf32>
    %mul3A_613 = vector.broadcast %select_n3A_323 : vector<1x2048xf32> to vector<256x2048xf32>
    %mul3A_614 = arith.mulf %mul3A_612, %mul3A_613 : vector<256x2048xf32>
    %neg3A_615 = arith.constant 0.000000e+00 : f32
    %neg3A_616 = vector.broadcast %neg3A_615 : f32 to vector<256x2048xf32>
    %neg3A_617 = arith.subf %neg3A_616, %mul3A_614 : vector<256x2048xf32>
    %convert_element_type3A_618 = arith.truncf %neg3A_617 : vector<256x2048xf32> to vector<256x2048xbf16>
    %swap3A_619 = arith.constant 1536 : index
    %swap3A_620 = arith.constant 0 : index
    %swap3A_621 = vector.load %arg11[%swap3A_619, %swap3A_620] : memref<2048x2048xbf16, #tpu.memory_space<vmem>>, vector<256x2048xbf16>
    tpu.vector_store %arg11[%swap3A_619, %swap3A_620], %convert_element_type3A_618 {strides = array<i32>} : memref<2048x2048xbf16, #tpu.memory_space<vmem>>, vector<256x2048xbf16>,
    %get3A_622 = arith.constant 1792 : index
    %get3A_623 = arith.constant 0 : index
    %get3A_624 = vector.load %arg0[%get3A_622, %get3A_623] : memref<2048x1024xi32, #tpu.memory_space<vmem>>, vector<256x1024xi32>
    %and3A_625 = arith.constant 65535 : i32
    %and3A_626 = vector.broadcast %and3A_625 : i32 to vector<256x1024xi32>
    %and3A_627 = arith.andi %get3A_624, %and3A_626 : vector<256x1024xi32>
    %shift_right_logical3A_628 = arith.constant 16 : i32
    %shift_right_logical3A_629 = vector.broadcast %shift_right_logical3A_628 : i32 to vector<256x1024xi32>
    %shift_right_logical3A_630 = arith.shrui %get3A_624, %shift_right_logical3A_629 : vector<256x1024xi32>
    %concatenate3A_631 = tpu.concatenate %and3A_627, %shift_right_logical3A_630 in 1 : vector<256x1024xi32>, vector<256x1024xi32> -> vector<256x2048xi32>
    %get3A_632 = arith.constant 0 : index
    %get3A_633 = arith.constant 768 : index
    %get3A_634 = vector.load %arg0[%get3A_632, %get3A_633] : memref<2048x1024xi32, #tpu.memory_space<vmem>>, vector<2048x256xi32>
    %shift_right_logical3A_635 = arith.constant 16 : i32
    %shift_right_logical3A_636 = vector.broadcast %shift_right_logical3A_635 : i32 to vector<2048x256xi32>
    %shift_right_logical3A_637 = arith.shrui %get3A_634, %shift_right_logical3A_636 : vector<2048x256xi32>
    %transpose3A_638 = tpu.transpose %shift_right_logical3A_637, [1, 0] : vector<2048x256xi32> -> vector<256x2048xi32>
    %add3A_639 = arith.addi %concatenate3A_631, %transpose3A_638 : vector<256x2048xi32>
    %min3A_640 = arith.constant 1 : i32
    %min3A_641 = vector.broadcast %min3A_640 : i32 to vector<256x2048xi32>
    %min3A_642 = arith.minsi %add3A_639, %min3A_641 : vector<256x2048xi32>
    %convert_element_type3A_643 = arith.sitofp %min3A_642 : vector<256x2048xi32> to vector<256x2048xf32>
    %iota3A_644 = tpu.iota {dimensions = array<i32: 0>} : vector<256x2048xi32>
    %add3A_645 = arith.constant 1792 : i32
    %add3A_646 = vector.broadcast %add3A_645 : i32 to vector<256x2048xi32>
    %add3A_647 = arith.addi %iota3A_644, %add3A_646 : vector<256x2048xi32>
    %iota3A_648 = tpu.iota {dimensions = array<i32: 1>} : vector<256x2048xi32>
    %eq3A_649 = arith.cmpi eq, %add3A_647, %iota3A_648 : vector<256x2048xi32>
    %jit3A_650 = arith.constant 0.000000e+00 : f32
    %broadcast_in_dim3A_651 = vector.broadcast %jit3A_650 : f32 to vector<256x2048xf32>
    %select_n3A_652 = arith.select %eq3A_649, %broadcast_in_dim3A_651, %convert_element_type3A_643 : vector<256x2048xi1>, vector<256x2048xf32>
    %slice3A_653 = vector.extract_strided_slice %select_n3A_310 {offsets = [1792, 0], sizes = [256, 1], strides = [1, 1]} : vector<2048x1xf32> to vector<256x1xf32>
    %mul3A_654 = vector.broadcast %slice3A_653 : vector<256x1xf32> to vector<256x2048xf32>
    %mul3A_655 = arith.mulf %mul3A_654, %select_n3A_652 : vector<256x2048xf32>
    %mul3A_656 = vector.broadcast %select_n3A_323 : vector<1x2048xf32> to vector<256x2048xf32>
    %mul3A_657 = arith.mulf %mul3A_655, %mul3A_656 : vector<256x2048xf32>
    %neg3A_658 = arith.constant 0.000000e+00 : f32
    %neg3A_659 = vector.broadcast %neg3A_658 : f32 to vector<256x2048xf32>
    %neg3A_660 = arith.subf %neg3A_659, %mul3A_657 : vector<256x2048xf32>
    %convert_element_type3A_661 = arith.truncf %neg3A_660 : vector<256x2048xf32> to vector<256x2048xbf16>
    %swap3A_662 = arith.constant 1792 : index
    %swap3A_663 = arith.constant 0 : index
    %swap3A_664 = vector.load %arg11[%swap3A_662, %swap3A_663] : memref<2048x2048xbf16, #tpu.memory_space<vmem>>, vector<256x2048xbf16>
    tpu.vector_store %arg11[%swap3A_662, %swap3A_663], %convert_element_type3A_661 {strides = array<i32>} : memref<2048x2048xbf16, #tpu.memory_space<vmem>>, vector<256x2048xbf16>,
    %iota3A_665 = tpu.iota {dimensions = array<i32: 0>} : vector<17x1xi32>
    %convert_element_type3A_666 = arith.sitofp %iota3A_665 : vector<17x1xi32> to vector<17x1xf32>
    %add3A_667 = arith.constant 5.000000e-01 : f32
    %add3A_668 = vector.broadcast %add3A_667 : f32 to vector<17x1xf32>
    %add3A_669 = arith.addf %convert_element_type3A_666, %add3A_668 : vector<17x1xf32>
    %mul3A_670 = arith.constant 3.14159274 : f32
    %mul3A_671 = vector.broadcast %mul3A_670 : f32 to vector<17x1xf32>
    %mul3A_672 = arith.mulf %mul3A_671, %add3A_669 : vector<17x1xf32>
    %div3A_673 = arith.constant 1.700000e+01 : f32
    %div3A_674 = vector.broadcast %div3A_673 : f32 to vector<17x1xf32>
    %div3A_675 = arith.divf %mul3A_672, %div3A_674 : vector<17x1xf32>
    %cos3A = math.cos %div3A_675 : vector<17x1xf32>
    %add3A_676 = arith.constant 1.000000e+00 : f32
    %add3A_677 = vector.broadcast %add3A_676 : f32 to vector<17x1xf32>
    %add3A_678 = arith.addf %cos3A, %add3A_677 : vector<17x1xf32>
    %get3A_679 = arith.constant 0 : index
    %get3A_680 = arith.constant 0 : index
    %get3A_681 = vector.load %arg3[%get3A_679, %get3A_680] : memref<1x32xf32, #tpu.memory_space<vmem>>, vector<1x32xf32>
    %mul3A_682 = vector.broadcast %add3A_678 : vector<17x1xf32> to vector<17x32xf32>
    %mul3A_683 = vector.broadcast %get3A_681 : vector<1x32xf32> to vector<17x32xf32>
    %mul3A_684 = arith.mulf %mul3A_682, %mul3A_683 : vector<17x32xf32>
    %get3A_685 = arith.constant 0 : index
    %get3A_686 = arith.constant 0 : index
    %get3A_687 = vector.load %arg4[%get3A_685, %get3A_686] : memref<1x32xf32, #tpu.memory_space<vmem>>, vector<1x32xf32>
    %add3A_688 = vector.broadcast %get3A_687 : vector<1x32xf32> to vector<17x32xf32>
    %add3A_689 = arith.addf %mul3A_684, %add3A_688 : vector<17x32xf32>
    %max3A_690 = arith.constant 0.000000e+00 : f32
    %max3A_691 = vector.broadcast %max3A_690 : f32 to vector<17x32xf32>
    %max3A_692 = arith.maximumf %add3A_689, %max3A_691 : vector<17x32xf32>
    %get3A_693 = arith.constant 0 : index
    %get3A_694 = arith.constant 0 : index
    %get3A_695 = vector.load %arg5[%get3A_693, %get3A_694] : memref<32x64xf32, #tpu.memory_space<vmem>>, vector<32x64xf32>
    %dot_general3A_696 = arith.constant dense<0.000000e+00> : vector<17x64xf32>
    %dot_general3A_697 = tpu.matmul %max3A_692, %get3A_695, %dot_general3A_696 {dimension_numbers = #tpu.dot_dimension_numbers<[1], [0], [0], [1], [0, 0, 1, 1], [], []>, transpose_lhs_hint = false} : vector<17x32xf32>, vector<32x64xf32>, vector<17x64xf32> -> vector<17x64xf32>
    %get3A_698 = arith.constant 0 : index
    %get3A_699 = arith.constant 0 : index
    %get3A_700 = vector.load %arg6[%get3A_698, %get3A_699] : memref<1x64xf32, #tpu.memory_space<vmem>>, vector<1x64xf32>
    %add3A_701 = vector.broadcast %get3A_700 : vector<1x64xf32> to vector<17x64xf32>
    %add3A_702 = arith.addf %dot_general3A_697, %add3A_701 : vector<17x64xf32>
    %max3A_703 = arith.constant 0.000000e+00 : f32
    %max3A_704 = vector.broadcast %max3A_703 : f32 to vector<17x64xf32>
    %max3A_705 = arith.maximumf %add3A_702, %max3A_704 : vector<17x64xf32>
    %get3A_706 = arith.constant 0 : index
    %get3A_707 = arith.constant 0 : index
    %get3A_708 = vector.load %arg7[%get3A_706, %get3A_707] : memref<64x32xf32, #tpu.memory_space<vmem>>, vector<64x32xf32>
    %dot_general3A_709 = arith.constant dense<0.000000e+00> : vector<17x32xf32>
    %dot_general3A_710 = tpu.matmul %max3A_705, %get3A_708, %dot_general3A_709 {dimension_numbers = #tpu.dot_dimension_numbers<[1], [0], [0], [1], [0, 0, 1, 1], [], []>, transpose_lhs_hint = false} : vector<17x64xf32>, vector<64x32xf32>, vector<17x32xf32> -> vector<17x32xf32>
    %get3A_711 = arith.constant 0 : index
    %get3A_712 = arith.constant 0 : index
    %get3A_713 = vector.load %arg8[%get3A_711, %get3A_712] : memref<1x32xf32, #tpu.memory_space<vmem>>, vector<1x32xf32>
    %add3A_714 = vector.broadcast %get3A_713 : vector<1x32xf32> to vector<17x32xf32>
    %add3A_715 = arith.addf %dot_general3A_710, %add3A_714 : vector<17x32xf32>
    %max3A_716 = arith.constant 0.000000e+00 : f32
    %max3A_717 = vector.broadcast %max3A_716 : f32 to vector<17x32xf32>
    %max3A_718 = arith.maximumf %add3A_715, %max3A_717 : vector<17x32xf32>
    %get3A_719 = arith.constant 0 : index
    %get3A_720 = arith.constant 0 : index
    %get3A_721 = vector.load %arg9[%get3A_719, %get3A_720] : memref<32x4xf32, #tpu.memory_space<vmem>>, vector<32x4xf32>
    %dot_general3A_722 = arith.constant dense<0.000000e+00> : vector<17x4xf32>
    %dot_general3A_723 = tpu.matmul %max3A_718, %get3A_721, %dot_general3A_722 {dimension_numbers = #tpu.dot_dimension_numbers<[1], [0], [0], [1], [0, 0, 1, 1], [], []>, transpose_lhs_hint = false} : vector<17x32xf32>, vector<32x4xf32>, vector<17x4xf32> -> vector<17x4xf32>
    %get3A_724 = arith.constant 0 : index
    %get3A_725 = arith.constant 0 : index
    %get3A_726 = vector.load %arg10[%get3A_724, %get3A_725] : memref<1x4xf32, #tpu.memory_space<vmem>>, vector<1x4xf32>
    %add3A_727 = vector.broadcast %get3A_726 : vector<1x4xf32> to vector<17x4xf32>
    %add3A_728 = arith.addf %dot_general3A_723, %add3A_727 : vector<17x4xf32>
    %max3A_729 = arith.constant 0.000000e+00 : f32
    %max3A_730 = vector.broadcast %max3A_729 : f32 to vector<17x4xf32>
    %max3A_731 = arith.maximumf %add3A_728, %max3A_730 : vector<17x4xf32>
    %iota3A_732 = tpu.iota {dimensions = array<i32: 0>} : vector<17x17xi32>
    %convert_element_type3A_733 = arith.sitofp %iota3A_732 : vector<17x17xi32> to vector<17x17xf32>
    %iota3A_734 = tpu.iota {dimensions = array<i32: 1>} : vector<17x17xi32>
    %convert_element_type3A_735 = arith.sitofp %iota3A_734 : vector<17x17xi32> to vector<17x17xf32>
    %mul3A_736 = arith.constant 3.14159274 : f32
    %mul3A_737 = vector.broadcast %mul3A_736 : f32 to vector<17x17xf32>
    %mul3A_738 = arith.mulf %mul3A_737, %convert_element_type3A_733 : vector<17x17xf32>
    %add3A_739 = arith.constant 5.000000e-01 : f32
    %add3A_740 = vector.broadcast %add3A_739 : f32 to vector<17x17xf32>
    %add3A_741 = arith.addf %convert_element_type3A_735, %add3A_740 : vector<17x17xf32>
    %mul3A_742 = arith.mulf %mul3A_738, %add3A_741 : vector<17x17xf32>
    %div3A_743 = arith.constant 1.700000e+01 : f32
    %div3A_744 = vector.broadcast %div3A_743 : f32 to vector<17x17xf32>
    %div3A_745 = arith.divf %mul3A_742, %div3A_744 : vector<17x17xf32>
    %cos3A_746 = math.cos %div3A_745 : vector<17x17xf32>
    %dot_general3A_747 = arith.constant dense<0.000000e+00> : vector<17x4xf32>
    %dot_general3A_748 = tpu.matmul %cos3A_746, %max3A_731, %dot_general3A_747 {dimension_numbers = #tpu.dot_dimension_numbers<[1], [0], [0], [1], [0, 0, 1, 1], [], []>, transpose_lhs_hint = false} : vector<17x17xf32>, vector<17x4xf32>, vector<17x4xf32> -> vector<17x4xf32>
    %mul3A_749 = arith.constant 0.117647059 : f32
    %mul3A_750 = vector.broadcast %mul3A_749 : f32 to vector<17x4xf32>
    %mul3A_751 = arith.mulf %mul3A_750, %dot_general3A_748 : vector<17x4xf32>
    %iota3A_752 = tpu.iota {dimensions = array<i32: 0>} : vector<17x4xi32>
    %eq3A_753 = arith.constant 0 : i32
    %eq3A_754 = vector.broadcast %eq3A_753 : i32 to vector<17x4xi32>
    %eq3A_755 = arith.cmpi eq, %iota3A_752, %eq3A_754 : vector<17x4xi32>
    %jit3A_756 = arith.constant 5.000000e-01 : f32
    %jit3A_757 = arith.constant 1.000000e+00 : f32
    %broadcast_in_dim3A_758 = vector.broadcast %jit3A_756 : f32 to vector<17x4xf32>
    %broadcast_in_dim3A_759 = vector.broadcast %jit3A_757 : f32 to vector<17x4xf32>
    %select_n3A_760 = arith.select %eq3A_755, %broadcast_in_dim3A_758, %broadcast_in_dim3A_759 : vector<17x4xi1>, vector<17x4xf32>
    %mul3A_761 = arith.mulf %mul3A_751, %select_n3A_760 : vector<17x4xf32>
    %swap3A_762 = arith.constant 0 : index
    %swap3A_763 = arith.constant 0 : index
    %swap3A_764 = vector.load %arg12[%swap3A_762, %swap3A_763] : memref<17x4xf32, #tpu.memory_space<vmem>>, vector<17x4xf32>
    tpu.vector_store %arg12[%swap3A_762, %swap3A_763], %mul3A_761 {strides = array<i32>} : memref<17x4xf32, #tpu.memory_space<vmem>>, vector<17x4xf32>,
    return
  }
}

module attributes {stable_mosaic.version = 14 : i64} {
  func.func @_main_body(%arg0: i32, %arg1: memref<17x4xf32, #tpu.memory_space<smem>>, %arg2: memref<2048x2048xbf16, #tpu.memory_space<vmem>>, %arg3: memref<2048x16xf32, #tpu.memory_space<vmem>>, %arg4: memref<256x64xf32, #tpu.memory_space<vmem>>, %arg5: memref<4x256x2048xf32, #tpu.memory_space<vmem>>) attributes {dimension_semantics = [#tpu.dimension_semantics<parallel>], iteration_bounds = array<i64: 8>, scalar_prefetch = 0 : i64, scratch_operands = 0 : i64, tpu.core_type = #tpu.core_type<tc>, window_params = [{transform_indices = @transform_0, window_bounds = array<i64: 17, 4>}, {pipeline_mode = #tpu.pipeline_mode<synchronous>, transform_indices = @transform_1, window_bounds = array<i64: 2048, 2048>}, {pipeline_mode = #tpu.pipeline_mode<synchronous>, transform_indices = @transform_2, window_bounds = array<i64: 2048, 16>}, {transform_indices = @transform_3, window_bounds = array<i64: 256, 64>}, {transform_indices = @transform_4, window_bounds = array<i64: 4, 256, 2048>}]} {
    %mul3A = arith.constant 256 : i32
    %mul3A_0 = arith.muli %arg0, %mul3A : i32
    %get3A = arith.constant 0 : index
    %get3A_1 = arith.constant 0 : index
    %get3A_2 = vector.load %arg3[%get3A, %get3A_1] : memref<2048x16xf32, #tpu.memory_space<vmem>>, vector<2048x16xf32>
    %iota3A = tpu.iota {dimensions = array<i32: 0>} : vector<2048x256xi32>
    %iota3A_3 = tpu.iota {dimensions = array<i32: 1>} : vector<2048x256xi32>
    %add3A = vector.broadcast %mul3A_0 : i32 to vector<2048x256xi32>
    %add3A_4 = arith.addi %iota3A_3, %add3A : vector<2048x256xi32>
    %eq3A = arith.cmpi eq, %iota3A, %add3A_4 : vector<2048x256xi32>
    %jit3A = arith.constant 1.000000e+00 : f32
    %jit3A_5 = arith.constant 0.000000e+00 : f32
    %broadcast_in_dim3A = vector.broadcast %jit3A : f32 to vector<2048x256xf32>
    %broadcast_in_dim3A_6 = vector.broadcast %jit3A_5 : f32 to vector<2048x256xf32>
    %select_n3A = arith.select %eq3A, %broadcast_in_dim3A, %broadcast_in_dim3A_6 : vector<2048x256xi1>, vector<2048x256xf32>
    %get3A_7 = arith.constant 0 : index
    %get3A_8 = arith.index_cast %mul3A_0 : i32 to index
    %get3A_9 = vector.load %arg2[%get3A_7, %get3A_8] : memref<2048x2048xbf16, #tpu.memory_space<vmem>>, vector<2048x256xbf16>
    %get3A_10 = arith.constant 0 : index
    %get3A_11 = arith.constant 0 : index
    %get3A_12 = memref.load %arg1[%get3A_10, %get3A_11] : memref<17x4xf32, #tpu.memory_space<smem>>
    %mul3A_13 = vector.broadcast %get3A_12 : f32 to vector<2048x256xf32>
    %mul3A_14 = arith.mulf %mul3A_13, %select_n3A : vector<2048x256xf32>
    %get3A_15 = arith.constant 1 : index
    %get3A_16 = arith.constant 0 : index
    %get3A_17 = memref.load %arg1[%get3A_15, %get3A_16] : memref<17x4xf32, #tpu.memory_space<smem>>
    %convert_element_type3A = arith.extf %get3A_9 : vector<2048x256xbf16> to vector<2048x256xf32>
    %mul3A_18 = vector.broadcast %get3A_17 : f32 to vector<2048x256xf32>
    %mul3A_19 = arith.mulf %mul3A_18, %convert_element_type3A : vector<2048x256xf32>
    %add3A_20 = arith.addf %mul3A_14, %mul3A_19 : vector<2048x256xf32>
    %get3A_21 = arith.constant 0 : index
    %get3A_22 = arith.constant 1 : index
    %get3A_23 = memref.load %arg1[%get3A_21, %get3A_22] : memref<17x4xf32, #tpu.memory_space<smem>>
    %mul3A_24 = vector.broadcast %get3A_23 : f32 to vector<2048x256xf32>
    %mul3A_25 = arith.mulf %mul3A_24, %select_n3A : vector<2048x256xf32>
    %get3A_26 = arith.constant 1 : index
    %get3A_27 = arith.constant 1 : index
    %get3A_28 = memref.load %arg1[%get3A_26, %get3A_27] : memref<17x4xf32, #tpu.memory_space<smem>>
    %convert_element_type3A_29 = arith.extf %get3A_9 : vector<2048x256xbf16> to vector<2048x256xf32>
    %mul3A_30 = vector.broadcast %get3A_28 : f32 to vector<2048x256xf32>
    %mul3A_31 = arith.mulf %mul3A_30, %convert_element_type3A_29 : vector<2048x256xf32>
    %add3A_32 = arith.addf %mul3A_25, %mul3A_31 : vector<2048x256xf32>
    %get3A_33 = arith.constant 0 : index
    %get3A_34 = arith.constant 2 : index
    %get3A_35 = memref.load %arg1[%get3A_33, %get3A_34] : memref<17x4xf32, #tpu.memory_space<smem>>
    %mul3A_36 = vector.broadcast %get3A_35 : f32 to vector<2048x256xf32>
    %mul3A_37 = arith.mulf %mul3A_36, %select_n3A : vector<2048x256xf32>
    %get3A_38 = arith.constant 1 : index
    %get3A_39 = arith.constant 2 : index
    %get3A_40 = memref.load %arg1[%get3A_38, %get3A_39] : memref<17x4xf32, #tpu.memory_space<smem>>
    %convert_element_type3A_41 = arith.extf %get3A_9 : vector<2048x256xbf16> to vector<2048x256xf32>
    %mul3A_42 = vector.broadcast %get3A_40 : f32 to vector<2048x256xf32>
    %mul3A_43 = arith.mulf %mul3A_42, %convert_element_type3A_41 : vector<2048x256xf32>
    %add3A_44 = arith.addf %mul3A_37, %mul3A_43 : vector<2048x256xf32>
    %get3A_45 = arith.constant 0 : index
    %get3A_46 = arith.constant 3 : index
    %get3A_47 = memref.load %arg1[%get3A_45, %get3A_46] : memref<17x4xf32, #tpu.memory_space<smem>>
    %mul3A_48 = vector.broadcast %get3A_47 : f32 to vector<2048x256xf32>
    %mul3A_49 = arith.mulf %mul3A_48, %select_n3A : vector<2048x256xf32>
    %get3A_50 = arith.constant 1 : index
    %get3A_51 = arith.constant 3 : index
    %get3A_52 = memref.load %arg1[%get3A_50, %get3A_51] : memref<17x4xf32, #tpu.memory_space<smem>>
    %convert_element_type3A_53 = arith.extf %get3A_9 : vector<2048x256xbf16> to vector<2048x256xf32>
    %mul3A_54 = vector.broadcast %get3A_52 : f32 to vector<2048x256xf32>
    %mul3A_55 = arith.mulf %mul3A_54, %convert_element_type3A_53 : vector<2048x256xf32>
    %add3A_56 = arith.addf %mul3A_49, %mul3A_55 : vector<2048x256xf32>
    %convert_element_type3A_57 = arith.truncf %select_n3A : vector<2048x256xf32> to vector<2048x256xbf16>
    %get3A_58 = arith.constant 0 : index
    %get3A_59 = arith.constant 0 : index
    %get3A_60 = vector.load %arg2[%get3A_58, %get3A_59] : memref<2048x2048xbf16, #tpu.memory_space<vmem>>, vector<256x2048xbf16>
    %dot_general3A = arith.constant dense<0.000000e+00> : vector<256x256xf32>
    %dot_general3A_61 = tpu.matmul %get3A_60, %get3A_9, %dot_general3A {dimension_numbers = #tpu.dot_dimension_numbers<[1], [0], [0], [1], [0, 0, 1, 1], [], []>, transpose_lhs_hint = false} : vector<256x2048xbf16>, vector<2048x256xbf16>, vector<256x256xf32> -> vector<256x256xf32>
    %mul3A_62 = arith.constant 2.000000e+00 : f32
    %mul3A_63 = vector.broadcast %mul3A_62 : f32 to vector<256x256xf32>
    %mul3A_64 = arith.mulf %mul3A_63, %dot_general3A_61 : vector<256x256xf32>
    %slice3A = vector.extract_strided_slice %convert_element_type3A_57 {offsets = [0, 0], sizes = [256, 256], strides = [1, 1]} : vector<2048x256xbf16> to vector<256x256xbf16>
    %convert_element_type3A_65 = arith.extf %slice3A : vector<256x256xbf16> to vector<256x256xf32>
    %sub3A = arith.subf %mul3A_64, %convert_element_type3A_65 : vector<256x256xf32>
    %get3A_66 = arith.constant 256 : index
    %get3A_67 = arith.constant 0 : index
    %get3A_68 = vector.load %arg2[%get3A_66, %get3A_67] : memref<2048x2048xbf16, #tpu.memory_space<vmem>>, vector<256x2048xbf16>
    %dot_general3A_69 = arith.constant dense<0.000000e+00> : vector<256x256xf32>
    %dot_general3A_70 = tpu.matmul %get3A_68, %get3A_9, %dot_general3A_69 {dimension_numbers = #tpu.dot_dimension_numbers<[1], [0], [0], [1], [0, 0, 1, 1], [], []>, transpose_lhs_hint = false} : vector<256x2048xbf16>, vector<2048x256xbf16>, vector<256x256xf32> -> vector<256x256xf32>
    %mul3A_71 = arith.constant 2.000000e+00 : f32
    %mul3A_72 = vector.broadcast %mul3A_71 : f32 to vector<256x256xf32>
    %mul3A_73 = arith.mulf %mul3A_72, %dot_general3A_70 : vector<256x256xf32>
    %slice3A_74 = vector.extract_strided_slice %convert_element_type3A_57 {offsets = [256, 0], sizes = [256, 256], strides = [1, 1]} : vector<2048x256xbf16> to vector<256x256xbf16>
    %convert_element_type3A_75 = arith.extf %slice3A_74 : vector<256x256xbf16> to vector<256x256xf32>
    %sub3A_76 = arith.subf %mul3A_73, %convert_element_type3A_75 : vector<256x256xf32>
    %get3A_77 = arith.constant 512 : index
    %get3A_78 = arith.constant 0 : index
    %get3A_79 = vector.load %arg2[%get3A_77, %get3A_78] : memref<2048x2048xbf16, #tpu.memory_space<vmem>>, vector<256x2048xbf16>
    %dot_general3A_80 = arith.constant dense<0.000000e+00> : vector<256x256xf32>
    %dot_general3A_81 = tpu.matmul %get3A_79, %get3A_9, %dot_general3A_80 {dimension_numbers = #tpu.dot_dimension_numbers<[1], [0], [0], [1], [0, 0, 1, 1], [], []>, transpose_lhs_hint = false} : vector<256x2048xbf16>, vector<2048x256xbf16>, vector<256x256xf32> -> vector<256x256xf32>
    %mul3A_82 = arith.constant 2.000000e+00 : f32
    %mul3A_83 = vector.broadcast %mul3A_82 : f32 to vector<256x256xf32>
    %mul3A_84 = arith.mulf %mul3A_83, %dot_general3A_81 : vector<256x256xf32>
    %slice3A_85 = vector.extract_strided_slice %convert_element_type3A_57 {offsets = [512, 0], sizes = [256, 256], strides = [1, 1]} : vector<2048x256xbf16> to vector<256x256xbf16>
    %convert_element_type3A_86 = arith.extf %slice3A_85 : vector<256x256xbf16> to vector<256x256xf32>
    %sub3A_87 = arith.subf %mul3A_84, %convert_element_type3A_86 : vector<256x256xf32>
    %get3A_88 = arith.constant 768 : index
    %get3A_89 = arith.constant 0 : index
    %get3A_90 = vector.load %arg2[%get3A_88, %get3A_89] : memref<2048x2048xbf16, #tpu.memory_space<vmem>>, vector<256x2048xbf16>
    %dot_general3A_91 = arith.constant dense<0.000000e+00> : vector<256x256xf32>
    %dot_general3A_92 = tpu.matmul %get3A_90, %get3A_9, %dot_general3A_91 {dimension_numbers = #tpu.dot_dimension_numbers<[1], [0], [0], [1], [0, 0, 1, 1], [], []>, transpose_lhs_hint = false} : vector<256x2048xbf16>, vector<2048x256xbf16>, vector<256x256xf32> -> vector<256x256xf32>
    %mul3A_93 = arith.constant 2.000000e+00 : f32
    %mul3A_94 = vector.broadcast %mul3A_93 : f32 to vector<256x256xf32>
    %mul3A_95 = arith.mulf %mul3A_94, %dot_general3A_92 : vector<256x256xf32>
    %slice3A_96 = vector.extract_strided_slice %convert_element_type3A_57 {offsets = [768, 0], sizes = [256, 256], strides = [1, 1]} : vector<2048x256xbf16> to vector<256x256xbf16>
    %convert_element_type3A_97 = arith.extf %slice3A_96 : vector<256x256xbf16> to vector<256x256xf32>
    %sub3A_98 = arith.subf %mul3A_95, %convert_element_type3A_97 : vector<256x256xf32>
    %get3A_99 = arith.constant 1024 : index
    %get3A_100 = arith.constant 0 : index
    %get3A_101 = vector.load %arg2[%get3A_99, %get3A_100] : memref<2048x2048xbf16, #tpu.memory_space<vmem>>, vector<256x2048xbf16>
    %dot_general3A_102 = arith.constant dense<0.000000e+00> : vector<256x256xf32>
    %dot_general3A_103 = tpu.matmul %get3A_101, %get3A_9, %dot_general3A_102 {dimension_numbers = #tpu.dot_dimension_numbers<[1], [0], [0], [1], [0, 0, 1, 1], [], []>, transpose_lhs_hint = false} : vector<256x2048xbf16>, vector<2048x256xbf16>, vector<256x256xf32> -> vector<256x256xf32>
    %mul3A_104 = arith.constant 2.000000e+00 : f32
    %mul3A_105 = vector.broadcast %mul3A_104 : f32 to vector<256x256xf32>
    %mul3A_106 = arith.mulf %mul3A_105, %dot_general3A_103 : vector<256x256xf32>
    %slice3A_107 = vector.extract_strided_slice %convert_element_type3A_57 {offsets = [1024, 0], sizes = [256, 256], strides = [1, 1]} : vector<2048x256xbf16> to vector<256x256xbf16>
    %convert_element_type3A_108 = arith.extf %slice3A_107 : vector<256x256xbf16> to vector<256x256xf32>
    %sub3A_109 = arith.subf %mul3A_106, %convert_element_type3A_108 : vector<256x256xf32>
    %get3A_110 = arith.constant 1280 : index
    %get3A_111 = arith.constant 0 : index
    %get3A_112 = vector.load %arg2[%get3A_110, %get3A_111] : memref<2048x2048xbf16, #tpu.memory_space<vmem>>, vector<256x2048xbf16>
    %dot_general3A_113 = arith.constant dense<0.000000e+00> : vector<256x256xf32>
    %dot_general3A_114 = tpu.matmul %get3A_112, %get3A_9, %dot_general3A_113 {dimension_numbers = #tpu.dot_dimension_numbers<[1], [0], [0], [1], [0, 0, 1, 1], [], []>, transpose_lhs_hint = false} : vector<256x2048xbf16>, vector<2048x256xbf16>, vector<256x256xf32> -> vector<256x256xf32>
    %mul3A_115 = arith.constant 2.000000e+00 : f32
    %mul3A_116 = vector.broadcast %mul3A_115 : f32 to vector<256x256xf32>
    %mul3A_117 = arith.mulf %mul3A_116, %dot_general3A_114 : vector<256x256xf32>
    %slice3A_118 = vector.extract_strided_slice %convert_element_type3A_57 {offsets = [1280, 0], sizes = [256, 256], strides = [1, 1]} : vector<2048x256xbf16> to vector<256x256xbf16>
    %convert_element_type3A_119 = arith.extf %slice3A_118 : vector<256x256xbf16> to vector<256x256xf32>
    %sub3A_120 = arith.subf %mul3A_117, %convert_element_type3A_119 : vector<256x256xf32>
    %get3A_121 = arith.constant 1536 : index
    %get3A_122 = arith.constant 0 : index
    %get3A_123 = vector.load %arg2[%get3A_121, %get3A_122] : memref<2048x2048xbf16, #tpu.memory_space<vmem>>, vector<256x2048xbf16>
    %dot_general3A_124 = arith.constant dense<0.000000e+00> : vector<256x256xf32>
    %dot_general3A_125 = tpu.matmul %get3A_123, %get3A_9, %dot_general3A_124 {dimension_numbers = #tpu.dot_dimension_numbers<[1], [0], [0], [1], [0, 0, 1, 1], [], []>, transpose_lhs_hint = false} : vector<256x2048xbf16>, vector<2048x256xbf16>, vector<256x256xf32> -> vector<256x256xf32>
    %mul3A_126 = arith.constant 2.000000e+00 : f32
    %mul3A_127 = vector.broadcast %mul3A_126 : f32 to vector<256x256xf32>
    %mul3A_128 = arith.mulf %mul3A_127, %dot_general3A_125 : vector<256x256xf32>
    %slice3A_129 = vector.extract_strided_slice %convert_element_type3A_57 {offsets = [1536, 0], sizes = [256, 256], strides = [1, 1]} : vector<2048x256xbf16> to vector<256x256xbf16>
    %convert_element_type3A_130 = arith.extf %slice3A_129 : vector<256x256xbf16> to vector<256x256xf32>
    %sub3A_131 = arith.subf %mul3A_128, %convert_element_type3A_130 : vector<256x256xf32>
    %get3A_132 = arith.constant 1792 : index
    %get3A_133 = arith.constant 0 : index
    %get3A_134 = vector.load %arg2[%get3A_132, %get3A_133] : memref<2048x2048xbf16, #tpu.memory_space<vmem>>, vector<256x2048xbf16>
    %dot_general3A_135 = arith.constant dense<0.000000e+00> : vector<256x256xf32>
    %dot_general3A_136 = tpu.matmul %get3A_134, %get3A_9, %dot_general3A_135 {dimension_numbers = #tpu.dot_dimension_numbers<[1], [0], [0], [1], [0, 0, 1, 1], [], []>, transpose_lhs_hint = false} : vector<256x2048xbf16>, vector<2048x256xbf16>, vector<256x256xf32> -> vector<256x256xf32>
    %mul3A_137 = arith.constant 2.000000e+00 : f32
    %mul3A_138 = vector.broadcast %mul3A_137 : f32 to vector<256x256xf32>
    %mul3A_139 = arith.mulf %mul3A_138, %dot_general3A_136 : vector<256x256xf32>
    %slice3A_140 = vector.extract_strided_slice %convert_element_type3A_57 {offsets = [1792, 0], sizes = [256, 256], strides = [1, 1]} : vector<2048x256xbf16> to vector<256x256xbf16>
    %convert_element_type3A_141 = arith.extf %slice3A_140 : vector<256x256xbf16> to vector<256x256xf32>
    %sub3A_142 = arith.subf %mul3A_139, %convert_element_type3A_141 : vector<256x256xf32>
    %concatenate3A = tpu.concatenate %sub3A, %sub3A_76, %sub3A_87, %sub3A_98, %sub3A_109, %sub3A_120, %sub3A_131, %sub3A_142 in 0 : vector<256x256xf32>, vector<256x256xf32>, vector<256x256xf32>, vector<256x256xf32>, vector<256x256xf32>, vector<256x256xf32>, vector<256x256xf32>, vector<256x256xf32> -> vector<2048x256xf32>
    %get3A_143 = arith.constant 2 : index
    %get3A_144 = arith.constant 0 : index
    %get3A_145 = memref.load %arg1[%get3A_143, %get3A_144] : memref<17x4xf32, #tpu.memory_space<smem>>
    %mul3A_146 = vector.broadcast %get3A_145 : f32 to vector<2048x256xf32>
    %mul3A_147 = arith.mulf %mul3A_146, %concatenate3A : vector<2048x256xf32>
    %add3A_148 = arith.addf %add3A_20, %mul3A_147 : vector<2048x256xf32>
    %get3A_149 = arith.constant 2 : index
    %get3A_150 = arith.constant 1 : index
    %get3A_151 = memref.load %arg1[%get3A_149, %get3A_150] : memref<17x4xf32, #tpu.memory_space<smem>>
    %mul3A_152 = vector.broadcast %get3A_151 : f32 to vector<2048x256xf32>
    %mul3A_153 = arith.mulf %mul3A_152, %concatenate3A : vector<2048x256xf32>
    %add3A_154 = arith.addf %add3A_32, %mul3A_153 : vector<2048x256xf32>
    %get3A_155 = arith.constant 2 : index
    %get3A_156 = arith.constant 2 : index
    %get3A_157 = memref.load %arg1[%get3A_155, %get3A_156] : memref<17x4xf32, #tpu.memory_space<smem>>
    %mul3A_158 = vector.broadcast %get3A_157 : f32 to vector<2048x256xf32>
    %mul3A_159 = arith.mulf %mul3A_158, %concatenate3A : vector<2048x256xf32>
    %add3A_160 = arith.addf %add3A_44, %mul3A_159 : vector<2048x256xf32>
    %get3A_161 = arith.constant 2 : index
    %get3A_162 = arith.constant 3 : index
    %get3A_163 = memref.load %arg1[%get3A_161, %get3A_162] : memref<17x4xf32, #tpu.memory_space<smem>>
    %mul3A_164 = vector.broadcast %get3A_163 : f32 to vector<2048x256xf32>
    %mul3A_165 = arith.mulf %mul3A_164, %concatenate3A : vector<2048x256xf32>
    %add3A_166 = arith.addf %add3A_56, %mul3A_165 : vector<2048x256xf32>
    %convert_element_type3A_167 = arith.truncf %concatenate3A : vector<2048x256xf32> to vector<2048x256xbf16>
    %get3A_168 = arith.constant 0 : index
    %get3A_169 = arith.constant 0 : index
    %get3A_170 = vector.load %arg2[%get3A_168, %get3A_169] : memref<2048x2048xbf16, #tpu.memory_space<vmem>>, vector<256x2048xbf16>
    %dot_general3A_171 = arith.constant dense<0.000000e+00> : vector<256x256xf32>
    %dot_general3A_172 = tpu.matmul %get3A_170, %convert_element_type3A_167, %dot_general3A_171 {dimension_numbers = #tpu.dot_dimension_numbers<[1], [0], [0], [1], [0, 0, 1, 1], [], []>, transpose_lhs_hint = false} : vector<256x2048xbf16>, vector<2048x256xbf16>, vector<256x256xf32> -> vector<256x256xf32>
    %mul3A_173 = arith.constant 2.000000e+00 : f32
    %mul3A_174 = vector.broadcast %mul3A_173 : f32 to vector<256x256xf32>
    %mul3A_175 = arith.mulf %mul3A_174, %dot_general3A_172 : vector<256x256xf32>
    %slice3A_176 = vector.extract_strided_slice %get3A_9 {offsets = [0, 0], sizes = [256, 256], strides = [1, 1]} : vector<2048x256xbf16> to vector<256x256xbf16>
    %convert_element_type3A_177 = arith.extf %slice3A_176 : vector<256x256xbf16> to vector<256x256xf32>
    %sub3A_178 = arith.subf %mul3A_175, %convert_element_type3A_177 : vector<256x256xf32>
    %get3A_179 = arith.constant 256 : index
    %get3A_180 = arith.constant 0 : index
    %get3A_181 = vector.load %arg2[%get3A_179, %get3A_180] : memref<2048x2048xbf16, #tpu.memory_space<vmem>>, vector<256x2048xbf16>
    %dot_general3A_182 = arith.constant dense<0.000000e+00> : vector<256x256xf32>
    %dot_general3A_183 = tpu.matmul %get3A_181, %convert_element_type3A_167, %dot_general3A_182 {dimension_numbers = #tpu.dot_dimension_numbers<[1], [0], [0], [1], [0, 0, 1, 1], [], []>, transpose_lhs_hint = false} : vector<256x2048xbf16>, vector<2048x256xbf16>, vector<256x256xf32> -> vector<256x256xf32>
    %mul3A_184 = arith.constant 2.000000e+00 : f32
    %mul3A_185 = vector.broadcast %mul3A_184 : f32 to vector<256x256xf32>
    %mul3A_186 = arith.mulf %mul3A_185, %dot_general3A_183 : vector<256x256xf32>
    %slice3A_187 = vector.extract_strided_slice %get3A_9 {offsets = [256, 0], sizes = [256, 256], strides = [1, 1]} : vector<2048x256xbf16> to vector<256x256xbf16>
    %convert_element_type3A_188 = arith.extf %slice3A_187 : vector<256x256xbf16> to vector<256x256xf32>
    %sub3A_189 = arith.subf %mul3A_186, %convert_element_type3A_188 : vector<256x256xf32>
    %get3A_190 = arith.constant 512 : index
    %get3A_191 = arith.constant 0 : index
    %get3A_192 = vector.load %arg2[%get3A_190, %get3A_191] : memref<2048x2048xbf16, #tpu.memory_space<vmem>>, vector<256x2048xbf16>
    %dot_general3A_193 = arith.constant dense<0.000000e+00> : vector<256x256xf32>
    %dot_general3A_194 = tpu.matmul %get3A_192, %convert_element_type3A_167, %dot_general3A_193 {dimension_numbers = #tpu.dot_dimension_numbers<[1], [0], [0], [1], [0, 0, 1, 1], [], []>, transpose_lhs_hint = false} : vector<256x2048xbf16>, vector<2048x256xbf16>, vector<256x256xf32> -> vector<256x256xf32>
    %mul3A_195 = arith.constant 2.000000e+00 : f32
    %mul3A_196 = vector.broadcast %mul3A_195 : f32 to vector<256x256xf32>
    %mul3A_197 = arith.mulf %mul3A_196, %dot_general3A_194 : vector<256x256xf32>
    %slice3A_198 = vector.extract_strided_slice %get3A_9 {offsets = [512, 0], sizes = [256, 256], strides = [1, 1]} : vector<2048x256xbf16> to vector<256x256xbf16>
    %convert_element_type3A_199 = arith.extf %slice3A_198 : vector<256x256xbf16> to vector<256x256xf32>
    %sub3A_200 = arith.subf %mul3A_197, %convert_element_type3A_199 : vector<256x256xf32>
    %get3A_201 = arith.constant 768 : index
    %get3A_202 = arith.constant 0 : index
    %get3A_203 = vector.load %arg2[%get3A_201, %get3A_202] : memref<2048x2048xbf16, #tpu.memory_space<vmem>>, vector<256x2048xbf16>
    %dot_general3A_204 = arith.constant dense<0.000000e+00> : vector<256x256xf32>
    %dot_general3A_205 = tpu.matmul %get3A_203, %convert_element_type3A_167, %dot_general3A_204 {dimension_numbers = #tpu.dot_dimension_numbers<[1], [0], [0], [1], [0, 0, 1, 1], [], []>, transpose_lhs_hint = false} : vector<256x2048xbf16>, vector<2048x256xbf16>, vector<256x256xf32> -> vector<256x256xf32>
    %mul3A_206 = arith.constant 2.000000e+00 : f32
    %mul3A_207 = vector.broadcast %mul3A_206 : f32 to vector<256x256xf32>
    %mul3A_208 = arith.mulf %mul3A_207, %dot_general3A_205 : vector<256x256xf32>
    %slice3A_209 = vector.extract_strided_slice %get3A_9 {offsets = [768, 0], sizes = [256, 256], strides = [1, 1]} : vector<2048x256xbf16> to vector<256x256xbf16>
    %convert_element_type3A_210 = arith.extf %slice3A_209 : vector<256x256xbf16> to vector<256x256xf32>
    %sub3A_211 = arith.subf %mul3A_208, %convert_element_type3A_210 : vector<256x256xf32>
    %get3A_212 = arith.constant 1024 : index
    %get3A_213 = arith.constant 0 : index
    %get3A_214 = vector.load %arg2[%get3A_212, %get3A_213] : memref<2048x2048xbf16, #tpu.memory_space<vmem>>, vector<256x2048xbf16>
    %dot_general3A_215 = arith.constant dense<0.000000e+00> : vector<256x256xf32>
    %dot_general3A_216 = tpu.matmul %get3A_214, %convert_element_type3A_167, %dot_general3A_215 {dimension_numbers = #tpu.dot_dimension_numbers<[1], [0], [0], [1], [0, 0, 1, 1], [], []>, transpose_lhs_hint = false} : vector<256x2048xbf16>, vector<2048x256xbf16>, vector<256x256xf32> -> vector<256x256xf32>
    %mul3A_217 = arith.constant 2.000000e+00 : f32
    %mul3A_218 = vector.broadcast %mul3A_217 : f32 to vector<256x256xf32>
    %mul3A_219 = arith.mulf %mul3A_218, %dot_general3A_216 : vector<256x256xf32>
    %slice3A_220 = vector.extract_strided_slice %get3A_9 {offsets = [1024, 0], sizes = [256, 256], strides = [1, 1]} : vector<2048x256xbf16> to vector<256x256xbf16>
    %convert_element_type3A_221 = arith.extf %slice3A_220 : vector<256x256xbf16> to vector<256x256xf32>
    %sub3A_222 = arith.subf %mul3A_219, %convert_element_type3A_221 : vector<256x256xf32>
    %get3A_223 = arith.constant 1280 : index
    %get3A_224 = arith.constant 0 : index
    %get3A_225 = vector.load %arg2[%get3A_223, %get3A_224] : memref<2048x2048xbf16, #tpu.memory_space<vmem>>, vector<256x2048xbf16>
    %dot_general3A_226 = arith.constant dense<0.000000e+00> : vector<256x256xf32>
    %dot_general3A_227 = tpu.matmul %get3A_225, %convert_element_type3A_167, %dot_general3A_226 {dimension_numbers = #tpu.dot_dimension_numbers<[1], [0], [0], [1], [0, 0, 1, 1], [], []>, transpose_lhs_hint = false} : vector<256x2048xbf16>, vector<2048x256xbf16>, vector<256x256xf32> -> vector<256x256xf32>
    %mul3A_228 = arith.constant 2.000000e+00 : f32
    %mul3A_229 = vector.broadcast %mul3A_228 : f32 to vector<256x256xf32>
    %mul3A_230 = arith.mulf %mul3A_229, %dot_general3A_227 : vector<256x256xf32>
    %slice3A_231 = vector.extract_strided_slice %get3A_9 {offsets = [1280, 0], sizes = [256, 256], strides = [1, 1]} : vector<2048x256xbf16> to vector<256x256xbf16>
    %convert_element_type3A_232 = arith.extf %slice3A_231 : vector<256x256xbf16> to vector<256x256xf32>
    %sub3A_233 = arith.subf %mul3A_230, %convert_element_type3A_232 : vector<256x256xf32>
    %get3A_234 = arith.constant 1536 : index
    %get3A_235 = arith.constant 0 : index
    %get3A_236 = vector.load %arg2[%get3A_234, %get3A_235] : memref<2048x2048xbf16, #tpu.memory_space<vmem>>, vector<256x2048xbf16>
    %dot_general3A_237 = arith.constant dense<0.000000e+00> : vector<256x256xf32>
    %dot_general3A_238 = tpu.matmul %get3A_236, %convert_element_type3A_167, %dot_general3A_237 {dimension_numbers = #tpu.dot_dimension_numbers<[1], [0], [0], [1], [0, 0, 1, 1], [], []>, transpose_lhs_hint = false} : vector<256x2048xbf16>, vector<2048x256xbf16>, vector<256x256xf32> -> vector<256x256xf32>
    %mul3A_239 = arith.constant 2.000000e+00 : f32
    %mul3A_240 = vector.broadcast %mul3A_239 : f32 to vector<256x256xf32>
    %mul3A_241 = arith.mulf %mul3A_240, %dot_general3A_238 : vector<256x256xf32>
    %slice3A_242 = vector.extract_strided_slice %get3A_9 {offsets = [1536, 0], sizes = [256, 256], strides = [1, 1]} : vector<2048x256xbf16> to vector<256x256xbf16>
    %convert_element_type3A_243 = arith.extf %slice3A_242 : vector<256x256xbf16> to vector<256x256xf32>
    %sub3A_244 = arith.subf %mul3A_241, %convert_element_type3A_243 : vector<256x256xf32>
    %get3A_245 = arith.constant 1792 : index
    %get3A_246 = arith.constant 0 : index
    %get3A_247 = vector.load %arg2[%get3A_245, %get3A_246] : memref<2048x2048xbf16, #tpu.memory_space<vmem>>, vector<256x2048xbf16>
    %dot_general3A_248 = arith.constant dense<0.000000e+00> : vector<256x256xf32>
    %dot_general3A_249 = tpu.matmul %get3A_247, %convert_element_type3A_167, %dot_general3A_248 {dimension_numbers = #tpu.dot_dimension_numbers<[1], [0], [0], [1], [0, 0, 1, 1], [], []>, transpose_lhs_hint = false} : vector<256x2048xbf16>, vector<2048x256xbf16>, vector<256x256xf32> -> vector<256x256xf32>
    %mul3A_250 = arith.constant 2.000000e+00 : f32
    %mul3A_251 = vector.broadcast %mul3A_250 : f32 to vector<256x256xf32>
    %mul3A_252 = arith.mulf %mul3A_251, %dot_general3A_249 : vector<256x256xf32>
    %slice3A_253 = vector.extract_strided_slice %get3A_9 {offsets = [1792, 0], sizes = [256, 256], strides = [1, 1]} : vector<2048x256xbf16> to vector<256x256xbf16>
    %convert_element_type3A_254 = arith.extf %slice3A_253 : vector<256x256xbf16> to vector<256x256xf32>
    %sub3A_255 = arith.subf %mul3A_252, %convert_element_type3A_254 : vector<256x256xf32>
    %concatenate3A_256 = tpu.concatenate %sub3A_178, %sub3A_189, %sub3A_200, %sub3A_211, %sub3A_222, %sub3A_233, %sub3A_244, %sub3A_255 in 0 : vector<256x256xf32>, vector<256x256xf32>, vector<256x256xf32>, vector<256x256xf32>, vector<256x256xf32>, vector<256x256xf32>, vector<256x256xf32>, vector<256x256xf32> -> vector<2048x256xf32>
    %get3A_257 = arith.constant 3 : index
    %get3A_258 = arith.constant 0 : index
    %get3A_259 = memref.load %arg1[%get3A_257, %get3A_258] : memref<17x4xf32, #tpu.memory_space<smem>>
    %mul3A_260 = vector.broadcast %get3A_259 : f32 to vector<2048x256xf32>
    %mul3A_261 = arith.mulf %mul3A_260, %concatenate3A_256 : vector<2048x256xf32>
    %add3A_262 = arith.addf %add3A_148, %mul3A_261 : vector<2048x256xf32>
    %get3A_263 = arith.constant 3 : index
    %get3A_264 = arith.constant 1 : index
    %get3A_265 = memref.load %arg1[%get3A_263, %get3A_264] : memref<17x4xf32, #tpu.memory_space<smem>>
    %mul3A_266 = vector.broadcast %get3A_265 : f32 to vector<2048x256xf32>
    %mul3A_267 = arith.mulf %mul3A_266, %concatenate3A_256 : vector<2048x256xf32>
    %add3A_268 = arith.addf %add3A_154, %mul3A_267 : vector<2048x256xf32>
    %get3A_269 = arith.constant 3 : index
    %get3A_270 = arith.constant 2 : index
    %get3A_271 = memref.load %arg1[%get3A_269, %get3A_270] : memref<17x4xf32, #tpu.memory_space<smem>>
    %mul3A_272 = vector.broadcast %get3A_271 : f32 to vector<2048x256xf32>
    %mul3A_273 = arith.mulf %mul3A_272, %concatenate3A_256 : vector<2048x256xf32>
    %add3A_274 = arith.addf %add3A_160, %mul3A_273 : vector<2048x256xf32>
    %get3A_275 = arith.constant 3 : index
    %get3A_276 = arith.constant 3 : index
    %get3A_277 = memref.load %arg1[%get3A_275, %get3A_276] : memref<17x4xf32, #tpu.memory_space<smem>>
    %mul3A_278 = vector.broadcast %get3A_277 : f32 to vector<2048x256xf32>
    %mul3A_279 = arith.mulf %mul3A_278, %concatenate3A_256 : vector<2048x256xf32>
    %add3A_280 = arith.addf %add3A_166, %mul3A_279 : vector<2048x256xf32>
    %convert_element_type3A_281 = arith.truncf %concatenate3A_256 : vector<2048x256xf32> to vector<2048x256xbf16>
    %get3A_282 = arith.constant 0 : index
    %get3A_283 = arith.constant 0 : index
    %get3A_284 = vector.load %arg2[%get3A_282, %get3A_283] : memref<2048x2048xbf16, #tpu.memory_space<vmem>>, vector<256x2048xbf16>
    %dot_general3A_285 = arith.constant dense<0.000000e+00> : vector<256x256xf32>
    %dot_general3A_286 = tpu.matmul %get3A_284, %convert_element_type3A_281, %dot_general3A_285 {dimension_numbers = #tpu.dot_dimension_numbers<[1], [0], [0], [1], [0, 0, 1, 1], [], []>, transpose_lhs_hint = false} : vector<256x2048xbf16>, vector<2048x256xbf16>, vector<256x256xf32> -> vector<256x256xf32>
    %mul3A_287 = arith.constant 2.000000e+00 : f32
    %mul3A_288 = vector.broadcast %mul3A_287 : f32 to vector<256x256xf32>
    %mul3A_289 = arith.mulf %mul3A_288, %dot_general3A_286 : vector<256x256xf32>
    %slice3A_290 = vector.extract_strided_slice %convert_element_type3A_167 {offsets = [0, 0], sizes = [256, 256], strides = [1, 1]} : vector<2048x256xbf16> to vector<256x256xbf16>
    %convert_element_type3A_291 = arith.extf %slice3A_290 : vector<256x256xbf16> to vector<256x256xf32>
    %sub3A_292 = arith.subf %mul3A_289, %convert_element_type3A_291 : vector<256x256xf32>
    %get3A_293 = arith.constant 256 : index
    %get3A_294 = arith.constant 0 : index
    %get3A_295 = vector.load %arg2[%get3A_293, %get3A_294] : memref<2048x2048xbf16, #tpu.memory_space<vmem>>, vector<256x2048xbf16>
    %dot_general3A_296 = arith.constant dense<0.000000e+00> : vector<256x256xf32>
    %dot_general3A_297 = tpu.matmul %get3A_295, %convert_element_type3A_281, %dot_general3A_296 {dimension_numbers = #tpu.dot_dimension_numbers<[1], [0], [0], [1], [0, 0, 1, 1], [], []>, transpose_lhs_hint = false} : vector<256x2048xbf16>, vector<2048x256xbf16>, vector<256x256xf32> -> vector<256x256xf32>
    %mul3A_298 = arith.constant 2.000000e+00 : f32
    %mul3A_299 = vector.broadcast %mul3A_298 : f32 to vector<256x256xf32>
    %mul3A_300 = arith.mulf %mul3A_299, %dot_general3A_297 : vector<256x256xf32>
    %slice3A_301 = vector.extract_strided_slice %convert_element_type3A_167 {offsets = [256, 0], sizes = [256, 256], strides = [1, 1]} : vector<2048x256xbf16> to vector<256x256xbf16>
    %convert_element_type3A_302 = arith.extf %slice3A_301 : vector<256x256xbf16> to vector<256x256xf32>
    %sub3A_303 = arith.subf %mul3A_300, %convert_element_type3A_302 : vector<256x256xf32>
    %get3A_304 = arith.constant 512 : index
    %get3A_305 = arith.constant 0 : index
    %get3A_306 = vector.load %arg2[%get3A_304, %get3A_305] : memref<2048x2048xbf16, #tpu.memory_space<vmem>>, vector<256x2048xbf16>
    %dot_general3A_307 = arith.constant dense<0.000000e+00> : vector<256x256xf32>
    %dot_general3A_308 = tpu.matmul %get3A_306, %convert_element_type3A_281, %dot_general3A_307 {dimension_numbers = #tpu.dot_dimension_numbers<[1], [0], [0], [1], [0, 0, 1, 1], [], []>, transpose_lhs_hint = false} : vector<256x2048xbf16>, vector<2048x256xbf16>, vector<256x256xf32> -> vector<256x256xf32>
    %mul3A_309 = arith.constant 2.000000e+00 : f32
    %mul3A_310 = vector.broadcast %mul3A_309 : f32 to vector<256x256xf32>
    %mul3A_311 = arith.mulf %mul3A_310, %dot_general3A_308 : vector<256x256xf32>
    %slice3A_312 = vector.extract_strided_slice %convert_element_type3A_167 {offsets = [512, 0], sizes = [256, 256], strides = [1, 1]} : vector<2048x256xbf16> to vector<256x256xbf16>
    %convert_element_type3A_313 = arith.extf %slice3A_312 : vector<256x256xbf16> to vector<256x256xf32>
    %sub3A_314 = arith.subf %mul3A_311, %convert_element_type3A_313 : vector<256x256xf32>
    %get3A_315 = arith.constant 768 : index
    %get3A_316 = arith.constant 0 : index
    %get3A_317 = vector.load %arg2[%get3A_315, %get3A_316] : memref<2048x2048xbf16, #tpu.memory_space<vmem>>, vector<256x2048xbf16>
    %dot_general3A_318 = arith.constant dense<0.000000e+00> : vector<256x256xf32>
    %dot_general3A_319 = tpu.matmul %get3A_317, %convert_element_type3A_281, %dot_general3A_318 {dimension_numbers = #tpu.dot_dimension_numbers<[1], [0], [0], [1], [0, 0, 1, 1], [], []>, transpose_lhs_hint = false} : vector<256x2048xbf16>, vector<2048x256xbf16>, vector<256x256xf32> -> vector<256x256xf32>
    %mul3A_320 = arith.constant 2.000000e+00 : f32
    %mul3A_321 = vector.broadcast %mul3A_320 : f32 to vector<256x256xf32>
    %mul3A_322 = arith.mulf %mul3A_321, %dot_general3A_319 : vector<256x256xf32>
    %slice3A_323 = vector.extract_strided_slice %convert_element_type3A_167 {offsets = [768, 0], sizes = [256, 256], strides = [1, 1]} : vector<2048x256xbf16> to vector<256x256xbf16>
    %convert_element_type3A_324 = arith.extf %slice3A_323 : vector<256x256xbf16> to vector<256x256xf32>
    %sub3A_325 = arith.subf %mul3A_322, %convert_element_type3A_324 : vector<256x256xf32>
    %get3A_326 = arith.constant 1024 : index
    %get3A_327 = arith.constant 0 : index
    %get3A_328 = vector.load %arg2[%get3A_326, %get3A_327] : memref<2048x2048xbf16, #tpu.memory_space<vmem>>, vector<256x2048xbf16>
    %dot_general3A_329 = arith.constant dense<0.000000e+00> : vector<256x256xf32>
    %dot_general3A_330 = tpu.matmul %get3A_328, %convert_element_type3A_281, %dot_general3A_329 {dimension_numbers = #tpu.dot_dimension_numbers<[1], [0], [0], [1], [0, 0, 1, 1], [], []>, transpose_lhs_hint = false} : vector<256x2048xbf16>, vector<2048x256xbf16>, vector<256x256xf32> -> vector<256x256xf32>
    %mul3A_331 = arith.constant 2.000000e+00 : f32
    %mul3A_332 = vector.broadcast %mul3A_331 : f32 to vector<256x256xf32>
    %mul3A_333 = arith.mulf %mul3A_332, %dot_general3A_330 : vector<256x256xf32>
    %slice3A_334 = vector.extract_strided_slice %convert_element_type3A_167 {offsets = [1024, 0], sizes = [256, 256], strides = [1, 1]} : vector<2048x256xbf16> to vector<256x256xbf16>
    %convert_element_type3A_335 = arith.extf %slice3A_334 : vector<256x256xbf16> to vector<256x256xf32>
    %sub3A_336 = arith.subf %mul3A_333, %convert_element_type3A_335 : vector<256x256xf32>
    %get3A_337 = arith.constant 1280 : index
    %get3A_338 = arith.constant 0 : index
    %get3A_339 = vector.load %arg2[%get3A_337, %get3A_338] : memref<2048x2048xbf16, #tpu.memory_space<vmem>>, vector<256x2048xbf16>
    %dot_general3A_340 = arith.constant dense<0.000000e+00> : vector<256x256xf32>
    %dot_general3A_341 = tpu.matmul %get3A_339, %convert_element_type3A_281, %dot_general3A_340 {dimension_numbers = #tpu.dot_dimension_numbers<[1], [0], [0], [1], [0, 0, 1, 1], [], []>, transpose_lhs_hint = false} : vector<256x2048xbf16>, vector<2048x256xbf16>, vector<256x256xf32> -> vector<256x256xf32>
    %mul3A_342 = arith.constant 2.000000e+00 : f32
    %mul3A_343 = vector.broadcast %mul3A_342 : f32 to vector<256x256xf32>
    %mul3A_344 = arith.mulf %mul3A_343, %dot_general3A_341 : vector<256x256xf32>
    %slice3A_345 = vector.extract_strided_slice %convert_element_type3A_167 {offsets = [1280, 0], sizes = [256, 256], strides = [1, 1]} : vector<2048x256xbf16> to vector<256x256xbf16>
    %convert_element_type3A_346 = arith.extf %slice3A_345 : vector<256x256xbf16> to vector<256x256xf32>
    %sub3A_347 = arith.subf %mul3A_344, %convert_element_type3A_346 : vector<256x256xf32>
    %get3A_348 = arith.constant 1536 : index
    %get3A_349 = arith.constant 0 : index
    %get3A_350 = vector.load %arg2[%get3A_348, %get3A_349] : memref<2048x2048xbf16, #tpu.memory_space<vmem>>, vector<256x2048xbf16>
    %dot_general3A_351 = arith.constant dense<0.000000e+00> : vector<256x256xf32>
    %dot_general3A_352 = tpu.matmul %get3A_350, %convert_element_type3A_281, %dot_general3A_351 {dimension_numbers = #tpu.dot_dimension_numbers<[1], [0], [0], [1], [0, 0, 1, 1], [], []>, transpose_lhs_hint = false} : vector<256x2048xbf16>, vector<2048x256xbf16>, vector<256x256xf32> -> vector<256x256xf32>
    %mul3A_353 = arith.constant 2.000000e+00 : f32
    %mul3A_354 = vector.broadcast %mul3A_353 : f32 to vector<256x256xf32>
    %mul3A_355 = arith.mulf %mul3A_354, %dot_general3A_352 : vector<256x256xf32>
    %slice3A_356 = vector.extract_strided_slice %convert_element_type3A_167 {offsets = [1536, 0], sizes = [256, 256], strides = [1, 1]} : vector<2048x256xbf16> to vector<256x256xbf16>
    %convert_element_type3A_357 = arith.extf %slice3A_356 : vector<256x256xbf16> to vector<256x256xf32>
    %sub3A_358 = arith.subf %mul3A_355, %convert_element_type3A_357 : vector<256x256xf32>
    %get3A_359 = arith.constant 1792 : index
    %get3A_360 = arith.constant 0 : index
    %get3A_361 = vector.load %arg2[%get3A_359, %get3A_360] : memref<2048x2048xbf16, #tpu.memory_space<vmem>>, vector<256x2048xbf16>
    %dot_general3A_362 = arith.constant dense<0.000000e+00> : vector<256x256xf32>
    %dot_general3A_363 = tpu.matmul %get3A_361, %convert_element_type3A_281, %dot_general3A_362 {dimension_numbers = #tpu.dot_dimension_numbers<[1], [0], [0], [1], [0, 0, 1, 1], [], []>, transpose_lhs_hint = false} : vector<256x2048xbf16>, vector<2048x256xbf16>, vector<256x256xf32> -> vector<256x256xf32>
    %mul3A_364 = arith.constant 2.000000e+00 : f32
    %mul3A_365 = vector.broadcast %mul3A_364 : f32 to vector<256x256xf32>
    %mul3A_366 = arith.mulf %mul3A_365, %dot_general3A_363 : vector<256x256xf32>
    %slice3A_367 = vector.extract_strided_slice %convert_element_type3A_167 {offsets = [1792, 0], sizes = [256, 256], strides = [1, 1]} : vector<2048x256xbf16> to vector<256x256xbf16>
    %convert_element_type3A_368 = arith.extf %slice3A_367 : vector<256x256xbf16> to vector<256x256xf32>
    %sub3A_369 = arith.subf %mul3A_366, %convert_element_type3A_368 : vector<256x256xf32>
    %concatenate3A_370 = tpu.concatenate %sub3A_292, %sub3A_303, %sub3A_314, %sub3A_325, %sub3A_336, %sub3A_347, %sub3A_358, %sub3A_369 in 0 : vector<256x256xf32>, vector<256x256xf32>, vector<256x256xf32>, vector<256x256xf32>, vector<256x256xf32>, vector<256x256xf32>, vector<256x256xf32>, vector<256x256xf32> -> vector<2048x256xf32>
    %get3A_371 = arith.constant 4 : index
    %get3A_372 = arith.constant 0 : index
    %get3A_373 = memref.load %arg1[%get3A_371, %get3A_372] : memref<17x4xf32, #tpu.memory_space<smem>>
    %mul3A_374 = vector.broadcast %get3A_373 : f32 to vector<2048x256xf32>
    %mul3A_375 = arith.mulf %mul3A_374, %concatenate3A_370 : vector<2048x256xf32>
    %add3A_376 = arith.addf %add3A_262, %mul3A_375 : vector<2048x256xf32>
    %get3A_377 = arith.constant 4 : index
    %get3A_378 = arith.constant 1 : index
    %get3A_379 = memref.load %arg1[%get3A_377, %get3A_378] : memref<17x4xf32, #tpu.memory_space<smem>>
    %mul3A_380 = vector.broadcast %get3A_379 : f32 to vector<2048x256xf32>
    %mul3A_381 = arith.mulf %mul3A_380, %concatenate3A_370 : vector<2048x256xf32>
    %add3A_382 = arith.addf %add3A_268, %mul3A_381 : vector<2048x256xf32>
    %get3A_383 = arith.constant 4 : index
    %get3A_384 = arith.constant 2 : index
    %get3A_385 = memref.load %arg1[%get3A_383, %get3A_384] : memref<17x4xf32, #tpu.memory_space<smem>>
    %mul3A_386 = vector.broadcast %get3A_385 : f32 to vector<2048x256xf32>
    %mul3A_387 = arith.mulf %mul3A_386, %concatenate3A_370 : vector<2048x256xf32>
    %add3A_388 = arith.addf %add3A_274, %mul3A_387 : vector<2048x256xf32>
    %get3A_389 = arith.constant 4 : index
    %get3A_390 = arith.constant 3 : index
    %get3A_391 = memref.load %arg1[%get3A_389, %get3A_390] : memref<17x4xf32, #tpu.memory_space<smem>>
    %mul3A_392 = vector.broadcast %get3A_391 : f32 to vector<2048x256xf32>
    %mul3A_393 = arith.mulf %mul3A_392, %concatenate3A_370 : vector<2048x256xf32>
    %add3A_394 = arith.addf %add3A_280, %mul3A_393 : vector<2048x256xf32>
    %convert_element_type3A_395 = arith.truncf %concatenate3A_370 : vector<2048x256xf32> to vector<2048x256xbf16>
    %get3A_396 = arith.constant 0 : index
    %get3A_397 = arith.constant 0 : index
    %get3A_398 = vector.load %arg2[%get3A_396, %get3A_397] : memref<2048x2048xbf16, #tpu.memory_space<vmem>>, vector<256x2048xbf16>
    %dot_general3A_399 = arith.constant dense<0.000000e+00> : vector<256x256xf32>
    %dot_general3A_400 = tpu.matmul %get3A_398, %convert_element_type3A_395, %dot_general3A_399 {dimension_numbers = #tpu.dot_dimension_numbers<[1], [0], [0], [1], [0, 0, 1, 1], [], []>, transpose_lhs_hint = false} : vector<256x2048xbf16>, vector<2048x256xbf16>, vector<256x256xf32> -> vector<256x256xf32>
    %mul3A_401 = arith.constant 2.000000e+00 : f32
    %mul3A_402 = vector.broadcast %mul3A_401 : f32 to vector<256x256xf32>
    %mul3A_403 = arith.mulf %mul3A_402, %dot_general3A_400 : vector<256x256xf32>
    %slice3A_404 = vector.extract_strided_slice %convert_element_type3A_281 {offsets = [0, 0], sizes = [256, 256], strides = [1, 1]} : vector<2048x256xbf16> to vector<256x256xbf16>
    %convert_element_type3A_405 = arith.extf %slice3A_404 : vector<256x256xbf16> to vector<256x256xf32>
    %sub3A_406 = arith.subf %mul3A_403, %convert_element_type3A_405 : vector<256x256xf32>
    %get3A_407 = arith.constant 256 : index
    %get3A_408 = arith.constant 0 : index
    %get3A_409 = vector.load %arg2[%get3A_407, %get3A_408] : memref<2048x2048xbf16, #tpu.memory_space<vmem>>, vector<256x2048xbf16>
    %dot_general3A_410 = arith.constant dense<0.000000e+00> : vector<256x256xf32>
    %dot_general3A_411 = tpu.matmul %get3A_409, %convert_element_type3A_395, %dot_general3A_410 {dimension_numbers = #tpu.dot_dimension_numbers<[1], [0], [0], [1], [0, 0, 1, 1], [], []>, transpose_lhs_hint = false} : vector<256x2048xbf16>, vector<2048x256xbf16>, vector<256x256xf32> -> vector<256x256xf32>
    %mul3A_412 = arith.constant 2.000000e+00 : f32
    %mul3A_413 = vector.broadcast %mul3A_412 : f32 to vector<256x256xf32>
    %mul3A_414 = arith.mulf %mul3A_413, %dot_general3A_411 : vector<256x256xf32>
    %slice3A_415 = vector.extract_strided_slice %convert_element_type3A_281 {offsets = [256, 0], sizes = [256, 256], strides = [1, 1]} : vector<2048x256xbf16> to vector<256x256xbf16>
    %convert_element_type3A_416 = arith.extf %slice3A_415 : vector<256x256xbf16> to vector<256x256xf32>
    %sub3A_417 = arith.subf %mul3A_414, %convert_element_type3A_416 : vector<256x256xf32>
    %get3A_418 = arith.constant 512 : index
    %get3A_419 = arith.constant 0 : index
    %get3A_420 = vector.load %arg2[%get3A_418, %get3A_419] : memref<2048x2048xbf16, #tpu.memory_space<vmem>>, vector<256x2048xbf16>
    %dot_general3A_421 = arith.constant dense<0.000000e+00> : vector<256x256xf32>
    %dot_general3A_422 = tpu.matmul %get3A_420, %convert_element_type3A_395, %dot_general3A_421 {dimension_numbers = #tpu.dot_dimension_numbers<[1], [0], [0], [1], [0, 0, 1, 1], [], []>, transpose_lhs_hint = false} : vector<256x2048xbf16>, vector<2048x256xbf16>, vector<256x256xf32> -> vector<256x256xf32>
    %mul3A_423 = arith.constant 2.000000e+00 : f32
    %mul3A_424 = vector.broadcast %mul3A_423 : f32 to vector<256x256xf32>
    %mul3A_425 = arith.mulf %mul3A_424, %dot_general3A_422 : vector<256x256xf32>
    %slice3A_426 = vector.extract_strided_slice %convert_element_type3A_281 {offsets = [512, 0], sizes = [256, 256], strides = [1, 1]} : vector<2048x256xbf16> to vector<256x256xbf16>
    %convert_element_type3A_427 = arith.extf %slice3A_426 : vector<256x256xbf16> to vector<256x256xf32>
    %sub3A_428 = arith.subf %mul3A_425, %convert_element_type3A_427 : vector<256x256xf32>
    %get3A_429 = arith.constant 768 : index
    %get3A_430 = arith.constant 0 : index
    %get3A_431 = vector.load %arg2[%get3A_429, %get3A_430] : memref<2048x2048xbf16, #tpu.memory_space<vmem>>, vector<256x2048xbf16>
    %dot_general3A_432 = arith.constant dense<0.000000e+00> : vector<256x256xf32>
    %dot_general3A_433 = tpu.matmul %get3A_431, %convert_element_type3A_395, %dot_general3A_432 {dimension_numbers = #tpu.dot_dimension_numbers<[1], [0], [0], [1], [0, 0, 1, 1], [], []>, transpose_lhs_hint = false} : vector<256x2048xbf16>, vector<2048x256xbf16>, vector<256x256xf32> -> vector<256x256xf32>
    %mul3A_434 = arith.constant 2.000000e+00 : f32
    %mul3A_435 = vector.broadcast %mul3A_434 : f32 to vector<256x256xf32>
    %mul3A_436 = arith.mulf %mul3A_435, %dot_general3A_433 : vector<256x256xf32>
    %slice3A_437 = vector.extract_strided_slice %convert_element_type3A_281 {offsets = [768, 0], sizes = [256, 256], strides = [1, 1]} : vector<2048x256xbf16> to vector<256x256xbf16>
    %convert_element_type3A_438 = arith.extf %slice3A_437 : vector<256x256xbf16> to vector<256x256xf32>
    %sub3A_439 = arith.subf %mul3A_436, %convert_element_type3A_438 : vector<256x256xf32>
    %get3A_440 = arith.constant 1024 : index
    %get3A_441 = arith.constant 0 : index
    %get3A_442 = vector.load %arg2[%get3A_440, %get3A_441] : memref<2048x2048xbf16, #tpu.memory_space<vmem>>, vector<256x2048xbf16>
    %dot_general3A_443 = arith.constant dense<0.000000e+00> : vector<256x256xf32>
    %dot_general3A_444 = tpu.matmul %get3A_442, %convert_element_type3A_395, %dot_general3A_443 {dimension_numbers = #tpu.dot_dimension_numbers<[1], [0], [0], [1], [0, 0, 1, 1], [], []>, transpose_lhs_hint = false} : vector<256x2048xbf16>, vector<2048x256xbf16>, vector<256x256xf32> -> vector<256x256xf32>
    %mul3A_445 = arith.constant 2.000000e+00 : f32
    %mul3A_446 = vector.broadcast %mul3A_445 : f32 to vector<256x256xf32>
    %mul3A_447 = arith.mulf %mul3A_446, %dot_general3A_444 : vector<256x256xf32>
    %slice3A_448 = vector.extract_strided_slice %convert_element_type3A_281 {offsets = [1024, 0], sizes = [256, 256], strides = [1, 1]} : vector<2048x256xbf16> to vector<256x256xbf16>
    %convert_element_type3A_449 = arith.extf %slice3A_448 : vector<256x256xbf16> to vector<256x256xf32>
    %sub3A_450 = arith.subf %mul3A_447, %convert_element_type3A_449 : vector<256x256xf32>
    %get3A_451 = arith.constant 1280 : index
    %get3A_452 = arith.constant 0 : index
    %get3A_453 = vector.load %arg2[%get3A_451, %get3A_452] : memref<2048x2048xbf16, #tpu.memory_space<vmem>>, vector<256x2048xbf16>
    %dot_general3A_454 = arith.constant dense<0.000000e+00> : vector<256x256xf32>
    %dot_general3A_455 = tpu.matmul %get3A_453, %convert_element_type3A_395, %dot_general3A_454 {dimension_numbers = #tpu.dot_dimension_numbers<[1], [0], [0], [1], [0, 0, 1, 1], [], []>, transpose_lhs_hint = false} : vector<256x2048xbf16>, vector<2048x256xbf16>, vector<256x256xf32> -> vector<256x256xf32>
    %mul3A_456 = arith.constant 2.000000e+00 : f32
    %mul3A_457 = vector.broadcast %mul3A_456 : f32 to vector<256x256xf32>
    %mul3A_458 = arith.mulf %mul3A_457, %dot_general3A_455 : vector<256x256xf32>
    %slice3A_459 = vector.extract_strided_slice %convert_element_type3A_281 {offsets = [1280, 0], sizes = [256, 256], strides = [1, 1]} : vector<2048x256xbf16> to vector<256x256xbf16>
    %convert_element_type3A_460 = arith.extf %slice3A_459 : vector<256x256xbf16> to vector<256x256xf32>
    %sub3A_461 = arith.subf %mul3A_458, %convert_element_type3A_460 : vector<256x256xf32>
    %get3A_462 = arith.constant 1536 : index
    %get3A_463 = arith.constant 0 : index
    %get3A_464 = vector.load %arg2[%get3A_462, %get3A_463] : memref<2048x2048xbf16, #tpu.memory_space<vmem>>, vector<256x2048xbf16>
    %dot_general3A_465 = arith.constant dense<0.000000e+00> : vector<256x256xf32>
    %dot_general3A_466 = tpu.matmul %get3A_464, %convert_element_type3A_395, %dot_general3A_465 {dimension_numbers = #tpu.dot_dimension_numbers<[1], [0], [0], [1], [0, 0, 1, 1], [], []>, transpose_lhs_hint = false} : vector<256x2048xbf16>, vector<2048x256xbf16>, vector<256x256xf32> -> vector<256x256xf32>
    %mul3A_467 = arith.constant 2.000000e+00 : f32
    %mul3A_468 = vector.broadcast %mul3A_467 : f32 to vector<256x256xf32>
    %mul3A_469 = arith.mulf %mul3A_468, %dot_general3A_466 : vector<256x256xf32>
    %slice3A_470 = vector.extract_strided_slice %convert_element_type3A_281 {offsets = [1536, 0], sizes = [256, 256], strides = [1, 1]} : vector<2048x256xbf16> to vector<256x256xbf16>
    %convert_element_type3A_471 = arith.extf %slice3A_470 : vector<256x256xbf16> to vector<256x256xf32>
    %sub3A_472 = arith.subf %mul3A_469, %convert_element_type3A_471 : vector<256x256xf32>
    %get3A_473 = arith.constant 1792 : index
    %get3A_474 = arith.constant 0 : index
    %get3A_475 = vector.load %arg2[%get3A_473, %get3A_474] : memref<2048x2048xbf16, #tpu.memory_space<vmem>>, vector<256x2048xbf16>
    %dot_general3A_476 = arith.constant dense<0.000000e+00> : vector<256x256xf32>
    %dot_general3A_477 = tpu.matmul %get3A_475, %convert_element_type3A_395, %dot_general3A_476 {dimension_numbers = #tpu.dot_dimension_numbers<[1], [0], [0], [1], [0, 0, 1, 1], [], []>, transpose_lhs_hint = false} : vector<256x2048xbf16>, vector<2048x256xbf16>, vector<256x256xf32> -> vector<256x256xf32>
    %mul3A_478 = arith.constant 2.000000e+00 : f32
    %mul3A_479 = vector.broadcast %mul3A_478 : f32 to vector<256x256xf32>
    %mul3A_480 = arith.mulf %mul3A_479, %dot_general3A_477 : vector<256x256xf32>
    %slice3A_481 = vector.extract_strided_slice %convert_element_type3A_281 {offsets = [1792, 0], sizes = [256, 256], strides = [1, 1]} : vector<2048x256xbf16> to vector<256x256xbf16>
    %convert_element_type3A_482 = arith.extf %slice3A_481 : vector<256x256xbf16> to vector<256x256xf32>
    %sub3A_483 = arith.subf %mul3A_480, %convert_element_type3A_482 : vector<256x256xf32>
    %concatenate3A_484 = tpu.concatenate %sub3A_406, %sub3A_417, %sub3A_428, %sub3A_439, %sub3A_450, %sub3A_461, %sub3A_472, %sub3A_483 in 0 : vector<256x256xf32>, vector<256x256xf32>, vector<256x256xf32>, vector<256x256xf32>, vector<256x256xf32>, vector<256x256xf32>, vector<256x256xf32>, vector<256x256xf32> -> vector<2048x256xf32>
    %get3A_485 = arith.constant 5 : index
    %get3A_486 = arith.constant 0 : index
    %get3A_487 = memref.load %arg1[%get3A_485, %get3A_486] : memref<17x4xf32, #tpu.memory_space<smem>>
    %mul3A_488 = vector.broadcast %get3A_487 : f32 to vector<2048x256xf32>
    %mul3A_489 = arith.mulf %mul3A_488, %concatenate3A_484 : vector<2048x256xf32>
    %add3A_490 = arith.addf %add3A_376, %mul3A_489 : vector<2048x256xf32>
    %get3A_491 = arith.constant 5 : index
    %get3A_492 = arith.constant 1 : index
    %get3A_493 = memref.load %arg1[%get3A_491, %get3A_492] : memref<17x4xf32, #tpu.memory_space<smem>>
    %mul3A_494 = vector.broadcast %get3A_493 : f32 to vector<2048x256xf32>
    %mul3A_495 = arith.mulf %mul3A_494, %concatenate3A_484 : vector<2048x256xf32>
    %add3A_496 = arith.addf %add3A_382, %mul3A_495 : vector<2048x256xf32>
    %get3A_497 = arith.constant 5 : index
    %get3A_498 = arith.constant 2 : index
    %get3A_499 = memref.load %arg1[%get3A_497, %get3A_498] : memref<17x4xf32, #tpu.memory_space<smem>>
    %mul3A_500 = vector.broadcast %get3A_499 : f32 to vector<2048x256xf32>
    %mul3A_501 = arith.mulf %mul3A_500, %concatenate3A_484 : vector<2048x256xf32>
    %add3A_502 = arith.addf %add3A_388, %mul3A_501 : vector<2048x256xf32>
    %get3A_503 = arith.constant 5 : index
    %get3A_504 = arith.constant 3 : index
    %get3A_505 = memref.load %arg1[%get3A_503, %get3A_504] : memref<17x4xf32, #tpu.memory_space<smem>>
    %mul3A_506 = vector.broadcast %get3A_505 : f32 to vector<2048x256xf32>
    %mul3A_507 = arith.mulf %mul3A_506, %concatenate3A_484 : vector<2048x256xf32>
    %add3A_508 = arith.addf %add3A_394, %mul3A_507 : vector<2048x256xf32>
    %convert_element_type3A_509 = arith.truncf %concatenate3A_484 : vector<2048x256xf32> to vector<2048x256xbf16>
    %get3A_510 = arith.constant 0 : index
    %get3A_511 = arith.constant 0 : index
    %get3A_512 = vector.load %arg2[%get3A_510, %get3A_511] : memref<2048x2048xbf16, #tpu.memory_space<vmem>>, vector<256x2048xbf16>
    %dot_general3A_513 = arith.constant dense<0.000000e+00> : vector<256x256xf32>
    %dot_general3A_514 = tpu.matmul %get3A_512, %convert_element_type3A_509, %dot_general3A_513 {dimension_numbers = #tpu.dot_dimension_numbers<[1], [0], [0], [1], [0, 0, 1, 1], [], []>, transpose_lhs_hint = false} : vector<256x2048xbf16>, vector<2048x256xbf16>, vector<256x256xf32> -> vector<256x256xf32>
    %mul3A_515 = arith.constant 2.000000e+00 : f32
    %mul3A_516 = vector.broadcast %mul3A_515 : f32 to vector<256x256xf32>
    %mul3A_517 = arith.mulf %mul3A_516, %dot_general3A_514 : vector<256x256xf32>
    %slice3A_518 = vector.extract_strided_slice %convert_element_type3A_395 {offsets = [0, 0], sizes = [256, 256], strides = [1, 1]} : vector<2048x256xbf16> to vector<256x256xbf16>
    %convert_element_type3A_519 = arith.extf %slice3A_518 : vector<256x256xbf16> to vector<256x256xf32>
    %sub3A_520 = arith.subf %mul3A_517, %convert_element_type3A_519 : vector<256x256xf32>
    %get3A_521 = arith.constant 256 : index
    %get3A_522 = arith.constant 0 : index
    %get3A_523 = vector.load %arg2[%get3A_521, %get3A_522] : memref<2048x2048xbf16, #tpu.memory_space<vmem>>, vector<256x2048xbf16>
    %dot_general3A_524 = arith.constant dense<0.000000e+00> : vector<256x256xf32>
    %dot_general3A_525 = tpu.matmul %get3A_523, %convert_element_type3A_509, %dot_general3A_524 {dimension_numbers = #tpu.dot_dimension_numbers<[1], [0], [0], [1], [0, 0, 1, 1], [], []>, transpose_lhs_hint = false} : vector<256x2048xbf16>, vector<2048x256xbf16>, vector<256x256xf32> -> vector<256x256xf32>
    %mul3A_526 = arith.constant 2.000000e+00 : f32
    %mul3A_527 = vector.broadcast %mul3A_526 : f32 to vector<256x256xf32>
    %mul3A_528 = arith.mulf %mul3A_527, %dot_general3A_525 : vector<256x256xf32>
    %slice3A_529 = vector.extract_strided_slice %convert_element_type3A_395 {offsets = [256, 0], sizes = [256, 256], strides = [1, 1]} : vector<2048x256xbf16> to vector<256x256xbf16>
    %convert_element_type3A_530 = arith.extf %slice3A_529 : vector<256x256xbf16> to vector<256x256xf32>
    %sub3A_531 = arith.subf %mul3A_528, %convert_element_type3A_530 : vector<256x256xf32>
    %get3A_532 = arith.constant 512 : index
    %get3A_533 = arith.constant 0 : index
    %get3A_534 = vector.load %arg2[%get3A_532, %get3A_533] : memref<2048x2048xbf16, #tpu.memory_space<vmem>>, vector<256x2048xbf16>
    %dot_general3A_535 = arith.constant dense<0.000000e+00> : vector<256x256xf32>
    %dot_general3A_536 = tpu.matmul %get3A_534, %convert_element_type3A_509, %dot_general3A_535 {dimension_numbers = #tpu.dot_dimension_numbers<[1], [0], [0], [1], [0, 0, 1, 1], [], []>, transpose_lhs_hint = false} : vector<256x2048xbf16>, vector<2048x256xbf16>, vector<256x256xf32> -> vector<256x256xf32>
    %mul3A_537 = arith.constant 2.000000e+00 : f32
    %mul3A_538 = vector.broadcast %mul3A_537 : f32 to vector<256x256xf32>
    %mul3A_539 = arith.mulf %mul3A_538, %dot_general3A_536 : vector<256x256xf32>
    %slice3A_540 = vector.extract_strided_slice %convert_element_type3A_395 {offsets = [512, 0], sizes = [256, 256], strides = [1, 1]} : vector<2048x256xbf16> to vector<256x256xbf16>
    %convert_element_type3A_541 = arith.extf %slice3A_540 : vector<256x256xbf16> to vector<256x256xf32>
    %sub3A_542 = arith.subf %mul3A_539, %convert_element_type3A_541 : vector<256x256xf32>
    %get3A_543 = arith.constant 768 : index
    %get3A_544 = arith.constant 0 : index
    %get3A_545 = vector.load %arg2[%get3A_543, %get3A_544] : memref<2048x2048xbf16, #tpu.memory_space<vmem>>, vector<256x2048xbf16>
    %dot_general3A_546 = arith.constant dense<0.000000e+00> : vector<256x256xf32>
    %dot_general3A_547 = tpu.matmul %get3A_545, %convert_element_type3A_509, %dot_general3A_546 {dimension_numbers = #tpu.dot_dimension_numbers<[1], [0], [0], [1], [0, 0, 1, 1], [], []>, transpose_lhs_hint = false} : vector<256x2048xbf16>, vector<2048x256xbf16>, vector<256x256xf32> -> vector<256x256xf32>
    %mul3A_548 = arith.constant 2.000000e+00 : f32
    %mul3A_549 = vector.broadcast %mul3A_548 : f32 to vector<256x256xf32>
    %mul3A_550 = arith.mulf %mul3A_549, %dot_general3A_547 : vector<256x256xf32>
    %slice3A_551 = vector.extract_strided_slice %convert_element_type3A_395 {offsets = [768, 0], sizes = [256, 256], strides = [1, 1]} : vector<2048x256xbf16> to vector<256x256xbf16>
    %convert_element_type3A_552 = arith.extf %slice3A_551 : vector<256x256xbf16> to vector<256x256xf32>
    %sub3A_553 = arith.subf %mul3A_550, %convert_element_type3A_552 : vector<256x256xf32>
    %get3A_554 = arith.constant 1024 : index
    %get3A_555 = arith.constant 0 : index
    %get3A_556 = vector.load %arg2[%get3A_554, %get3A_555] : memref<2048x2048xbf16, #tpu.memory_space<vmem>>, vector<256x2048xbf16>
    %dot_general3A_557 = arith.constant dense<0.000000e+00> : vector<256x256xf32>
    %dot_general3A_558 = tpu.matmul %get3A_556, %convert_element_type3A_509, %dot_general3A_557 {dimension_numbers = #tpu.dot_dimension_numbers<[1], [0], [0], [1], [0, 0, 1, 1], [], []>, transpose_lhs_hint = false} : vector<256x2048xbf16>, vector<2048x256xbf16>, vector<256x256xf32> -> vector<256x256xf32>
    %mul3A_559 = arith.constant 2.000000e+00 : f32
    %mul3A_560 = vector.broadcast %mul3A_559 : f32 to vector<256x256xf32>
    %mul3A_561 = arith.mulf %mul3A_560, %dot_general3A_558 : vector<256x256xf32>
    %slice3A_562 = vector.extract_strided_slice %convert_element_type3A_395 {offsets = [1024, 0], sizes = [256, 256], strides = [1, 1]} : vector<2048x256xbf16> to vector<256x256xbf16>
    %convert_element_type3A_563 = arith.extf %slice3A_562 : vector<256x256xbf16> to vector<256x256xf32>
    %sub3A_564 = arith.subf %mul3A_561, %convert_element_type3A_563 : vector<256x256xf32>
    %get3A_565 = arith.constant 1280 : index
    %get3A_566 = arith.constant 0 : index
    %get3A_567 = vector.load %arg2[%get3A_565, %get3A_566] : memref<2048x2048xbf16, #tpu.memory_space<vmem>>, vector<256x2048xbf16>
    %dot_general3A_568 = arith.constant dense<0.000000e+00> : vector<256x256xf32>
    %dot_general3A_569 = tpu.matmul %get3A_567, %convert_element_type3A_509, %dot_general3A_568 {dimension_numbers = #tpu.dot_dimension_numbers<[1], [0], [0], [1], [0, 0, 1, 1], [], []>, transpose_lhs_hint = false} : vector<256x2048xbf16>, vector<2048x256xbf16>, vector<256x256xf32> -> vector<256x256xf32>
    %mul3A_570 = arith.constant 2.000000e+00 : f32
    %mul3A_571 = vector.broadcast %mul3A_570 : f32 to vector<256x256xf32>
    %mul3A_572 = arith.mulf %mul3A_571, %dot_general3A_569 : vector<256x256xf32>
    %slice3A_573 = vector.extract_strided_slice %convert_element_type3A_395 {offsets = [1280, 0], sizes = [256, 256], strides = [1, 1]} : vector<2048x256xbf16> to vector<256x256xbf16>
    %convert_element_type3A_574 = arith.extf %slice3A_573 : vector<256x256xbf16> to vector<256x256xf32>
    %sub3A_575 = arith.subf %mul3A_572, %convert_element_type3A_574 : vector<256x256xf32>
    %get3A_576 = arith.constant 1536 : index
    %get3A_577 = arith.constant 0 : index
    %get3A_578 = vector.load %arg2[%get3A_576, %get3A_577] : memref<2048x2048xbf16, #tpu.memory_space<vmem>>, vector<256x2048xbf16>
    %dot_general3A_579 = arith.constant dense<0.000000e+00> : vector<256x256xf32>
    %dot_general3A_580 = tpu.matmul %get3A_578, %convert_element_type3A_509, %dot_general3A_579 {dimension_numbers = #tpu.dot_dimension_numbers<[1], [0], [0], [1], [0, 0, 1, 1], [], []>, transpose_lhs_hint = false} : vector<256x2048xbf16>, vector<2048x256xbf16>, vector<256x256xf32> -> vector<256x256xf32>
    %mul3A_581 = arith.constant 2.000000e+00 : f32
    %mul3A_582 = vector.broadcast %mul3A_581 : f32 to vector<256x256xf32>
    %mul3A_583 = arith.mulf %mul3A_582, %dot_general3A_580 : vector<256x256xf32>
    %slice3A_584 = vector.extract_strided_slice %convert_element_type3A_395 {offsets = [1536, 0], sizes = [256, 256], strides = [1, 1]} : vector<2048x256xbf16> to vector<256x256xbf16>
    %convert_element_type3A_585 = arith.extf %slice3A_584 : vector<256x256xbf16> to vector<256x256xf32>
    %sub3A_586 = arith.subf %mul3A_583, %convert_element_type3A_585 : vector<256x256xf32>
    %get3A_587 = arith.constant 1792 : index
    %get3A_588 = arith.constant 0 : index
    %get3A_589 = vector.load %arg2[%get3A_587, %get3A_588] : memref<2048x2048xbf16, #tpu.memory_space<vmem>>, vector<256x2048xbf16>
    %dot_general3A_590 = arith.constant dense<0.000000e+00> : vector<256x256xf32>
    %dot_general3A_591 = tpu.matmul %get3A_589, %convert_element_type3A_509, %dot_general3A_590 {dimension_numbers = #tpu.dot_dimension_numbers<[1], [0], [0], [1], [0, 0, 1, 1], [], []>, transpose_lhs_hint = false} : vector<256x2048xbf16>, vector<2048x256xbf16>, vector<256x256xf32> -> vector<256x256xf32>
    %mul3A_592 = arith.constant 2.000000e+00 : f32
    %mul3A_593 = vector.broadcast %mul3A_592 : f32 to vector<256x256xf32>
    %mul3A_594 = arith.mulf %mul3A_593, %dot_general3A_591 : vector<256x256xf32>
    %slice3A_595 = vector.extract_strided_slice %convert_element_type3A_395 {offsets = [1792, 0], sizes = [256, 256], strides = [1, 1]} : vector<2048x256xbf16> to vector<256x256xbf16>
    %convert_element_type3A_596 = arith.extf %slice3A_595 : vector<256x256xbf16> to vector<256x256xf32>
    %sub3A_597 = arith.subf %mul3A_594, %convert_element_type3A_596 : vector<256x256xf32>
    %concatenate3A_598 = tpu.concatenate %sub3A_520, %sub3A_531, %sub3A_542, %sub3A_553, %sub3A_564, %sub3A_575, %sub3A_586, %sub3A_597 in 0 : vector<256x256xf32>, vector<256x256xf32>, vector<256x256xf32>, vector<256x256xf32>, vector<256x256xf32>, vector<256x256xf32>, vector<256x256xf32>, vector<256x256xf32> -> vector<2048x256xf32>
    %get3A_599 = arith.constant 6 : index
    %get3A_600 = arith.constant 0 : index
    %get3A_601 = memref.load %arg1[%get3A_599, %get3A_600] : memref<17x4xf32, #tpu.memory_space<smem>>
    %mul3A_602 = vector.broadcast %get3A_601 : f32 to vector<2048x256xf32>
    %mul3A_603 = arith.mulf %mul3A_602, %concatenate3A_598 : vector<2048x256xf32>
    %add3A_604 = arith.addf %add3A_490, %mul3A_603 : vector<2048x256xf32>
    %get3A_605 = arith.constant 6 : index
    %get3A_606 = arith.constant 1 : index
    %get3A_607 = memref.load %arg1[%get3A_605, %get3A_606] : memref<17x4xf32, #tpu.memory_space<smem>>
    %mul3A_608 = vector.broadcast %get3A_607 : f32 to vector<2048x256xf32>
    %mul3A_609 = arith.mulf %mul3A_608, %concatenate3A_598 : vector<2048x256xf32>
    %add3A_610 = arith.addf %add3A_496, %mul3A_609 : vector<2048x256xf32>
    %get3A_611 = arith.constant 6 : index
    %get3A_612 = arith.constant 2 : index
    %get3A_613 = memref.load %arg1[%get3A_611, %get3A_612] : memref<17x4xf32, #tpu.memory_space<smem>>
    %mul3A_614 = vector.broadcast %get3A_613 : f32 to vector<2048x256xf32>
    %mul3A_615 = arith.mulf %mul3A_614, %concatenate3A_598 : vector<2048x256xf32>
    %add3A_616 = arith.addf %add3A_502, %mul3A_615 : vector<2048x256xf32>
    %get3A_617 = arith.constant 6 : index
    %get3A_618 = arith.constant 3 : index
    %get3A_619 = memref.load %arg1[%get3A_617, %get3A_618] : memref<17x4xf32, #tpu.memory_space<smem>>
    %mul3A_620 = vector.broadcast %get3A_619 : f32 to vector<2048x256xf32>
    %mul3A_621 = arith.mulf %mul3A_620, %concatenate3A_598 : vector<2048x256xf32>
    %add3A_622 = arith.addf %add3A_508, %mul3A_621 : vector<2048x256xf32>
    %convert_element_type3A_623 = arith.truncf %concatenate3A_598 : vector<2048x256xf32> to vector<2048x256xbf16>
    %get3A_624 = arith.constant 0 : index
    %get3A_625 = arith.constant 0 : index
    %get3A_626 = vector.load %arg2[%get3A_624, %get3A_625] : memref<2048x2048xbf16, #tpu.memory_space<vmem>>, vector<256x2048xbf16>
    %dot_general3A_627 = arith.constant dense<0.000000e+00> : vector<256x256xf32>
    %dot_general3A_628 = tpu.matmul %get3A_626, %convert_element_type3A_623, %dot_general3A_627 {dimension_numbers = #tpu.dot_dimension_numbers<[1], [0], [0], [1], [0, 0, 1, 1], [], []>, transpose_lhs_hint = false} : vector<256x2048xbf16>, vector<2048x256xbf16>, vector<256x256xf32> -> vector<256x256xf32>
    %mul3A_629 = arith.constant 2.000000e+00 : f32
    %mul3A_630 = vector.broadcast %mul3A_629 : f32 to vector<256x256xf32>
    %mul3A_631 = arith.mulf %mul3A_630, %dot_general3A_628 : vector<256x256xf32>
    %slice3A_632 = vector.extract_strided_slice %convert_element_type3A_509 {offsets = [0, 0], sizes = [256, 256], strides = [1, 1]} : vector<2048x256xbf16> to vector<256x256xbf16>
    %convert_element_type3A_633 = arith.extf %slice3A_632 : vector<256x256xbf16> to vector<256x256xf32>
    %sub3A_634 = arith.subf %mul3A_631, %convert_element_type3A_633 : vector<256x256xf32>
    %get3A_635 = arith.constant 256 : index
    %get3A_636 = arith.constant 0 : index
    %get3A_637 = vector.load %arg2[%get3A_635, %get3A_636] : memref<2048x2048xbf16, #tpu.memory_space<vmem>>, vector<256x2048xbf16>
    %dot_general3A_638 = arith.constant dense<0.000000e+00> : vector<256x256xf32>
    %dot_general3A_639 = tpu.matmul %get3A_637, %convert_element_type3A_623, %dot_general3A_638 {dimension_numbers = #tpu.dot_dimension_numbers<[1], [0], [0], [1], [0, 0, 1, 1], [], []>, transpose_lhs_hint = false} : vector<256x2048xbf16>, vector<2048x256xbf16>, vector<256x256xf32> -> vector<256x256xf32>
    %mul3A_640 = arith.constant 2.000000e+00 : f32
    %mul3A_641 = vector.broadcast %mul3A_640 : f32 to vector<256x256xf32>
    %mul3A_642 = arith.mulf %mul3A_641, %dot_general3A_639 : vector<256x256xf32>
    %slice3A_643 = vector.extract_strided_slice %convert_element_type3A_509 {offsets = [256, 0], sizes = [256, 256], strides = [1, 1]} : vector<2048x256xbf16> to vector<256x256xbf16>
    %convert_element_type3A_644 = arith.extf %slice3A_643 : vector<256x256xbf16> to vector<256x256xf32>
    %sub3A_645 = arith.subf %mul3A_642, %convert_element_type3A_644 : vector<256x256xf32>
    %get3A_646 = arith.constant 512 : index
    %get3A_647 = arith.constant 0 : index
    %get3A_648 = vector.load %arg2[%get3A_646, %get3A_647] : memref<2048x2048xbf16, #tpu.memory_space<vmem>>, vector<256x2048xbf16>
    %dot_general3A_649 = arith.constant dense<0.000000e+00> : vector<256x256xf32>
    %dot_general3A_650 = tpu.matmul %get3A_648, %convert_element_type3A_623, %dot_general3A_649 {dimension_numbers = #tpu.dot_dimension_numbers<[1], [0], [0], [1], [0, 0, 1, 1], [], []>, transpose_lhs_hint = false} : vector<256x2048xbf16>, vector<2048x256xbf16>, vector<256x256xf32> -> vector<256x256xf32>
    %mul3A_651 = arith.constant 2.000000e+00 : f32
    %mul3A_652 = vector.broadcast %mul3A_651 : f32 to vector<256x256xf32>
    %mul3A_653 = arith.mulf %mul3A_652, %dot_general3A_650 : vector<256x256xf32>
    %slice3A_654 = vector.extract_strided_slice %convert_element_type3A_509 {offsets = [512, 0], sizes = [256, 256], strides = [1, 1]} : vector<2048x256xbf16> to vector<256x256xbf16>
    %convert_element_type3A_655 = arith.extf %slice3A_654 : vector<256x256xbf16> to vector<256x256xf32>
    %sub3A_656 = arith.subf %mul3A_653, %convert_element_type3A_655 : vector<256x256xf32>
    %get3A_657 = arith.constant 768 : index
    %get3A_658 = arith.constant 0 : index
    %get3A_659 = vector.load %arg2[%get3A_657, %get3A_658] : memref<2048x2048xbf16, #tpu.memory_space<vmem>>, vector<256x2048xbf16>
    %dot_general3A_660 = arith.constant dense<0.000000e+00> : vector<256x256xf32>
    %dot_general3A_661 = tpu.matmul %get3A_659, %convert_element_type3A_623, %dot_general3A_660 {dimension_numbers = #tpu.dot_dimension_numbers<[1], [0], [0], [1], [0, 0, 1, 1], [], []>, transpose_lhs_hint = false} : vector<256x2048xbf16>, vector<2048x256xbf16>, vector<256x256xf32> -> vector<256x256xf32>
    %mul3A_662 = arith.constant 2.000000e+00 : f32
    %mul3A_663 = vector.broadcast %mul3A_662 : f32 to vector<256x256xf32>
    %mul3A_664 = arith.mulf %mul3A_663, %dot_general3A_661 : vector<256x256xf32>
    %slice3A_665 = vector.extract_strided_slice %convert_element_type3A_509 {offsets = [768, 0], sizes = [256, 256], strides = [1, 1]} : vector<2048x256xbf16> to vector<256x256xbf16>
    %convert_element_type3A_666 = arith.extf %slice3A_665 : vector<256x256xbf16> to vector<256x256xf32>
    %sub3A_667 = arith.subf %mul3A_664, %convert_element_type3A_666 : vector<256x256xf32>
    %get3A_668 = arith.constant 1024 : index
    %get3A_669 = arith.constant 0 : index
    %get3A_670 = vector.load %arg2[%get3A_668, %get3A_669] : memref<2048x2048xbf16, #tpu.memory_space<vmem>>, vector<256x2048xbf16>
    %dot_general3A_671 = arith.constant dense<0.000000e+00> : vector<256x256xf32>
    %dot_general3A_672 = tpu.matmul %get3A_670, %convert_element_type3A_623, %dot_general3A_671 {dimension_numbers = #tpu.dot_dimension_numbers<[1], [0], [0], [1], [0, 0, 1, 1], [], []>, transpose_lhs_hint = false} : vector<256x2048xbf16>, vector<2048x256xbf16>, vector<256x256xf32> -> vector<256x256xf32>
    %mul3A_673 = arith.constant 2.000000e+00 : f32
    %mul3A_674 = vector.broadcast %mul3A_673 : f32 to vector<256x256xf32>
    %mul3A_675 = arith.mulf %mul3A_674, %dot_general3A_672 : vector<256x256xf32>
    %slice3A_676 = vector.extract_strided_slice %convert_element_type3A_509 {offsets = [1024, 0], sizes = [256, 256], strides = [1, 1]} : vector<2048x256xbf16> to vector<256x256xbf16>
    %convert_element_type3A_677 = arith.extf %slice3A_676 : vector<256x256xbf16> to vector<256x256xf32>
    %sub3A_678 = arith.subf %mul3A_675, %convert_element_type3A_677 : vector<256x256xf32>
    %get3A_679 = arith.constant 1280 : index
    %get3A_680 = arith.constant 0 : index
    %get3A_681 = vector.load %arg2[%get3A_679, %get3A_680] : memref<2048x2048xbf16, #tpu.memory_space<vmem>>, vector<256x2048xbf16>
    %dot_general3A_682 = arith.constant dense<0.000000e+00> : vector<256x256xf32>
    %dot_general3A_683 = tpu.matmul %get3A_681, %convert_element_type3A_623, %dot_general3A_682 {dimension_numbers = #tpu.dot_dimension_numbers<[1], [0], [0], [1], [0, 0, 1, 1], [], []>, transpose_lhs_hint = false} : vector<256x2048xbf16>, vector<2048x256xbf16>, vector<256x256xf32> -> vector<256x256xf32>
    %mul3A_684 = arith.constant 2.000000e+00 : f32
    %mul3A_685 = vector.broadcast %mul3A_684 : f32 to vector<256x256xf32>
    %mul3A_686 = arith.mulf %mul3A_685, %dot_general3A_683 : vector<256x256xf32>
    %slice3A_687 = vector.extract_strided_slice %convert_element_type3A_509 {offsets = [1280, 0], sizes = [256, 256], strides = [1, 1]} : vector<2048x256xbf16> to vector<256x256xbf16>
    %convert_element_type3A_688 = arith.extf %slice3A_687 : vector<256x256xbf16> to vector<256x256xf32>
    %sub3A_689 = arith.subf %mul3A_686, %convert_element_type3A_688 : vector<256x256xf32>
    %get3A_690 = arith.constant 1536 : index
    %get3A_691 = arith.constant 0 : index
    %get3A_692 = vector.load %arg2[%get3A_690, %get3A_691] : memref<2048x2048xbf16, #tpu.memory_space<vmem>>, vector<256x2048xbf16>
    %dot_general3A_693 = arith.constant dense<0.000000e+00> : vector<256x256xf32>
    %dot_general3A_694 = tpu.matmul %get3A_692, %convert_element_type3A_623, %dot_general3A_693 {dimension_numbers = #tpu.dot_dimension_numbers<[1], [0], [0], [1], [0, 0, 1, 1], [], []>, transpose_lhs_hint = false} : vector<256x2048xbf16>, vector<2048x256xbf16>, vector<256x256xf32> -> vector<256x256xf32>
    %mul3A_695 = arith.constant 2.000000e+00 : f32
    %mul3A_696 = vector.broadcast %mul3A_695 : f32 to vector<256x256xf32>
    %mul3A_697 = arith.mulf %mul3A_696, %dot_general3A_694 : vector<256x256xf32>
    %slice3A_698 = vector.extract_strided_slice %convert_element_type3A_509 {offsets = [1536, 0], sizes = [256, 256], strides = [1, 1]} : vector<2048x256xbf16> to vector<256x256xbf16>
    %convert_element_type3A_699 = arith.extf %slice3A_698 : vector<256x256xbf16> to vector<256x256xf32>
    %sub3A_700 = arith.subf %mul3A_697, %convert_element_type3A_699 : vector<256x256xf32>
    %get3A_701 = arith.constant 1792 : index
    %get3A_702 = arith.constant 0 : index
    %get3A_703 = vector.load %arg2[%get3A_701, %get3A_702] : memref<2048x2048xbf16, #tpu.memory_space<vmem>>, vector<256x2048xbf16>
    %dot_general3A_704 = arith.constant dense<0.000000e+00> : vector<256x256xf32>
    %dot_general3A_705 = tpu.matmul %get3A_703, %convert_element_type3A_623, %dot_general3A_704 {dimension_numbers = #tpu.dot_dimension_numbers<[1], [0], [0], [1], [0, 0, 1, 1], [], []>, transpose_lhs_hint = false} : vector<256x2048xbf16>, vector<2048x256xbf16>, vector<256x256xf32> -> vector<256x256xf32>
    %mul3A_706 = arith.constant 2.000000e+00 : f32
    %mul3A_707 = vector.broadcast %mul3A_706 : f32 to vector<256x256xf32>
    %mul3A_708 = arith.mulf %mul3A_707, %dot_general3A_705 : vector<256x256xf32>
    %slice3A_709 = vector.extract_strided_slice %convert_element_type3A_509 {offsets = [1792, 0], sizes = [256, 256], strides = [1, 1]} : vector<2048x256xbf16> to vector<256x256xbf16>
    %convert_element_type3A_710 = arith.extf %slice3A_709 : vector<256x256xbf16> to vector<256x256xf32>
    %sub3A_711 = arith.subf %mul3A_708, %convert_element_type3A_710 : vector<256x256xf32>
    %concatenate3A_712 = tpu.concatenate %sub3A_634, %sub3A_645, %sub3A_656, %sub3A_667, %sub3A_678, %sub3A_689, %sub3A_700, %sub3A_711 in 0 : vector<256x256xf32>, vector<256x256xf32>, vector<256x256xf32>, vector<256x256xf32>, vector<256x256xf32>, vector<256x256xf32>, vector<256x256xf32>, vector<256x256xf32> -> vector<2048x256xf32>
    %get3A_713 = arith.constant 7 : index
    %get3A_714 = arith.constant 0 : index
    %get3A_715 = memref.load %arg1[%get3A_713, %get3A_714] : memref<17x4xf32, #tpu.memory_space<smem>>
    %mul3A_716 = vector.broadcast %get3A_715 : f32 to vector<2048x256xf32>
    %mul3A_717 = arith.mulf %mul3A_716, %concatenate3A_712 : vector<2048x256xf32>
    %add3A_718 = arith.addf %add3A_604, %mul3A_717 : vector<2048x256xf32>
    %get3A_719 = arith.constant 7 : index
    %get3A_720 = arith.constant 1 : index
    %get3A_721 = memref.load %arg1[%get3A_719, %get3A_720] : memref<17x4xf32, #tpu.memory_space<smem>>
    %mul3A_722 = vector.broadcast %get3A_721 : f32 to vector<2048x256xf32>
    %mul3A_723 = arith.mulf %mul3A_722, %concatenate3A_712 : vector<2048x256xf32>
    %add3A_724 = arith.addf %add3A_610, %mul3A_723 : vector<2048x256xf32>
    %get3A_725 = arith.constant 7 : index
    %get3A_726 = arith.constant 2 : index
    %get3A_727 = memref.load %arg1[%get3A_725, %get3A_726] : memref<17x4xf32, #tpu.memory_space<smem>>
    %mul3A_728 = vector.broadcast %get3A_727 : f32 to vector<2048x256xf32>
    %mul3A_729 = arith.mulf %mul3A_728, %concatenate3A_712 : vector<2048x256xf32>
    %add3A_730 = arith.addf %add3A_616, %mul3A_729 : vector<2048x256xf32>
    %get3A_731 = arith.constant 7 : index
    %get3A_732 = arith.constant 3 : index
    %get3A_733 = memref.load %arg1[%get3A_731, %get3A_732] : memref<17x4xf32, #tpu.memory_space<smem>>
    %mul3A_734 = vector.broadcast %get3A_733 : f32 to vector<2048x256xf32>
    %mul3A_735 = arith.mulf %mul3A_734, %concatenate3A_712 : vector<2048x256xf32>
    %add3A_736 = arith.addf %add3A_622, %mul3A_735 : vector<2048x256xf32>
    %convert_element_type3A_737 = arith.truncf %concatenate3A_712 : vector<2048x256xf32> to vector<2048x256xbf16>
    %get3A_738 = arith.constant 0 : index
    %get3A_739 = arith.constant 0 : index
    %get3A_740 = vector.load %arg2[%get3A_738, %get3A_739] : memref<2048x2048xbf16, #tpu.memory_space<vmem>>, vector<256x2048xbf16>
    %dot_general3A_741 = arith.constant dense<0.000000e+00> : vector<256x256xf32>
    %dot_general3A_742 = tpu.matmul %get3A_740, %convert_element_type3A_737, %dot_general3A_741 {dimension_numbers = #tpu.dot_dimension_numbers<[1], [0], [0], [1], [0, 0, 1, 1], [], []>, transpose_lhs_hint = false} : vector<256x2048xbf16>, vector<2048x256xbf16>, vector<256x256xf32> -> vector<256x256xf32>
    %mul3A_743 = arith.constant 2.000000e+00 : f32
    %mul3A_744 = vector.broadcast %mul3A_743 : f32 to vector<256x256xf32>
    %mul3A_745 = arith.mulf %mul3A_744, %dot_general3A_742 : vector<256x256xf32>
    %slice3A_746 = vector.extract_strided_slice %convert_element_type3A_623 {offsets = [0, 0], sizes = [256, 256], strides = [1, 1]} : vector<2048x256xbf16> to vector<256x256xbf16>
    %convert_element_type3A_747 = arith.extf %slice3A_746 : vector<256x256xbf16> to vector<256x256xf32>
    %sub3A_748 = arith.subf %mul3A_745, %convert_element_type3A_747 : vector<256x256xf32>
    %get3A_749 = arith.constant 256 : index
    %get3A_750 = arith.constant 0 : index
    %get3A_751 = vector.load %arg2[%get3A_749, %get3A_750] : memref<2048x2048xbf16, #tpu.memory_space<vmem>>, vector<256x2048xbf16>
    %dot_general3A_752 = arith.constant dense<0.000000e+00> : vector<256x256xf32>
    %dot_general3A_753 = tpu.matmul %get3A_751, %convert_element_type3A_737, %dot_general3A_752 {dimension_numbers = #tpu.dot_dimension_numbers<[1], [0], [0], [1], [0, 0, 1, 1], [], []>, transpose_lhs_hint = false} : vector<256x2048xbf16>, vector<2048x256xbf16>, vector<256x256xf32> -> vector<256x256xf32>
    %mul3A_754 = arith.constant 2.000000e+00 : f32
    %mul3A_755 = vector.broadcast %mul3A_754 : f32 to vector<256x256xf32>
    %mul3A_756 = arith.mulf %mul3A_755, %dot_general3A_753 : vector<256x256xf32>
    %slice3A_757 = vector.extract_strided_slice %convert_element_type3A_623 {offsets = [256, 0], sizes = [256, 256], strides = [1, 1]} : vector<2048x256xbf16> to vector<256x256xbf16>
    %convert_element_type3A_758 = arith.extf %slice3A_757 : vector<256x256xbf16> to vector<256x256xf32>
    %sub3A_759 = arith.subf %mul3A_756, %convert_element_type3A_758 : vector<256x256xf32>
    %get3A_760 = arith.constant 512 : index
    %get3A_761 = arith.constant 0 : index
    %get3A_762 = vector.load %arg2[%get3A_760, %get3A_761] : memref<2048x2048xbf16, #tpu.memory_space<vmem>>, vector<256x2048xbf16>
    %dot_general3A_763 = arith.constant dense<0.000000e+00> : vector<256x256xf32>
    %dot_general3A_764 = tpu.matmul %get3A_762, %convert_element_type3A_737, %dot_general3A_763 {dimension_numbers = #tpu.dot_dimension_numbers<[1], [0], [0], [1], [0, 0, 1, 1], [], []>, transpose_lhs_hint = false} : vector<256x2048xbf16>, vector<2048x256xbf16>, vector<256x256xf32> -> vector<256x256xf32>
    %mul3A_765 = arith.constant 2.000000e+00 : f32
    %mul3A_766 = vector.broadcast %mul3A_765 : f32 to vector<256x256xf32>
    %mul3A_767 = arith.mulf %mul3A_766, %dot_general3A_764 : vector<256x256xf32>
    %slice3A_768 = vector.extract_strided_slice %convert_element_type3A_623 {offsets = [512, 0], sizes = [256, 256], strides = [1, 1]} : vector<2048x256xbf16> to vector<256x256xbf16>
    %convert_element_type3A_769 = arith.extf %slice3A_768 : vector<256x256xbf16> to vector<256x256xf32>
    %sub3A_770 = arith.subf %mul3A_767, %convert_element_type3A_769 : vector<256x256xf32>
    %get3A_771 = arith.constant 768 : index
    %get3A_772 = arith.constant 0 : index
    %get3A_773 = vector.load %arg2[%get3A_771, %get3A_772] : memref<2048x2048xbf16, #tpu.memory_space<vmem>>, vector<256x2048xbf16>
    %dot_general3A_774 = arith.constant dense<0.000000e+00> : vector<256x256xf32>
    %dot_general3A_775 = tpu.matmul %get3A_773, %convert_element_type3A_737, %dot_general3A_774 {dimension_numbers = #tpu.dot_dimension_numbers<[1], [0], [0], [1], [0, 0, 1, 1], [], []>, transpose_lhs_hint = false} : vector<256x2048xbf16>, vector<2048x256xbf16>, vector<256x256xf32> -> vector<256x256xf32>
    %mul3A_776 = arith.constant 2.000000e+00 : f32
    %mul3A_777 = vector.broadcast %mul3A_776 : f32 to vector<256x256xf32>
    %mul3A_778 = arith.mulf %mul3A_777, %dot_general3A_775 : vector<256x256xf32>
    %slice3A_779 = vector.extract_strided_slice %convert_element_type3A_623 {offsets = [768, 0], sizes = [256, 256], strides = [1, 1]} : vector<2048x256xbf16> to vector<256x256xbf16>
    %convert_element_type3A_780 = arith.extf %slice3A_779 : vector<256x256xbf16> to vector<256x256xf32>
    %sub3A_781 = arith.subf %mul3A_778, %convert_element_type3A_780 : vector<256x256xf32>
    %get3A_782 = arith.constant 1024 : index
    %get3A_783 = arith.constant 0 : index
    %get3A_784 = vector.load %arg2[%get3A_782, %get3A_783] : memref<2048x2048xbf16, #tpu.memory_space<vmem>>, vector<256x2048xbf16>
    %dot_general3A_785 = arith.constant dense<0.000000e+00> : vector<256x256xf32>
    %dot_general3A_786 = tpu.matmul %get3A_784, %convert_element_type3A_737, %dot_general3A_785 {dimension_numbers = #tpu.dot_dimension_numbers<[1], [0], [0], [1], [0, 0, 1, 1], [], []>, transpose_lhs_hint = false} : vector<256x2048xbf16>, vector<2048x256xbf16>, vector<256x256xf32> -> vector<256x256xf32>
    %mul3A_787 = arith.constant 2.000000e+00 : f32
    %mul3A_788 = vector.broadcast %mul3A_787 : f32 to vector<256x256xf32>
    %mul3A_789 = arith.mulf %mul3A_788, %dot_general3A_786 : vector<256x256xf32>
    %slice3A_790 = vector.extract_strided_slice %convert_element_type3A_623 {offsets = [1024, 0], sizes = [256, 256], strides = [1, 1]} : vector<2048x256xbf16> to vector<256x256xbf16>
    %convert_element_type3A_791 = arith.extf %slice3A_790 : vector<256x256xbf16> to vector<256x256xf32>
    %sub3A_792 = arith.subf %mul3A_789, %convert_element_type3A_791 : vector<256x256xf32>
    %get3A_793 = arith.constant 1280 : index
    %get3A_794 = arith.constant 0 : index
    %get3A_795 = vector.load %arg2[%get3A_793, %get3A_794] : memref<2048x2048xbf16, #tpu.memory_space<vmem>>, vector<256x2048xbf16>
    %dot_general3A_796 = arith.constant dense<0.000000e+00> : vector<256x256xf32>
    %dot_general3A_797 = tpu.matmul %get3A_795, %convert_element_type3A_737, %dot_general3A_796 {dimension_numbers = #tpu.dot_dimension_numbers<[1], [0], [0], [1], [0, 0, 1, 1], [], []>, transpose_lhs_hint = false} : vector<256x2048xbf16>, vector<2048x256xbf16>, vector<256x256xf32> -> vector<256x256xf32>
    %mul3A_798 = arith.constant 2.000000e+00 : f32
    %mul3A_799 = vector.broadcast %mul3A_798 : f32 to vector<256x256xf32>
    %mul3A_800 = arith.mulf %mul3A_799, %dot_general3A_797 : vector<256x256xf32>
    %slice3A_801 = vector.extract_strided_slice %convert_element_type3A_623 {offsets = [1280, 0], sizes = [256, 256], strides = [1, 1]} : vector<2048x256xbf16> to vector<256x256xbf16>
    %convert_element_type3A_802 = arith.extf %slice3A_801 : vector<256x256xbf16> to vector<256x256xf32>
    %sub3A_803 = arith.subf %mul3A_800, %convert_element_type3A_802 : vector<256x256xf32>
    %get3A_804 = arith.constant 1536 : index
    %get3A_805 = arith.constant 0 : index
    %get3A_806 = vector.load %arg2[%get3A_804, %get3A_805] : memref<2048x2048xbf16, #tpu.memory_space<vmem>>, vector<256x2048xbf16>
    %dot_general3A_807 = arith.constant dense<0.000000e+00> : vector<256x256xf32>
    %dot_general3A_808 = tpu.matmul %get3A_806, %convert_element_type3A_737, %dot_general3A_807 {dimension_numbers = #tpu.dot_dimension_numbers<[1], [0], [0], [1], [0, 0, 1, 1], [], []>, transpose_lhs_hint = false} : vector<256x2048xbf16>, vector<2048x256xbf16>, vector<256x256xf32> -> vector<256x256xf32>
    %mul3A_809 = arith.constant 2.000000e+00 : f32
    %mul3A_810 = vector.broadcast %mul3A_809 : f32 to vector<256x256xf32>
    %mul3A_811 = arith.mulf %mul3A_810, %dot_general3A_808 : vector<256x256xf32>
    %slice3A_812 = vector.extract_strided_slice %convert_element_type3A_623 {offsets = [1536, 0], sizes = [256, 256], strides = [1, 1]} : vector<2048x256xbf16> to vector<256x256xbf16>
    %convert_element_type3A_813 = arith.extf %slice3A_812 : vector<256x256xbf16> to vector<256x256xf32>
    %sub3A_814 = arith.subf %mul3A_811, %convert_element_type3A_813 : vector<256x256xf32>
    %get3A_815 = arith.constant 1792 : index
    %get3A_816 = arith.constant 0 : index
    %get3A_817 = vector.load %arg2[%get3A_815, %get3A_816] : memref<2048x2048xbf16, #tpu.memory_space<vmem>>, vector<256x2048xbf16>
    %dot_general3A_818 = arith.constant dense<0.000000e+00> : vector<256x256xf32>
    %dot_general3A_819 = tpu.matmul %get3A_817, %convert_element_type3A_737, %dot_general3A_818 {dimension_numbers = #tpu.dot_dimension_numbers<[1], [0], [0], [1], [0, 0, 1, 1], [], []>, transpose_lhs_hint = false} : vector<256x2048xbf16>, vector<2048x256xbf16>, vector<256x256xf32> -> vector<256x256xf32>
    %mul3A_820 = arith.constant 2.000000e+00 : f32
    %mul3A_821 = vector.broadcast %mul3A_820 : f32 to vector<256x256xf32>
    %mul3A_822 = arith.mulf %mul3A_821, %dot_general3A_819 : vector<256x256xf32>
    %slice3A_823 = vector.extract_strided_slice %convert_element_type3A_623 {offsets = [1792, 0], sizes = [256, 256], strides = [1, 1]} : vector<2048x256xbf16> to vector<256x256xbf16>
    %convert_element_type3A_824 = arith.extf %slice3A_823 : vector<256x256xbf16> to vector<256x256xf32>
    %sub3A_825 = arith.subf %mul3A_822, %convert_element_type3A_824 : vector<256x256xf32>
    %concatenate3A_826 = tpu.concatenate %sub3A_748, %sub3A_759, %sub3A_770, %sub3A_781, %sub3A_792, %sub3A_803, %sub3A_814, %sub3A_825 in 0 : vector<256x256xf32>, vector<256x256xf32>, vector<256x256xf32>, vector<256x256xf32>, vector<256x256xf32>, vector<256x256xf32>, vector<256x256xf32>, vector<256x256xf32> -> vector<2048x256xf32>
    %get3A_827 = arith.constant 8 : index
    %get3A_828 = arith.constant 0 : index
    %get3A_829 = memref.load %arg1[%get3A_827, %get3A_828] : memref<17x4xf32, #tpu.memory_space<smem>>
    %mul3A_830 = vector.broadcast %get3A_829 : f32 to vector<2048x256xf32>
    %mul3A_831 = arith.mulf %mul3A_830, %concatenate3A_826 : vector<2048x256xf32>
    %add3A_832 = arith.addf %add3A_718, %mul3A_831 : vector<2048x256xf32>
    %get3A_833 = arith.constant 8 : index
    %get3A_834 = arith.constant 1 : index
    %get3A_835 = memref.load %arg1[%get3A_833, %get3A_834] : memref<17x4xf32, #tpu.memory_space<smem>>
    %mul3A_836 = vector.broadcast %get3A_835 : f32 to vector<2048x256xf32>
    %mul3A_837 = arith.mulf %mul3A_836, %concatenate3A_826 : vector<2048x256xf32>
    %add3A_838 = arith.addf %add3A_724, %mul3A_837 : vector<2048x256xf32>
    %get3A_839 = arith.constant 8 : index
    %get3A_840 = arith.constant 2 : index
    %get3A_841 = memref.load %arg1[%get3A_839, %get3A_840] : memref<17x4xf32, #tpu.memory_space<smem>>
    %mul3A_842 = vector.broadcast %get3A_841 : f32 to vector<2048x256xf32>
    %mul3A_843 = arith.mulf %mul3A_842, %concatenate3A_826 : vector<2048x256xf32>
    %add3A_844 = arith.addf %add3A_730, %mul3A_843 : vector<2048x256xf32>
    %get3A_845 = arith.constant 8 : index
    %get3A_846 = arith.constant 3 : index
    %get3A_847 = memref.load %arg1[%get3A_845, %get3A_846] : memref<17x4xf32, #tpu.memory_space<smem>>
    %mul3A_848 = vector.broadcast %get3A_847 : f32 to vector<2048x256xf32>
    %mul3A_849 = arith.mulf %mul3A_848, %concatenate3A_826 : vector<2048x256xf32>
    %add3A_850 = arith.addf %add3A_736, %mul3A_849 : vector<2048x256xf32>
    %convert_element_type3A_851 = arith.truncf %concatenate3A_826 : vector<2048x256xf32> to vector<2048x256xbf16>
    %get3A_852 = arith.constant 0 : index
    %get3A_853 = arith.constant 0 : index
    %get3A_854 = vector.load %arg2[%get3A_852, %get3A_853] : memref<2048x2048xbf16, #tpu.memory_space<vmem>>, vector<256x2048xbf16>
    %dot_general3A_855 = arith.constant dense<0.000000e+00> : vector<256x256xf32>
    %dot_general3A_856 = tpu.matmul %get3A_854, %convert_element_type3A_851, %dot_general3A_855 {dimension_numbers = #tpu.dot_dimension_numbers<[1], [0], [0], [1], [0, 0, 1, 1], [], []>, transpose_lhs_hint = false} : vector<256x2048xbf16>, vector<2048x256xbf16>, vector<256x256xf32> -> vector<256x256xf32>
    %mul3A_857 = arith.constant 2.000000e+00 : f32
    %mul3A_858 = vector.broadcast %mul3A_857 : f32 to vector<256x256xf32>
    %mul3A_859 = arith.mulf %mul3A_858, %dot_general3A_856 : vector<256x256xf32>
    %slice3A_860 = vector.extract_strided_slice %convert_element_type3A_737 {offsets = [0, 0], sizes = [256, 256], strides = [1, 1]} : vector<2048x256xbf16> to vector<256x256xbf16>
    %convert_element_type3A_861 = arith.extf %slice3A_860 : vector<256x256xbf16> to vector<256x256xf32>
    %sub3A_862 = arith.subf %mul3A_859, %convert_element_type3A_861 : vector<256x256xf32>
    %get3A_863 = arith.constant 256 : index
    %get3A_864 = arith.constant 0 : index
    %get3A_865 = vector.load %arg2[%get3A_863, %get3A_864] : memref<2048x2048xbf16, #tpu.memory_space<vmem>>, vector<256x2048xbf16>
    %dot_general3A_866 = arith.constant dense<0.000000e+00> : vector<256x256xf32>
    %dot_general3A_867 = tpu.matmul %get3A_865, %convert_element_type3A_851, %dot_general3A_866 {dimension_numbers = #tpu.dot_dimension_numbers<[1], [0], [0], [1], [0, 0, 1, 1], [], []>, transpose_lhs_hint = false} : vector<256x2048xbf16>, vector<2048x256xbf16>, vector<256x256xf32> -> vector<256x256xf32>
    %mul3A_868 = arith.constant 2.000000e+00 : f32
    %mul3A_869 = vector.broadcast %mul3A_868 : f32 to vector<256x256xf32>
    %mul3A_870 = arith.mulf %mul3A_869, %dot_general3A_867 : vector<256x256xf32>
    %slice3A_871 = vector.extract_strided_slice %convert_element_type3A_737 {offsets = [256, 0], sizes = [256, 256], strides = [1, 1]} : vector<2048x256xbf16> to vector<256x256xbf16>
    %convert_element_type3A_872 = arith.extf %slice3A_871 : vector<256x256xbf16> to vector<256x256xf32>
    %sub3A_873 = arith.subf %mul3A_870, %convert_element_type3A_872 : vector<256x256xf32>
    %get3A_874 = arith.constant 512 : index
    %get3A_875 = arith.constant 0 : index
    %get3A_876 = vector.load %arg2[%get3A_874, %get3A_875] : memref<2048x2048xbf16, #tpu.memory_space<vmem>>, vector<256x2048xbf16>
    %dot_general3A_877 = arith.constant dense<0.000000e+00> : vector<256x256xf32>
    %dot_general3A_878 = tpu.matmul %get3A_876, %convert_element_type3A_851, %dot_general3A_877 {dimension_numbers = #tpu.dot_dimension_numbers<[1], [0], [0], [1], [0, 0, 1, 1], [], []>, transpose_lhs_hint = false} : vector<256x2048xbf16>, vector<2048x256xbf16>, vector<256x256xf32> -> vector<256x256xf32>
    %mul3A_879 = arith.constant 2.000000e+00 : f32
    %mul3A_880 = vector.broadcast %mul3A_879 : f32 to vector<256x256xf32>
    %mul3A_881 = arith.mulf %mul3A_880, %dot_general3A_878 : vector<256x256xf32>
    %slice3A_882 = vector.extract_strided_slice %convert_element_type3A_737 {offsets = [512, 0], sizes = [256, 256], strides = [1, 1]} : vector<2048x256xbf16> to vector<256x256xbf16>
    %convert_element_type3A_883 = arith.extf %slice3A_882 : vector<256x256xbf16> to vector<256x256xf32>
    %sub3A_884 = arith.subf %mul3A_881, %convert_element_type3A_883 : vector<256x256xf32>
    %get3A_885 = arith.constant 768 : index
    %get3A_886 = arith.constant 0 : index
    %get3A_887 = vector.load %arg2[%get3A_885, %get3A_886] : memref<2048x2048xbf16, #tpu.memory_space<vmem>>, vector<256x2048xbf16>
    %dot_general3A_888 = arith.constant dense<0.000000e+00> : vector<256x256xf32>
    %dot_general3A_889 = tpu.matmul %get3A_887, %convert_element_type3A_851, %dot_general3A_888 {dimension_numbers = #tpu.dot_dimension_numbers<[1], [0], [0], [1], [0, 0, 1, 1], [], []>, transpose_lhs_hint = false} : vector<256x2048xbf16>, vector<2048x256xbf16>, vector<256x256xf32> -> vector<256x256xf32>
    %mul3A_890 = arith.constant 2.000000e+00 : f32
    %mul3A_891 = vector.broadcast %mul3A_890 : f32 to vector<256x256xf32>
    %mul3A_892 = arith.mulf %mul3A_891, %dot_general3A_889 : vector<256x256xf32>
    %slice3A_893 = vector.extract_strided_slice %convert_element_type3A_737 {offsets = [768, 0], sizes = [256, 256], strides = [1, 1]} : vector<2048x256xbf16> to vector<256x256xbf16>
    %convert_element_type3A_894 = arith.extf %slice3A_893 : vector<256x256xbf16> to vector<256x256xf32>
    %sub3A_895 = arith.subf %mul3A_892, %convert_element_type3A_894 : vector<256x256xf32>
    %get3A_896 = arith.constant 1024 : index
    %get3A_897 = arith.constant 0 : index
    %get3A_898 = vector.load %arg2[%get3A_896, %get3A_897] : memref<2048x2048xbf16, #tpu.memory_space<vmem>>, vector<256x2048xbf16>
    %dot_general3A_899 = arith.constant dense<0.000000e+00> : vector<256x256xf32>
    %dot_general3A_900 = tpu.matmul %get3A_898, %convert_element_type3A_851, %dot_general3A_899 {dimension_numbers = #tpu.dot_dimension_numbers<[1], [0], [0], [1], [0, 0, 1, 1], [], []>, transpose_lhs_hint = false} : vector<256x2048xbf16>, vector<2048x256xbf16>, vector<256x256xf32> -> vector<256x256xf32>
    %mul3A_901 = arith.constant 2.000000e+00 : f32
    %mul3A_902 = vector.broadcast %mul3A_901 : f32 to vector<256x256xf32>
    %mul3A_903 = arith.mulf %mul3A_902, %dot_general3A_900 : vector<256x256xf32>
    %slice3A_904 = vector.extract_strided_slice %convert_element_type3A_737 {offsets = [1024, 0], sizes = [256, 256], strides = [1, 1]} : vector<2048x256xbf16> to vector<256x256xbf16>
    %convert_element_type3A_905 = arith.extf %slice3A_904 : vector<256x256xbf16> to vector<256x256xf32>
    %sub3A_906 = arith.subf %mul3A_903, %convert_element_type3A_905 : vector<256x256xf32>
    %get3A_907 = arith.constant 1280 : index
    %get3A_908 = arith.constant 0 : index
    %get3A_909 = vector.load %arg2[%get3A_907, %get3A_908] : memref<2048x2048xbf16, #tpu.memory_space<vmem>>, vector<256x2048xbf16>
    %dot_general3A_910 = arith.constant dense<0.000000e+00> : vector<256x256xf32>
    %dot_general3A_911 = tpu.matmul %get3A_909, %convert_element_type3A_851, %dot_general3A_910 {dimension_numbers = #tpu.dot_dimension_numbers<[1], [0], [0], [1], [0, 0, 1, 1], [], []>, transpose_lhs_hint = false} : vector<256x2048xbf16>, vector<2048x256xbf16>, vector<256x256xf32> -> vector<256x256xf32>
    %mul3A_912 = arith.constant 2.000000e+00 : f32
    %mul3A_913 = vector.broadcast %mul3A_912 : f32 to vector<256x256xf32>
    %mul3A_914 = arith.mulf %mul3A_913, %dot_general3A_911 : vector<256x256xf32>
    %slice3A_915 = vector.extract_strided_slice %convert_element_type3A_737 {offsets = [1280, 0], sizes = [256, 256], strides = [1, 1]} : vector<2048x256xbf16> to vector<256x256xbf16>
    %convert_element_type3A_916 = arith.extf %slice3A_915 : vector<256x256xbf16> to vector<256x256xf32>
    %sub3A_917 = arith.subf %mul3A_914, %convert_element_type3A_916 : vector<256x256xf32>
    %get3A_918 = arith.constant 1536 : index
    %get3A_919 = arith.constant 0 : index
    %get3A_920 = vector.load %arg2[%get3A_918, %get3A_919] : memref<2048x2048xbf16, #tpu.memory_space<vmem>>, vector<256x2048xbf16>
    %dot_general3A_921 = arith.constant dense<0.000000e+00> : vector<256x256xf32>
    %dot_general3A_922 = tpu.matmul %get3A_920, %convert_element_type3A_851, %dot_general3A_921 {dimension_numbers = #tpu.dot_dimension_numbers<[1], [0], [0], [1], [0, 0, 1, 1], [], []>, transpose_lhs_hint = false} : vector<256x2048xbf16>, vector<2048x256xbf16>, vector<256x256xf32> -> vector<256x256xf32>
    %mul3A_923 = arith.constant 2.000000e+00 : f32
    %mul3A_924 = vector.broadcast %mul3A_923 : f32 to vector<256x256xf32>
    %mul3A_925 = arith.mulf %mul3A_924, %dot_general3A_922 : vector<256x256xf32>
    %slice3A_926 = vector.extract_strided_slice %convert_element_type3A_737 {offsets = [1536, 0], sizes = [256, 256], strides = [1, 1]} : vector<2048x256xbf16> to vector<256x256xbf16>
    %convert_element_type3A_927 = arith.extf %slice3A_926 : vector<256x256xbf16> to vector<256x256xf32>
    %sub3A_928 = arith.subf %mul3A_925, %convert_element_type3A_927 : vector<256x256xf32>
    %get3A_929 = arith.constant 1792 : index
    %get3A_930 = arith.constant 0 : index
    %get3A_931 = vector.load %arg2[%get3A_929, %get3A_930] : memref<2048x2048xbf16, #tpu.memory_space<vmem>>, vector<256x2048xbf16>
    %dot_general3A_932 = arith.constant dense<0.000000e+00> : vector<256x256xf32>
    %dot_general3A_933 = tpu.matmul %get3A_931, %convert_element_type3A_851, %dot_general3A_932 {dimension_numbers = #tpu.dot_dimension_numbers<[1], [0], [0], [1], [0, 0, 1, 1], [], []>, transpose_lhs_hint = false} : vector<256x2048xbf16>, vector<2048x256xbf16>, vector<256x256xf32> -> vector<256x256xf32>
    %mul3A_934 = arith.constant 2.000000e+00 : f32
    %mul3A_935 = vector.broadcast %mul3A_934 : f32 to vector<256x256xf32>
    %mul3A_936 = arith.mulf %mul3A_935, %dot_general3A_933 : vector<256x256xf32>
    %slice3A_937 = vector.extract_strided_slice %convert_element_type3A_737 {offsets = [1792, 0], sizes = [256, 256], strides = [1, 1]} : vector<2048x256xbf16> to vector<256x256xbf16>
    %convert_element_type3A_938 = arith.extf %slice3A_937 : vector<256x256xbf16> to vector<256x256xf32>
    %sub3A_939 = arith.subf %mul3A_936, %convert_element_type3A_938 : vector<256x256xf32>
    %concatenate3A_940 = tpu.concatenate %sub3A_862, %sub3A_873, %sub3A_884, %sub3A_895, %sub3A_906, %sub3A_917, %sub3A_928, %sub3A_939 in 0 : vector<256x256xf32>, vector<256x256xf32>, vector<256x256xf32>, vector<256x256xf32>, vector<256x256xf32>, vector<256x256xf32>, vector<256x256xf32>, vector<256x256xf32> -> vector<2048x256xf32>
    %get3A_941 = arith.constant 9 : index
    %get3A_942 = arith.constant 0 : index
    %get3A_943 = memref.load %arg1[%get3A_941, %get3A_942] : memref<17x4xf32, #tpu.memory_space<smem>>
    %mul3A_944 = vector.broadcast %get3A_943 : f32 to vector<2048x256xf32>
    %mul3A_945 = arith.mulf %mul3A_944, %concatenate3A_940 : vector<2048x256xf32>
    %add3A_946 = arith.addf %add3A_832, %mul3A_945 : vector<2048x256xf32>
    %get3A_947 = arith.constant 9 : index
    %get3A_948 = arith.constant 1 : index
    %get3A_949 = memref.load %arg1[%get3A_947, %get3A_948] : memref<17x4xf32, #tpu.memory_space<smem>>
    %mul3A_950 = vector.broadcast %get3A_949 : f32 to vector<2048x256xf32>
    %mul3A_951 = arith.mulf %mul3A_950, %concatenate3A_940 : vector<2048x256xf32>
    %add3A_952 = arith.addf %add3A_838, %mul3A_951 : vector<2048x256xf32>
    %get3A_953 = arith.constant 9 : index
    %get3A_954 = arith.constant 2 : index
    %get3A_955 = memref.load %arg1[%get3A_953, %get3A_954] : memref<17x4xf32, #tpu.memory_space<smem>>
    %mul3A_956 = vector.broadcast %get3A_955 : f32 to vector<2048x256xf32>
    %mul3A_957 = arith.mulf %mul3A_956, %concatenate3A_940 : vector<2048x256xf32>
    %add3A_958 = arith.addf %add3A_844, %mul3A_957 : vector<2048x256xf32>
    %get3A_959 = arith.constant 9 : index
    %get3A_960 = arith.constant 3 : index
    %get3A_961 = memref.load %arg1[%get3A_959, %get3A_960] : memref<17x4xf32, #tpu.memory_space<smem>>
    %mul3A_962 = vector.broadcast %get3A_961 : f32 to vector<2048x256xf32>
    %mul3A_963 = arith.mulf %mul3A_962, %concatenate3A_940 : vector<2048x256xf32>
    %add3A_964 = arith.addf %add3A_850, %mul3A_963 : vector<2048x256xf32>
    %convert_element_type3A_965 = arith.truncf %concatenate3A_940 : vector<2048x256xf32> to vector<2048x256xbf16>
    %get3A_966 = arith.constant 0 : index
    %get3A_967 = arith.constant 0 : index
    %get3A_968 = vector.load %arg2[%get3A_966, %get3A_967] : memref<2048x2048xbf16, #tpu.memory_space<vmem>>, vector<256x2048xbf16>
    %dot_general3A_969 = arith.constant dense<0.000000e+00> : vector<256x256xf32>
    %dot_general3A_970 = tpu.matmul %get3A_968, %convert_element_type3A_965, %dot_general3A_969 {dimension_numbers = #tpu.dot_dimension_numbers<[1], [0], [0], [1], [0, 0, 1, 1], [], []>, transpose_lhs_hint = false} : vector<256x2048xbf16>, vector<2048x256xbf16>, vector<256x256xf32> -> vector<256x256xf32>
    %mul3A_971 = arith.constant 2.000000e+00 : f32
    %mul3A_972 = vector.broadcast %mul3A_971 : f32 to vector<256x256xf32>
    %mul3A_973 = arith.mulf %mul3A_972, %dot_general3A_970 : vector<256x256xf32>
    %slice3A_974 = vector.extract_strided_slice %convert_element_type3A_851 {offsets = [0, 0], sizes = [256, 256], strides = [1, 1]} : vector<2048x256xbf16> to vector<256x256xbf16>
    %convert_element_type3A_975 = arith.extf %slice3A_974 : vector<256x256xbf16> to vector<256x256xf32>
    %sub3A_976 = arith.subf %mul3A_973, %convert_element_type3A_975 : vector<256x256xf32>
    %get3A_977 = arith.constant 256 : index
    %get3A_978 = arith.constant 0 : index
    %get3A_979 = vector.load %arg2[%get3A_977, %get3A_978] : memref<2048x2048xbf16, #tpu.memory_space<vmem>>, vector<256x2048xbf16>
    %dot_general3A_980 = arith.constant dense<0.000000e+00> : vector<256x256xf32>
    %dot_general3A_981 = tpu.matmul %get3A_979, %convert_element_type3A_965, %dot_general3A_980 {dimension_numbers = #tpu.dot_dimension_numbers<[1], [0], [0], [1], [0, 0, 1, 1], [], []>, transpose_lhs_hint = false} : vector<256x2048xbf16>, vector<2048x256xbf16>, vector<256x256xf32> -> vector<256x256xf32>
    %mul3A_982 = arith.constant 2.000000e+00 : f32
    %mul3A_983 = vector.broadcast %mul3A_982 : f32 to vector<256x256xf32>
    %mul3A_984 = arith.mulf %mul3A_983, %dot_general3A_981 : vector<256x256xf32>
    %slice3A_985 = vector.extract_strided_slice %convert_element_type3A_851 {offsets = [256, 0], sizes = [256, 256], strides = [1, 1]} : vector<2048x256xbf16> to vector<256x256xbf16>
    %convert_element_type3A_986 = arith.extf %slice3A_985 : vector<256x256xbf16> to vector<256x256xf32>
    %sub3A_987 = arith.subf %mul3A_984, %convert_element_type3A_986 : vector<256x256xf32>
    %get3A_988 = arith.constant 512 : index
    %get3A_989 = arith.constant 0 : index
    %get3A_990 = vector.load %arg2[%get3A_988, %get3A_989] : memref<2048x2048xbf16, #tpu.memory_space<vmem>>, vector<256x2048xbf16>
    %dot_general3A_991 = arith.constant dense<0.000000e+00> : vector<256x256xf32>
    %dot_general3A_992 = tpu.matmul %get3A_990, %convert_element_type3A_965, %dot_general3A_991 {dimension_numbers = #tpu.dot_dimension_numbers<[1], [0], [0], [1], [0, 0, 1, 1], [], []>, transpose_lhs_hint = false} : vector<256x2048xbf16>, vector<2048x256xbf16>, vector<256x256xf32> -> vector<256x256xf32>
    %mul3A_993 = arith.constant 2.000000e+00 : f32
    %mul3A_994 = vector.broadcast %mul3A_993 : f32 to vector<256x256xf32>
    %mul3A_995 = arith.mulf %mul3A_994, %dot_general3A_992 : vector<256x256xf32>
    %slice3A_996 = vector.extract_strided_slice %convert_element_type3A_851 {offsets = [512, 0], sizes = [256, 256], strides = [1, 1]} : vector<2048x256xbf16> to vector<256x256xbf16>
    %convert_element_type3A_997 = arith.extf %slice3A_996 : vector<256x256xbf16> to vector<256x256xf32>
    %sub3A_998 = arith.subf %mul3A_995, %convert_element_type3A_997 : vector<256x256xf32>
    %get3A_999 = arith.constant 768 : index
    %get3A_1000 = arith.constant 0 : index
    %get3A_1001 = vector.load %arg2[%get3A_999, %get3A_1000] : memref<2048x2048xbf16, #tpu.memory_space<vmem>>, vector<256x2048xbf16>
    %dot_general3A_1002 = arith.constant dense<0.000000e+00> : vector<256x256xf32>
    %dot_general3A_1003 = tpu.matmul %get3A_1001, %convert_element_type3A_965, %dot_general3A_1002 {dimension_numbers = #tpu.dot_dimension_numbers<[1], [0], [0], [1], [0, 0, 1, 1], [], []>, transpose_lhs_hint = false} : vector<256x2048xbf16>, vector<2048x256xbf16>, vector<256x256xf32> -> vector<256x256xf32>
    %mul3A_1004 = arith.constant 2.000000e+00 : f32
    %mul3A_1005 = vector.broadcast %mul3A_1004 : f32 to vector<256x256xf32>
    %mul3A_1006 = arith.mulf %mul3A_1005, %dot_general3A_1003 : vector<256x256xf32>
    %slice3A_1007 = vector.extract_strided_slice %convert_element_type3A_851 {offsets = [768, 0], sizes = [256, 256], strides = [1, 1]} : vector<2048x256xbf16> to vector<256x256xbf16>
    %convert_element_type3A_1008 = arith.extf %slice3A_1007 : vector<256x256xbf16> to vector<256x256xf32>
    %sub3A_1009 = arith.subf %mul3A_1006, %convert_element_type3A_1008 : vector<256x256xf32>
    %get3A_1010 = arith.constant 1024 : index
    %get3A_1011 = arith.constant 0 : index
    %get3A_1012 = vector.load %arg2[%get3A_1010, %get3A_1011] : memref<2048x2048xbf16, #tpu.memory_space<vmem>>, vector<256x2048xbf16>
    %dot_general3A_1013 = arith.constant dense<0.000000e+00> : vector<256x256xf32>
    %dot_general3A_1014 = tpu.matmul %get3A_1012, %convert_element_type3A_965, %dot_general3A_1013 {dimension_numbers = #tpu.dot_dimension_numbers<[1], [0], [0], [1], [0, 0, 1, 1], [], []>, transpose_lhs_hint = false} : vector<256x2048xbf16>, vector<2048x256xbf16>, vector<256x256xf32> -> vector<256x256xf32>
    %mul3A_1015 = arith.constant 2.000000e+00 : f32
    %mul3A_1016 = vector.broadcast %mul3A_1015 : f32 to vector<256x256xf32>
    %mul3A_1017 = arith.mulf %mul3A_1016, %dot_general3A_1014 : vector<256x256xf32>
    %slice3A_1018 = vector.extract_strided_slice %convert_element_type3A_851 {offsets = [1024, 0], sizes = [256, 256], strides = [1, 1]} : vector<2048x256xbf16> to vector<256x256xbf16>
    %convert_element_type3A_1019 = arith.extf %slice3A_1018 : vector<256x256xbf16> to vector<256x256xf32>
    %sub3A_1020 = arith.subf %mul3A_1017, %convert_element_type3A_1019 : vector<256x256xf32>
    %get3A_1021 = arith.constant 1280 : index
    %get3A_1022 = arith.constant 0 : index
    %get3A_1023 = vector.load %arg2[%get3A_1021, %get3A_1022] : memref<2048x2048xbf16, #tpu.memory_space<vmem>>, vector<256x2048xbf16>
    %dot_general3A_1024 = arith.constant dense<0.000000e+00> : vector<256x256xf32>
    %dot_general3A_1025 = tpu.matmul %get3A_1023, %convert_element_type3A_965, %dot_general3A_1024 {dimension_numbers = #tpu.dot_dimension_numbers<[1], [0], [0], [1], [0, 0, 1, 1], [], []>, transpose_lhs_hint = false} : vector<256x2048xbf16>, vector<2048x256xbf16>, vector<256x256xf32> -> vector<256x256xf32>
    %mul3A_1026 = arith.constant 2.000000e+00 : f32
    %mul3A_1027 = vector.broadcast %mul3A_1026 : f32 to vector<256x256xf32>
    %mul3A_1028 = arith.mulf %mul3A_1027, %dot_general3A_1025 : vector<256x256xf32>
    %slice3A_1029 = vector.extract_strided_slice %convert_element_type3A_851 {offsets = [1280, 0], sizes = [256, 256], strides = [1, 1]} : vector<2048x256xbf16> to vector<256x256xbf16>
    %convert_element_type3A_1030 = arith.extf %slice3A_1029 : vector<256x256xbf16> to vector<256x256xf32>
    %sub3A_1031 = arith.subf %mul3A_1028, %convert_element_type3A_1030 : vector<256x256xf32>
    %get3A_1032 = arith.constant 1536 : index
    %get3A_1033 = arith.constant 0 : index
    %get3A_1034 = vector.load %arg2[%get3A_1032, %get3A_1033] : memref<2048x2048xbf16, #tpu.memory_space<vmem>>, vector<256x2048xbf16>
    %dot_general3A_1035 = arith.constant dense<0.000000e+00> : vector<256x256xf32>
    %dot_general3A_1036 = tpu.matmul %get3A_1034, %convert_element_type3A_965, %dot_general3A_1035 {dimension_numbers = #tpu.dot_dimension_numbers<[1], [0], [0], [1], [0, 0, 1, 1], [], []>, transpose_lhs_hint = false} : vector<256x2048xbf16>, vector<2048x256xbf16>, vector<256x256xf32> -> vector<256x256xf32>
    %mul3A_1037 = arith.constant 2.000000e+00 : f32
    %mul3A_1038 = vector.broadcast %mul3A_1037 : f32 to vector<256x256xf32>
    %mul3A_1039 = arith.mulf %mul3A_1038, %dot_general3A_1036 : vector<256x256xf32>
    %slice3A_1040 = vector.extract_strided_slice %convert_element_type3A_851 {offsets = [1536, 0], sizes = [256, 256], strides = [1, 1]} : vector<2048x256xbf16> to vector<256x256xbf16>
    %convert_element_type3A_1041 = arith.extf %slice3A_1040 : vector<256x256xbf16> to vector<256x256xf32>
    %sub3A_1042 = arith.subf %mul3A_1039, %convert_element_type3A_1041 : vector<256x256xf32>
    %get3A_1043 = arith.constant 1792 : index
    %get3A_1044 = arith.constant 0 : index
    %get3A_1045 = vector.load %arg2[%get3A_1043, %get3A_1044] : memref<2048x2048xbf16, #tpu.memory_space<vmem>>, vector<256x2048xbf16>
    %dot_general3A_1046 = arith.constant dense<0.000000e+00> : vector<256x256xf32>
    %dot_general3A_1047 = tpu.matmul %get3A_1045, %convert_element_type3A_965, %dot_general3A_1046 {dimension_numbers = #tpu.dot_dimension_numbers<[1], [0], [0], [1], [0, 0, 1, 1], [], []>, transpose_lhs_hint = false} : vector<256x2048xbf16>, vector<2048x256xbf16>, vector<256x256xf32> -> vector<256x256xf32>
    %mul3A_1048 = arith.constant 2.000000e+00 : f32
    %mul3A_1049 = vector.broadcast %mul3A_1048 : f32 to vector<256x256xf32>
    %mul3A_1050 = arith.mulf %mul3A_1049, %dot_general3A_1047 : vector<256x256xf32>
    %slice3A_1051 = vector.extract_strided_slice %convert_element_type3A_851 {offsets = [1792, 0], sizes = [256, 256], strides = [1, 1]} : vector<2048x256xbf16> to vector<256x256xbf16>
    %convert_element_type3A_1052 = arith.extf %slice3A_1051 : vector<256x256xbf16> to vector<256x256xf32>
    %sub3A_1053 = arith.subf %mul3A_1050, %convert_element_type3A_1052 : vector<256x256xf32>
    %concatenate3A_1054 = tpu.concatenate %sub3A_976, %sub3A_987, %sub3A_998, %sub3A_1009, %sub3A_1020, %sub3A_1031, %sub3A_1042, %sub3A_1053 in 0 : vector<256x256xf32>, vector<256x256xf32>, vector<256x256xf32>, vector<256x256xf32>, vector<256x256xf32>, vector<256x256xf32>, vector<256x256xf32>, vector<256x256xf32> -> vector<2048x256xf32>
    %get3A_1055 = arith.constant 10 : index
    %get3A_1056 = arith.constant 0 : index
    %get3A_1057 = memref.load %arg1[%get3A_1055, %get3A_1056] : memref<17x4xf32, #tpu.memory_space<smem>>
    %mul3A_1058 = vector.broadcast %get3A_1057 : f32 to vector<2048x256xf32>
    %mul3A_1059 = arith.mulf %mul3A_1058, %concatenate3A_1054 : vector<2048x256xf32>
    %add3A_1060 = arith.addf %add3A_946, %mul3A_1059 : vector<2048x256xf32>
    %get3A_1061 = arith.constant 10 : index
    %get3A_1062 = arith.constant 1 : index
    %get3A_1063 = memref.load %arg1[%get3A_1061, %get3A_1062] : memref<17x4xf32, #tpu.memory_space<smem>>
    %mul3A_1064 = vector.broadcast %get3A_1063 : f32 to vector<2048x256xf32>
    %mul3A_1065 = arith.mulf %mul3A_1064, %concatenate3A_1054 : vector<2048x256xf32>
    %add3A_1066 = arith.addf %add3A_952, %mul3A_1065 : vector<2048x256xf32>
    %get3A_1067 = arith.constant 10 : index
    %get3A_1068 = arith.constant 2 : index
    %get3A_1069 = memref.load %arg1[%get3A_1067, %get3A_1068] : memref<17x4xf32, #tpu.memory_space<smem>>
    %mul3A_1070 = vector.broadcast %get3A_1069 : f32 to vector<2048x256xf32>
    %mul3A_1071 = arith.mulf %mul3A_1070, %concatenate3A_1054 : vector<2048x256xf32>
    %add3A_1072 = arith.addf %add3A_958, %mul3A_1071 : vector<2048x256xf32>
    %get3A_1073 = arith.constant 10 : index
    %get3A_1074 = arith.constant 3 : index
    %get3A_1075 = memref.load %arg1[%get3A_1073, %get3A_1074] : memref<17x4xf32, #tpu.memory_space<smem>>
    %mul3A_1076 = vector.broadcast %get3A_1075 : f32 to vector<2048x256xf32>
    %mul3A_1077 = arith.mulf %mul3A_1076, %concatenate3A_1054 : vector<2048x256xf32>
    %add3A_1078 = arith.addf %add3A_964, %mul3A_1077 : vector<2048x256xf32>
    %convert_element_type3A_1079 = arith.truncf %concatenate3A_1054 : vector<2048x256xf32> to vector<2048x256xbf16>
    %get3A_1080 = arith.constant 0 : index
    %get3A_1081 = arith.constant 0 : index
    %get3A_1082 = vector.load %arg2[%get3A_1080, %get3A_1081] : memref<2048x2048xbf16, #tpu.memory_space<vmem>>, vector<256x2048xbf16>
    %dot_general3A_1083 = arith.constant dense<0.000000e+00> : vector<256x256xf32>
    %dot_general3A_1084 = tpu.matmul %get3A_1082, %convert_element_type3A_1079, %dot_general3A_1083 {dimension_numbers = #tpu.dot_dimension_numbers<[1], [0], [0], [1], [0, 0, 1, 1], [], []>, transpose_lhs_hint = false} : vector<256x2048xbf16>, vector<2048x256xbf16>, vector<256x256xf32> -> vector<256x256xf32>
    %mul3A_1085 = arith.constant 2.000000e+00 : f32
    %mul3A_1086 = vector.broadcast %mul3A_1085 : f32 to vector<256x256xf32>
    %mul3A_1087 = arith.mulf %mul3A_1086, %dot_general3A_1084 : vector<256x256xf32>
    %slice3A_1088 = vector.extract_strided_slice %convert_element_type3A_965 {offsets = [0, 0], sizes = [256, 256], strides = [1, 1]} : vector<2048x256xbf16> to vector<256x256xbf16>
    %convert_element_type3A_1089 = arith.extf %slice3A_1088 : vector<256x256xbf16> to vector<256x256xf32>
    %sub3A_1090 = arith.subf %mul3A_1087, %convert_element_type3A_1089 : vector<256x256xf32>
    %get3A_1091 = arith.constant 256 : index
    %get3A_1092 = arith.constant 0 : index
    %get3A_1093 = vector.load %arg2[%get3A_1091, %get3A_1092] : memref<2048x2048xbf16, #tpu.memory_space<vmem>>, vector<256x2048xbf16>
    %dot_general3A_1094 = arith.constant dense<0.000000e+00> : vector<256x256xf32>
    %dot_general3A_1095 = tpu.matmul %get3A_1093, %convert_element_type3A_1079, %dot_general3A_1094 {dimension_numbers = #tpu.dot_dimension_numbers<[1], [0], [0], [1], [0, 0, 1, 1], [], []>, transpose_lhs_hint = false} : vector<256x2048xbf16>, vector<2048x256xbf16>, vector<256x256xf32> -> vector<256x256xf32>
    %mul3A_1096 = arith.constant 2.000000e+00 : f32
    %mul3A_1097 = vector.broadcast %mul3A_1096 : f32 to vector<256x256xf32>
    %mul3A_1098 = arith.mulf %mul3A_1097, %dot_general3A_1095 : vector<256x256xf32>
    %slice3A_1099 = vector.extract_strided_slice %convert_element_type3A_965 {offsets = [256, 0], sizes = [256, 256], strides = [1, 1]} : vector<2048x256xbf16> to vector<256x256xbf16>
    %convert_element_type3A_1100 = arith.extf %slice3A_1099 : vector<256x256xbf16> to vector<256x256xf32>
    %sub3A_1101 = arith.subf %mul3A_1098, %convert_element_type3A_1100 : vector<256x256xf32>
    %get3A_1102 = arith.constant 512 : index
    %get3A_1103 = arith.constant 0 : index
    %get3A_1104 = vector.load %arg2[%get3A_1102, %get3A_1103] : memref<2048x2048xbf16, #tpu.memory_space<vmem>>, vector<256x2048xbf16>
    %dot_general3A_1105 = arith.constant dense<0.000000e+00> : vector<256x256xf32>
    %dot_general3A_1106 = tpu.matmul %get3A_1104, %convert_element_type3A_1079, %dot_general3A_1105 {dimension_numbers = #tpu.dot_dimension_numbers<[1], [0], [0], [1], [0, 0, 1, 1], [], []>, transpose_lhs_hint = false} : vector<256x2048xbf16>, vector<2048x256xbf16>, vector<256x256xf32> -> vector<256x256xf32>
    %mul3A_1107 = arith.constant 2.000000e+00 : f32
    %mul3A_1108 = vector.broadcast %mul3A_1107 : f32 to vector<256x256xf32>
    %mul3A_1109 = arith.mulf %mul3A_1108, %dot_general3A_1106 : vector<256x256xf32>
    %slice3A_1110 = vector.extract_strided_slice %convert_element_type3A_965 {offsets = [512, 0], sizes = [256, 256], strides = [1, 1]} : vector<2048x256xbf16> to vector<256x256xbf16>
    %convert_element_type3A_1111 = arith.extf %slice3A_1110 : vector<256x256xbf16> to vector<256x256xf32>
    %sub3A_1112 = arith.subf %mul3A_1109, %convert_element_type3A_1111 : vector<256x256xf32>
    %get3A_1113 = arith.constant 768 : index
    %get3A_1114 = arith.constant 0 : index
    %get3A_1115 = vector.load %arg2[%get3A_1113, %get3A_1114] : memref<2048x2048xbf16, #tpu.memory_space<vmem>>, vector<256x2048xbf16>
    %dot_general3A_1116 = arith.constant dense<0.000000e+00> : vector<256x256xf32>
    %dot_general3A_1117 = tpu.matmul %get3A_1115, %convert_element_type3A_1079, %dot_general3A_1116 {dimension_numbers = #tpu.dot_dimension_numbers<[1], [0], [0], [1], [0, 0, 1, 1], [], []>, transpose_lhs_hint = false} : vector<256x2048xbf16>, vector<2048x256xbf16>, vector<256x256xf32> -> vector<256x256xf32>
    %mul3A_1118 = arith.constant 2.000000e+00 : f32
    %mul3A_1119 = vector.broadcast %mul3A_1118 : f32 to vector<256x256xf32>
    %mul3A_1120 = arith.mulf %mul3A_1119, %dot_general3A_1117 : vector<256x256xf32>
    %slice3A_1121 = vector.extract_strided_slice %convert_element_type3A_965 {offsets = [768, 0], sizes = [256, 256], strides = [1, 1]} : vector<2048x256xbf16> to vector<256x256xbf16>
    %convert_element_type3A_1122 = arith.extf %slice3A_1121 : vector<256x256xbf16> to vector<256x256xf32>
    %sub3A_1123 = arith.subf %mul3A_1120, %convert_element_type3A_1122 : vector<256x256xf32>
    %get3A_1124 = arith.constant 1024 : index
    %get3A_1125 = arith.constant 0 : index
    %get3A_1126 = vector.load %arg2[%get3A_1124, %get3A_1125] : memref<2048x2048xbf16, #tpu.memory_space<vmem>>, vector<256x2048xbf16>
    %dot_general3A_1127 = arith.constant dense<0.000000e+00> : vector<256x256xf32>
    %dot_general3A_1128 = tpu.matmul %get3A_1126, %convert_element_type3A_1079, %dot_general3A_1127 {dimension_numbers = #tpu.dot_dimension_numbers<[1], [0], [0], [1], [0, 0, 1, 1], [], []>, transpose_lhs_hint = false} : vector<256x2048xbf16>, vector<2048x256xbf16>, vector<256x256xf32> -> vector<256x256xf32>
    %mul3A_1129 = arith.constant 2.000000e+00 : f32
    %mul3A_1130 = vector.broadcast %mul3A_1129 : f32 to vector<256x256xf32>
    %mul3A_1131 = arith.mulf %mul3A_1130, %dot_general3A_1128 : vector<256x256xf32>
    %slice3A_1132 = vector.extract_strided_slice %convert_element_type3A_965 {offsets = [1024, 0], sizes = [256, 256], strides = [1, 1]} : vector<2048x256xbf16> to vector<256x256xbf16>
    %convert_element_type3A_1133 = arith.extf %slice3A_1132 : vector<256x256xbf16> to vector<256x256xf32>
    %sub3A_1134 = arith.subf %mul3A_1131, %convert_element_type3A_1133 : vector<256x256xf32>
    %get3A_1135 = arith.constant 1280 : index
    %get3A_1136 = arith.constant 0 : index
    %get3A_1137 = vector.load %arg2[%get3A_1135, %get3A_1136] : memref<2048x2048xbf16, #tpu.memory_space<vmem>>, vector<256x2048xbf16>
    %dot_general3A_1138 = arith.constant dense<0.000000e+00> : vector<256x256xf32>
    %dot_general3A_1139 = tpu.matmul %get3A_1137, %convert_element_type3A_1079, %dot_general3A_1138 {dimension_numbers = #tpu.dot_dimension_numbers<[1], [0], [0], [1], [0, 0, 1, 1], [], []>, transpose_lhs_hint = false} : vector<256x2048xbf16>, vector<2048x256xbf16>, vector<256x256xf32> -> vector<256x256xf32>
    %mul3A_1140 = arith.constant 2.000000e+00 : f32
    %mul3A_1141 = vector.broadcast %mul3A_1140 : f32 to vector<256x256xf32>
    %mul3A_1142 = arith.mulf %mul3A_1141, %dot_general3A_1139 : vector<256x256xf32>
    %slice3A_1143 = vector.extract_strided_slice %convert_element_type3A_965 {offsets = [1280, 0], sizes = [256, 256], strides = [1, 1]} : vector<2048x256xbf16> to vector<256x256xbf16>
    %convert_element_type3A_1144 = arith.extf %slice3A_1143 : vector<256x256xbf16> to vector<256x256xf32>
    %sub3A_1145 = arith.subf %mul3A_1142, %convert_element_type3A_1144 : vector<256x256xf32>
    %get3A_1146 = arith.constant 1536 : index
    %get3A_1147 = arith.constant 0 : index
    %get3A_1148 = vector.load %arg2[%get3A_1146, %get3A_1147] : memref<2048x2048xbf16, #tpu.memory_space<vmem>>, vector<256x2048xbf16>
    %dot_general3A_1149 = arith.constant dense<0.000000e+00> : vector<256x256xf32>
    %dot_general3A_1150 = tpu.matmul %get3A_1148, %convert_element_type3A_1079, %dot_general3A_1149 {dimension_numbers = #tpu.dot_dimension_numbers<[1], [0], [0], [1], [0, 0, 1, 1], [], []>, transpose_lhs_hint = false} : vector<256x2048xbf16>, vector<2048x256xbf16>, vector<256x256xf32> -> vector<256x256xf32>
    %mul3A_1151 = arith.constant 2.000000e+00 : f32
    %mul3A_1152 = vector.broadcast %mul3A_1151 : f32 to vector<256x256xf32>
    %mul3A_1153 = arith.mulf %mul3A_1152, %dot_general3A_1150 : vector<256x256xf32>
    %slice3A_1154 = vector.extract_strided_slice %convert_element_type3A_965 {offsets = [1536, 0], sizes = [256, 256], strides = [1, 1]} : vector<2048x256xbf16> to vector<256x256xbf16>
    %convert_element_type3A_1155 = arith.extf %slice3A_1154 : vector<256x256xbf16> to vector<256x256xf32>
    %sub3A_1156 = arith.subf %mul3A_1153, %convert_element_type3A_1155 : vector<256x256xf32>
    %get3A_1157 = arith.constant 1792 : index
    %get3A_1158 = arith.constant 0 : index
    %get3A_1159 = vector.load %arg2[%get3A_1157, %get3A_1158] : memref<2048x2048xbf16, #tpu.memory_space<vmem>>, vector<256x2048xbf16>
    %dot_general3A_1160 = arith.constant dense<0.000000e+00> : vector<256x256xf32>
    %dot_general3A_1161 = tpu.matmul %get3A_1159, %convert_element_type3A_1079, %dot_general3A_1160 {dimension_numbers = #tpu.dot_dimension_numbers<[1], [0], [0], [1], [0, 0, 1, 1], [], []>, transpose_lhs_hint = false} : vector<256x2048xbf16>, vector<2048x256xbf16>, vector<256x256xf32> -> vector<256x256xf32>
    %mul3A_1162 = arith.constant 2.000000e+00 : f32
    %mul3A_1163 = vector.broadcast %mul3A_1162 : f32 to vector<256x256xf32>
    %mul3A_1164 = arith.mulf %mul3A_1163, %dot_general3A_1161 : vector<256x256xf32>
    %slice3A_1165 = vector.extract_strided_slice %convert_element_type3A_965 {offsets = [1792, 0], sizes = [256, 256], strides = [1, 1]} : vector<2048x256xbf16> to vector<256x256xbf16>
    %convert_element_type3A_1166 = arith.extf %slice3A_1165 : vector<256x256xbf16> to vector<256x256xf32>
    %sub3A_1167 = arith.subf %mul3A_1164, %convert_element_type3A_1166 : vector<256x256xf32>
    %concatenate3A_1168 = tpu.concatenate %sub3A_1090, %sub3A_1101, %sub3A_1112, %sub3A_1123, %sub3A_1134, %sub3A_1145, %sub3A_1156, %sub3A_1167 in 0 : vector<256x256xf32>, vector<256x256xf32>, vector<256x256xf32>, vector<256x256xf32>, vector<256x256xf32>, vector<256x256xf32>, vector<256x256xf32>, vector<256x256xf32> -> vector<2048x256xf32>
    %get3A_1169 = arith.constant 11 : index
    %get3A_1170 = arith.constant 0 : index
    %get3A_1171 = memref.load %arg1[%get3A_1169, %get3A_1170] : memref<17x4xf32, #tpu.memory_space<smem>>
    %mul3A_1172 = vector.broadcast %get3A_1171 : f32 to vector<2048x256xf32>
    %mul3A_1173 = arith.mulf %mul3A_1172, %concatenate3A_1168 : vector<2048x256xf32>
    %add3A_1174 = arith.addf %add3A_1060, %mul3A_1173 : vector<2048x256xf32>
    %get3A_1175 = arith.constant 11 : index
    %get3A_1176 = arith.constant 1 : index
    %get3A_1177 = memref.load %arg1[%get3A_1175, %get3A_1176] : memref<17x4xf32, #tpu.memory_space<smem>>
    %mul3A_1178 = vector.broadcast %get3A_1177 : f32 to vector<2048x256xf32>
    %mul3A_1179 = arith.mulf %mul3A_1178, %concatenate3A_1168 : vector<2048x256xf32>
    %add3A_1180 = arith.addf %add3A_1066, %mul3A_1179 : vector<2048x256xf32>
    %get3A_1181 = arith.constant 11 : index
    %get3A_1182 = arith.constant 2 : index
    %get3A_1183 = memref.load %arg1[%get3A_1181, %get3A_1182] : memref<17x4xf32, #tpu.memory_space<smem>>
    %mul3A_1184 = vector.broadcast %get3A_1183 : f32 to vector<2048x256xf32>
    %mul3A_1185 = arith.mulf %mul3A_1184, %concatenate3A_1168 : vector<2048x256xf32>
    %add3A_1186 = arith.addf %add3A_1072, %mul3A_1185 : vector<2048x256xf32>
    %get3A_1187 = arith.constant 11 : index
    %get3A_1188 = arith.constant 3 : index
    %get3A_1189 = memref.load %arg1[%get3A_1187, %get3A_1188] : memref<17x4xf32, #tpu.memory_space<smem>>
    %mul3A_1190 = vector.broadcast %get3A_1189 : f32 to vector<2048x256xf32>
    %mul3A_1191 = arith.mulf %mul3A_1190, %concatenate3A_1168 : vector<2048x256xf32>
    %add3A_1192 = arith.addf %add3A_1078, %mul3A_1191 : vector<2048x256xf32>
    %convert_element_type3A_1193 = arith.truncf %concatenate3A_1168 : vector<2048x256xf32> to vector<2048x256xbf16>
    %get3A_1194 = arith.constant 0 : index
    %get3A_1195 = arith.constant 0 : index
    %get3A_1196 = vector.load %arg2[%get3A_1194, %get3A_1195] : memref<2048x2048xbf16, #tpu.memory_space<vmem>>, vector<256x2048xbf16>
    %dot_general3A_1197 = arith.constant dense<0.000000e+00> : vector<256x256xf32>
    %dot_general3A_1198 = tpu.matmul %get3A_1196, %convert_element_type3A_1193, %dot_general3A_1197 {dimension_numbers = #tpu.dot_dimension_numbers<[1], [0], [0], [1], [0, 0, 1, 1], [], []>, transpose_lhs_hint = false} : vector<256x2048xbf16>, vector<2048x256xbf16>, vector<256x256xf32> -> vector<256x256xf32>
    %mul3A_1199 = arith.constant 2.000000e+00 : f32
    %mul3A_1200 = vector.broadcast %mul3A_1199 : f32 to vector<256x256xf32>
    %mul3A_1201 = arith.mulf %mul3A_1200, %dot_general3A_1198 : vector<256x256xf32>
    %slice3A_1202 = vector.extract_strided_slice %convert_element_type3A_1079 {offsets = [0, 0], sizes = [256, 256], strides = [1, 1]} : vector<2048x256xbf16> to vector<256x256xbf16>
    %convert_element_type3A_1203 = arith.extf %slice3A_1202 : vector<256x256xbf16> to vector<256x256xf32>
    %sub3A_1204 = arith.subf %mul3A_1201, %convert_element_type3A_1203 : vector<256x256xf32>
    %get3A_1205 = arith.constant 256 : index
    %get3A_1206 = arith.constant 0 : index
    %get3A_1207 = vector.load %arg2[%get3A_1205, %get3A_1206] : memref<2048x2048xbf16, #tpu.memory_space<vmem>>, vector<256x2048xbf16>
    %dot_general3A_1208 = arith.constant dense<0.000000e+00> : vector<256x256xf32>
    %dot_general3A_1209 = tpu.matmul %get3A_1207, %convert_element_type3A_1193, %dot_general3A_1208 {dimension_numbers = #tpu.dot_dimension_numbers<[1], [0], [0], [1], [0, 0, 1, 1], [], []>, transpose_lhs_hint = false} : vector<256x2048xbf16>, vector<2048x256xbf16>, vector<256x256xf32> -> vector<256x256xf32>
    %mul3A_1210 = arith.constant 2.000000e+00 : f32
    %mul3A_1211 = vector.broadcast %mul3A_1210 : f32 to vector<256x256xf32>
    %mul3A_1212 = arith.mulf %mul3A_1211, %dot_general3A_1209 : vector<256x256xf32>
    %slice3A_1213 = vector.extract_strided_slice %convert_element_type3A_1079 {offsets = [256, 0], sizes = [256, 256], strides = [1, 1]} : vector<2048x256xbf16> to vector<256x256xbf16>
    %convert_element_type3A_1214 = arith.extf %slice3A_1213 : vector<256x256xbf16> to vector<256x256xf32>
    %sub3A_1215 = arith.subf %mul3A_1212, %convert_element_type3A_1214 : vector<256x256xf32>
    %get3A_1216 = arith.constant 512 : index
    %get3A_1217 = arith.constant 0 : index
    %get3A_1218 = vector.load %arg2[%get3A_1216, %get3A_1217] : memref<2048x2048xbf16, #tpu.memory_space<vmem>>, vector<256x2048xbf16>
    %dot_general3A_1219 = arith.constant dense<0.000000e+00> : vector<256x256xf32>
    %dot_general3A_1220 = tpu.matmul %get3A_1218, %convert_element_type3A_1193, %dot_general3A_1219 {dimension_numbers = #tpu.dot_dimension_numbers<[1], [0], [0], [1], [0, 0, 1, 1], [], []>, transpose_lhs_hint = false} : vector<256x2048xbf16>, vector<2048x256xbf16>, vector<256x256xf32> -> vector<256x256xf32>
    %mul3A_1221 = arith.constant 2.000000e+00 : f32
    %mul3A_1222 = vector.broadcast %mul3A_1221 : f32 to vector<256x256xf32>
    %mul3A_1223 = arith.mulf %mul3A_1222, %dot_general3A_1220 : vector<256x256xf32>
    %slice3A_1224 = vector.extract_strided_slice %convert_element_type3A_1079 {offsets = [512, 0], sizes = [256, 256], strides = [1, 1]} : vector<2048x256xbf16> to vector<256x256xbf16>
    %convert_element_type3A_1225 = arith.extf %slice3A_1224 : vector<256x256xbf16> to vector<256x256xf32>
    %sub3A_1226 = arith.subf %mul3A_1223, %convert_element_type3A_1225 : vector<256x256xf32>
    %get3A_1227 = arith.constant 768 : index
    %get3A_1228 = arith.constant 0 : index
    %get3A_1229 = vector.load %arg2[%get3A_1227, %get3A_1228] : memref<2048x2048xbf16, #tpu.memory_space<vmem>>, vector<256x2048xbf16>
    %dot_general3A_1230 = arith.constant dense<0.000000e+00> : vector<256x256xf32>
    %dot_general3A_1231 = tpu.matmul %get3A_1229, %convert_element_type3A_1193, %dot_general3A_1230 {dimension_numbers = #tpu.dot_dimension_numbers<[1], [0], [0], [1], [0, 0, 1, 1], [], []>, transpose_lhs_hint = false} : vector<256x2048xbf16>, vector<2048x256xbf16>, vector<256x256xf32> -> vector<256x256xf32>
    %mul3A_1232 = arith.constant 2.000000e+00 : f32
    %mul3A_1233 = vector.broadcast %mul3A_1232 : f32 to vector<256x256xf32>
    %mul3A_1234 = arith.mulf %mul3A_1233, %dot_general3A_1231 : vector<256x256xf32>
    %slice3A_1235 = vector.extract_strided_slice %convert_element_type3A_1079 {offsets = [768, 0], sizes = [256, 256], strides = [1, 1]} : vector<2048x256xbf16> to vector<256x256xbf16>
    %convert_element_type3A_1236 = arith.extf %slice3A_1235 : vector<256x256xbf16> to vector<256x256xf32>
    %sub3A_1237 = arith.subf %mul3A_1234, %convert_element_type3A_1236 : vector<256x256xf32>
    %get3A_1238 = arith.constant 1024 : index
    %get3A_1239 = arith.constant 0 : index
    %get3A_1240 = vector.load %arg2[%get3A_1238, %get3A_1239] : memref<2048x2048xbf16, #tpu.memory_space<vmem>>, vector<256x2048xbf16>
    %dot_general3A_1241 = arith.constant dense<0.000000e+00> : vector<256x256xf32>
    %dot_general3A_1242 = tpu.matmul %get3A_1240, %convert_element_type3A_1193, %dot_general3A_1241 {dimension_numbers = #tpu.dot_dimension_numbers<[1], [0], [0], [1], [0, 0, 1, 1], [], []>, transpose_lhs_hint = false} : vector<256x2048xbf16>, vector<2048x256xbf16>, vector<256x256xf32> -> vector<256x256xf32>
    %mul3A_1243 = arith.constant 2.000000e+00 : f32
    %mul3A_1244 = vector.broadcast %mul3A_1243 : f32 to vector<256x256xf32>
    %mul3A_1245 = arith.mulf %mul3A_1244, %dot_general3A_1242 : vector<256x256xf32>
    %slice3A_1246 = vector.extract_strided_slice %convert_element_type3A_1079 {offsets = [1024, 0], sizes = [256, 256], strides = [1, 1]} : vector<2048x256xbf16> to vector<256x256xbf16>
    %convert_element_type3A_1247 = arith.extf %slice3A_1246 : vector<256x256xbf16> to vector<256x256xf32>
    %sub3A_1248 = arith.subf %mul3A_1245, %convert_element_type3A_1247 : vector<256x256xf32>
    %get3A_1249 = arith.constant 1280 : index
    %get3A_1250 = arith.constant 0 : index
    %get3A_1251 = vector.load %arg2[%get3A_1249, %get3A_1250] : memref<2048x2048xbf16, #tpu.memory_space<vmem>>, vector<256x2048xbf16>
    %dot_general3A_1252 = arith.constant dense<0.000000e+00> : vector<256x256xf32>
    %dot_general3A_1253 = tpu.matmul %get3A_1251, %convert_element_type3A_1193, %dot_general3A_1252 {dimension_numbers = #tpu.dot_dimension_numbers<[1], [0], [0], [1], [0, 0, 1, 1], [], []>, transpose_lhs_hint = false} : vector<256x2048xbf16>, vector<2048x256xbf16>, vector<256x256xf32> -> vector<256x256xf32>
    %mul3A_1254 = arith.constant 2.000000e+00 : f32
    %mul3A_1255 = vector.broadcast %mul3A_1254 : f32 to vector<256x256xf32>
    %mul3A_1256 = arith.mulf %mul3A_1255, %dot_general3A_1253 : vector<256x256xf32>
    %slice3A_1257 = vector.extract_strided_slice %convert_element_type3A_1079 {offsets = [1280, 0], sizes = [256, 256], strides = [1, 1]} : vector<2048x256xbf16> to vector<256x256xbf16>
    %convert_element_type3A_1258 = arith.extf %slice3A_1257 : vector<256x256xbf16> to vector<256x256xf32>
    %sub3A_1259 = arith.subf %mul3A_1256, %convert_element_type3A_1258 : vector<256x256xf32>
    %get3A_1260 = arith.constant 1536 : index
    %get3A_1261 = arith.constant 0 : index
    %get3A_1262 = vector.load %arg2[%get3A_1260, %get3A_1261] : memref<2048x2048xbf16, #tpu.memory_space<vmem>>, vector<256x2048xbf16>
    %dot_general3A_1263 = arith.constant dense<0.000000e+00> : vector<256x256xf32>
    %dot_general3A_1264 = tpu.matmul %get3A_1262, %convert_element_type3A_1193, %dot_general3A_1263 {dimension_numbers = #tpu.dot_dimension_numbers<[1], [0], [0], [1], [0, 0, 1, 1], [], []>, transpose_lhs_hint = false} : vector<256x2048xbf16>, vector<2048x256xbf16>, vector<256x256xf32> -> vector<256x256xf32>
    %mul3A_1265 = arith.constant 2.000000e+00 : f32
    %mul3A_1266 = vector.broadcast %mul3A_1265 : f32 to vector<256x256xf32>
    %mul3A_1267 = arith.mulf %mul3A_1266, %dot_general3A_1264 : vector<256x256xf32>
    %slice3A_1268 = vector.extract_strided_slice %convert_element_type3A_1079 {offsets = [1536, 0], sizes = [256, 256], strides = [1, 1]} : vector<2048x256xbf16> to vector<256x256xbf16>
    %convert_element_type3A_1269 = arith.extf %slice3A_1268 : vector<256x256xbf16> to vector<256x256xf32>
    %sub3A_1270 = arith.subf %mul3A_1267, %convert_element_type3A_1269 : vector<256x256xf32>
    %get3A_1271 = arith.constant 1792 : index
    %get3A_1272 = arith.constant 0 : index
    %get3A_1273 = vector.load %arg2[%get3A_1271, %get3A_1272] : memref<2048x2048xbf16, #tpu.memory_space<vmem>>, vector<256x2048xbf16>
    %dot_general3A_1274 = arith.constant dense<0.000000e+00> : vector<256x256xf32>
    %dot_general3A_1275 = tpu.matmul %get3A_1273, %convert_element_type3A_1193, %dot_general3A_1274 {dimension_numbers = #tpu.dot_dimension_numbers<[1], [0], [0], [1], [0, 0, 1, 1], [], []>, transpose_lhs_hint = false} : vector<256x2048xbf16>, vector<2048x256xbf16>, vector<256x256xf32> -> vector<256x256xf32>
    %mul3A_1276 = arith.constant 2.000000e+00 : f32
    %mul3A_1277 = vector.broadcast %mul3A_1276 : f32 to vector<256x256xf32>
    %mul3A_1278 = arith.mulf %mul3A_1277, %dot_general3A_1275 : vector<256x256xf32>
    %slice3A_1279 = vector.extract_strided_slice %convert_element_type3A_1079 {offsets = [1792, 0], sizes = [256, 256], strides = [1, 1]} : vector<2048x256xbf16> to vector<256x256xbf16>
    %convert_element_type3A_1280 = arith.extf %slice3A_1279 : vector<256x256xbf16> to vector<256x256xf32>
    %sub3A_1281 = arith.subf %mul3A_1278, %convert_element_type3A_1280 : vector<256x256xf32>
    %concatenate3A_1282 = tpu.concatenate %sub3A_1204, %sub3A_1215, %sub3A_1226, %sub3A_1237, %sub3A_1248, %sub3A_1259, %sub3A_1270, %sub3A_1281 in 0 : vector<256x256xf32>, vector<256x256xf32>, vector<256x256xf32>, vector<256x256xf32>, vector<256x256xf32>, vector<256x256xf32>, vector<256x256xf32>, vector<256x256xf32> -> vector<2048x256xf32>
    %get3A_1283 = arith.constant 12 : index
    %get3A_1284 = arith.constant 0 : index
    %get3A_1285 = memref.load %arg1[%get3A_1283, %get3A_1284] : memref<17x4xf32, #tpu.memory_space<smem>>
    %mul3A_1286 = vector.broadcast %get3A_1285 : f32 to vector<2048x256xf32>
    %mul3A_1287 = arith.mulf %mul3A_1286, %concatenate3A_1282 : vector<2048x256xf32>
    %add3A_1288 = arith.addf %add3A_1174, %mul3A_1287 : vector<2048x256xf32>
    %get3A_1289 = arith.constant 12 : index
    %get3A_1290 = arith.constant 1 : index
    %get3A_1291 = memref.load %arg1[%get3A_1289, %get3A_1290] : memref<17x4xf32, #tpu.memory_space<smem>>
    %mul3A_1292 = vector.broadcast %get3A_1291 : f32 to vector<2048x256xf32>
    %mul3A_1293 = arith.mulf %mul3A_1292, %concatenate3A_1282 : vector<2048x256xf32>
    %add3A_1294 = arith.addf %add3A_1180, %mul3A_1293 : vector<2048x256xf32>
    %get3A_1295 = arith.constant 12 : index
    %get3A_1296 = arith.constant 2 : index
    %get3A_1297 = memref.load %arg1[%get3A_1295, %get3A_1296] : memref<17x4xf32, #tpu.memory_space<smem>>
    %mul3A_1298 = vector.broadcast %get3A_1297 : f32 to vector<2048x256xf32>
    %mul3A_1299 = arith.mulf %mul3A_1298, %concatenate3A_1282 : vector<2048x256xf32>
    %add3A_1300 = arith.addf %add3A_1186, %mul3A_1299 : vector<2048x256xf32>
    %get3A_1301 = arith.constant 12 : index
    %get3A_1302 = arith.constant 3 : index
    %get3A_1303 = memref.load %arg1[%get3A_1301, %get3A_1302] : memref<17x4xf32, #tpu.memory_space<smem>>
    %mul3A_1304 = vector.broadcast %get3A_1303 : f32 to vector<2048x256xf32>
    %mul3A_1305 = arith.mulf %mul3A_1304, %concatenate3A_1282 : vector<2048x256xf32>
    %add3A_1306 = arith.addf %add3A_1192, %mul3A_1305 : vector<2048x256xf32>
    %convert_element_type3A_1307 = arith.truncf %concatenate3A_1282 : vector<2048x256xf32> to vector<2048x256xbf16>
    %get3A_1308 = arith.constant 0 : index
    %get3A_1309 = arith.constant 0 : index
    %get3A_1310 = vector.load %arg2[%get3A_1308, %get3A_1309] : memref<2048x2048xbf16, #tpu.memory_space<vmem>>, vector<256x2048xbf16>
    %dot_general3A_1311 = arith.constant dense<0.000000e+00> : vector<256x256xf32>
    %dot_general3A_1312 = tpu.matmul %get3A_1310, %convert_element_type3A_1307, %dot_general3A_1311 {dimension_numbers = #tpu.dot_dimension_numbers<[1], [0], [0], [1], [0, 0, 1, 1], [], []>, transpose_lhs_hint = false} : vector<256x2048xbf16>, vector<2048x256xbf16>, vector<256x256xf32> -> vector<256x256xf32>
    %mul3A_1313 = arith.constant 2.000000e+00 : f32
    %mul3A_1314 = vector.broadcast %mul3A_1313 : f32 to vector<256x256xf32>
    %mul3A_1315 = arith.mulf %mul3A_1314, %dot_general3A_1312 : vector<256x256xf32>
    %slice3A_1316 = vector.extract_strided_slice %convert_element_type3A_1193 {offsets = [0, 0], sizes = [256, 256], strides = [1, 1]} : vector<2048x256xbf16> to vector<256x256xbf16>
    %convert_element_type3A_1317 = arith.extf %slice3A_1316 : vector<256x256xbf16> to vector<256x256xf32>
    %sub3A_1318 = arith.subf %mul3A_1315, %convert_element_type3A_1317 : vector<256x256xf32>
    %get3A_1319 = arith.constant 256 : index
    %get3A_1320 = arith.constant 0 : index
    %get3A_1321 = vector.load %arg2[%get3A_1319, %get3A_1320] : memref<2048x2048xbf16, #tpu.memory_space<vmem>>, vector<256x2048xbf16>
    %dot_general3A_1322 = arith.constant dense<0.000000e+00> : vector<256x256xf32>
    %dot_general3A_1323 = tpu.matmul %get3A_1321, %convert_element_type3A_1307, %dot_general3A_1322 {dimension_numbers = #tpu.dot_dimension_numbers<[1], [0], [0], [1], [0, 0, 1, 1], [], []>, transpose_lhs_hint = false} : vector<256x2048xbf16>, vector<2048x256xbf16>, vector<256x256xf32> -> vector<256x256xf32>
    %mul3A_1324 = arith.constant 2.000000e+00 : f32
    %mul3A_1325 = vector.broadcast %mul3A_1324 : f32 to vector<256x256xf32>
    %mul3A_1326 = arith.mulf %mul3A_1325, %dot_general3A_1323 : vector<256x256xf32>
    %slice3A_1327 = vector.extract_strided_slice %convert_element_type3A_1193 {offsets = [256, 0], sizes = [256, 256], strides = [1, 1]} : vector<2048x256xbf16> to vector<256x256xbf16>
    %convert_element_type3A_1328 = arith.extf %slice3A_1327 : vector<256x256xbf16> to vector<256x256xf32>
    %sub3A_1329 = arith.subf %mul3A_1326, %convert_element_type3A_1328 : vector<256x256xf32>
    %get3A_1330 = arith.constant 512 : index
    %get3A_1331 = arith.constant 0 : index
    %get3A_1332 = vector.load %arg2[%get3A_1330, %get3A_1331] : memref<2048x2048xbf16, #tpu.memory_space<vmem>>, vector<256x2048xbf16>
    %dot_general3A_1333 = arith.constant dense<0.000000e+00> : vector<256x256xf32>
    %dot_general3A_1334 = tpu.matmul %get3A_1332, %convert_element_type3A_1307, %dot_general3A_1333 {dimension_numbers = #tpu.dot_dimension_numbers<[1], [0], [0], [1], [0, 0, 1, 1], [], []>, transpose_lhs_hint = false} : vector<256x2048xbf16>, vector<2048x256xbf16>, vector<256x256xf32> -> vector<256x256xf32>
    %mul3A_1335 = arith.constant 2.000000e+00 : f32
    %mul3A_1336 = vector.broadcast %mul3A_1335 : f32 to vector<256x256xf32>
    %mul3A_1337 = arith.mulf %mul3A_1336, %dot_general3A_1334 : vector<256x256xf32>
    %slice3A_1338 = vector.extract_strided_slice %convert_element_type3A_1193 {offsets = [512, 0], sizes = [256, 256], strides = [1, 1]} : vector<2048x256xbf16> to vector<256x256xbf16>
    %convert_element_type3A_1339 = arith.extf %slice3A_1338 : vector<256x256xbf16> to vector<256x256xf32>
    %sub3A_1340 = arith.subf %mul3A_1337, %convert_element_type3A_1339 : vector<256x256xf32>
    %get3A_1341 = arith.constant 768 : index
    %get3A_1342 = arith.constant 0 : index
    %get3A_1343 = vector.load %arg2[%get3A_1341, %get3A_1342] : memref<2048x2048xbf16, #tpu.memory_space<vmem>>, vector<256x2048xbf16>
    %dot_general3A_1344 = arith.constant dense<0.000000e+00> : vector<256x256xf32>
    %dot_general3A_1345 = tpu.matmul %get3A_1343, %convert_element_type3A_1307, %dot_general3A_1344 {dimension_numbers = #tpu.dot_dimension_numbers<[1], [0], [0], [1], [0, 0, 1, 1], [], []>, transpose_lhs_hint = false} : vector<256x2048xbf16>, vector<2048x256xbf16>, vector<256x256xf32> -> vector<256x256xf32>
    %mul3A_1346 = arith.constant 2.000000e+00 : f32
    %mul3A_1347 = vector.broadcast %mul3A_1346 : f32 to vector<256x256xf32>
    %mul3A_1348 = arith.mulf %mul3A_1347, %dot_general3A_1345 : vector<256x256xf32>
    %slice3A_1349 = vector.extract_strided_slice %convert_element_type3A_1193 {offsets = [768, 0], sizes = [256, 256], strides = [1, 1]} : vector<2048x256xbf16> to vector<256x256xbf16>
    %convert_element_type3A_1350 = arith.extf %slice3A_1349 : vector<256x256xbf16> to vector<256x256xf32>
    %sub3A_1351 = arith.subf %mul3A_1348, %convert_element_type3A_1350 : vector<256x256xf32>
    %get3A_1352 = arith.constant 1024 : index
    %get3A_1353 = arith.constant 0 : index
    %get3A_1354 = vector.load %arg2[%get3A_1352, %get3A_1353] : memref<2048x2048xbf16, #tpu.memory_space<vmem>>, vector<256x2048xbf16>
    %dot_general3A_1355 = arith.constant dense<0.000000e+00> : vector<256x256xf32>
    %dot_general3A_1356 = tpu.matmul %get3A_1354, %convert_element_type3A_1307, %dot_general3A_1355 {dimension_numbers = #tpu.dot_dimension_numbers<[1], [0], [0], [1], [0, 0, 1, 1], [], []>, transpose_lhs_hint = false} : vector<256x2048xbf16>, vector<2048x256xbf16>, vector<256x256xf32> -> vector<256x256xf32>
    %mul3A_1357 = arith.constant 2.000000e+00 : f32
    %mul3A_1358 = vector.broadcast %mul3A_1357 : f32 to vector<256x256xf32>
    %mul3A_1359 = arith.mulf %mul3A_1358, %dot_general3A_1356 : vector<256x256xf32>
    %slice3A_1360 = vector.extract_strided_slice %convert_element_type3A_1193 {offsets = [1024, 0], sizes = [256, 256], strides = [1, 1]} : vector<2048x256xbf16> to vector<256x256xbf16>
    %convert_element_type3A_1361 = arith.extf %slice3A_1360 : vector<256x256xbf16> to vector<256x256xf32>
    %sub3A_1362 = arith.subf %mul3A_1359, %convert_element_type3A_1361 : vector<256x256xf32>
    %get3A_1363 = arith.constant 1280 : index
    %get3A_1364 = arith.constant 0 : index
    %get3A_1365 = vector.load %arg2[%get3A_1363, %get3A_1364] : memref<2048x2048xbf16, #tpu.memory_space<vmem>>, vector<256x2048xbf16>
    %dot_general3A_1366 = arith.constant dense<0.000000e+00> : vector<256x256xf32>
    %dot_general3A_1367 = tpu.matmul %get3A_1365, %convert_element_type3A_1307, %dot_general3A_1366 {dimension_numbers = #tpu.dot_dimension_numbers<[1], [0], [0], [1], [0, 0, 1, 1], [], []>, transpose_lhs_hint = false} : vector<256x2048xbf16>, vector<2048x256xbf16>, vector<256x256xf32> -> vector<256x256xf32>
    %mul3A_1368 = arith.constant 2.000000e+00 : f32
    %mul3A_1369 = vector.broadcast %mul3A_1368 : f32 to vector<256x256xf32>
    %mul3A_1370 = arith.mulf %mul3A_1369, %dot_general3A_1367 : vector<256x256xf32>
    %slice3A_1371 = vector.extract_strided_slice %convert_element_type3A_1193 {offsets = [1280, 0], sizes = [256, 256], strides = [1, 1]} : vector<2048x256xbf16> to vector<256x256xbf16>
    %convert_element_type3A_1372 = arith.extf %slice3A_1371 : vector<256x256xbf16> to vector<256x256xf32>
    %sub3A_1373 = arith.subf %mul3A_1370, %convert_element_type3A_1372 : vector<256x256xf32>
    %get3A_1374 = arith.constant 1536 : index
    %get3A_1375 = arith.constant 0 : index
    %get3A_1376 = vector.load %arg2[%get3A_1374, %get3A_1375] : memref<2048x2048xbf16, #tpu.memory_space<vmem>>, vector<256x2048xbf16>
    %dot_general3A_1377 = arith.constant dense<0.000000e+00> : vector<256x256xf32>
    %dot_general3A_1378 = tpu.matmul %get3A_1376, %convert_element_type3A_1307, %dot_general3A_1377 {dimension_numbers = #tpu.dot_dimension_numbers<[1], [0], [0], [1], [0, 0, 1, 1], [], []>, transpose_lhs_hint = false} : vector<256x2048xbf16>, vector<2048x256xbf16>, vector<256x256xf32> -> vector<256x256xf32>
    %mul3A_1379 = arith.constant 2.000000e+00 : f32
    %mul3A_1380 = vector.broadcast %mul3A_1379 : f32 to vector<256x256xf32>
    %mul3A_1381 = arith.mulf %mul3A_1380, %dot_general3A_1378 : vector<256x256xf32>
    %slice3A_1382 = vector.extract_strided_slice %convert_element_type3A_1193 {offsets = [1536, 0], sizes = [256, 256], strides = [1, 1]} : vector<2048x256xbf16> to vector<256x256xbf16>
    %convert_element_type3A_1383 = arith.extf %slice3A_1382 : vector<256x256xbf16> to vector<256x256xf32>
    %sub3A_1384 = arith.subf %mul3A_1381, %convert_element_type3A_1383 : vector<256x256xf32>
    %get3A_1385 = arith.constant 1792 : index
    %get3A_1386 = arith.constant 0 : index
    %get3A_1387 = vector.load %arg2[%get3A_1385, %get3A_1386] : memref<2048x2048xbf16, #tpu.memory_space<vmem>>, vector<256x2048xbf16>
    %dot_general3A_1388 = arith.constant dense<0.000000e+00> : vector<256x256xf32>
    %dot_general3A_1389 = tpu.matmul %get3A_1387, %convert_element_type3A_1307, %dot_general3A_1388 {dimension_numbers = #tpu.dot_dimension_numbers<[1], [0], [0], [1], [0, 0, 1, 1], [], []>, transpose_lhs_hint = false} : vector<256x2048xbf16>, vector<2048x256xbf16>, vector<256x256xf32> -> vector<256x256xf32>
    %mul3A_1390 = arith.constant 2.000000e+00 : f32
    %mul3A_1391 = vector.broadcast %mul3A_1390 : f32 to vector<256x256xf32>
    %mul3A_1392 = arith.mulf %mul3A_1391, %dot_general3A_1389 : vector<256x256xf32>
    %slice3A_1393 = vector.extract_strided_slice %convert_element_type3A_1193 {offsets = [1792, 0], sizes = [256, 256], strides = [1, 1]} : vector<2048x256xbf16> to vector<256x256xbf16>
    %convert_element_type3A_1394 = arith.extf %slice3A_1393 : vector<256x256xbf16> to vector<256x256xf32>
    %sub3A_1395 = arith.subf %mul3A_1392, %convert_element_type3A_1394 : vector<256x256xf32>
    %concatenate3A_1396 = tpu.concatenate %sub3A_1318, %sub3A_1329, %sub3A_1340, %sub3A_1351, %sub3A_1362, %sub3A_1373, %sub3A_1384, %sub3A_1395 in 0 : vector<256x256xf32>, vector<256x256xf32>, vector<256x256xf32>, vector<256x256xf32>, vector<256x256xf32>, vector<256x256xf32>, vector<256x256xf32>, vector<256x256xf32> -> vector<2048x256xf32>
    %get3A_1397 = arith.constant 13 : index
    %get3A_1398 = arith.constant 0 : index
    %get3A_1399 = memref.load %arg1[%get3A_1397, %get3A_1398] : memref<17x4xf32, #tpu.memory_space<smem>>
    %mul3A_1400 = vector.broadcast %get3A_1399 : f32 to vector<2048x256xf32>
    %mul3A_1401 = arith.mulf %mul3A_1400, %concatenate3A_1396 : vector<2048x256xf32>
    %add3A_1402 = arith.addf %add3A_1288, %mul3A_1401 : vector<2048x256xf32>
    %get3A_1403 = arith.constant 13 : index
    %get3A_1404 = arith.constant 1 : index
    %get3A_1405 = memref.load %arg1[%get3A_1403, %get3A_1404] : memref<17x4xf32, #tpu.memory_space<smem>>
    %mul3A_1406 = vector.broadcast %get3A_1405 : f32 to vector<2048x256xf32>
    %mul3A_1407 = arith.mulf %mul3A_1406, %concatenate3A_1396 : vector<2048x256xf32>
    %add3A_1408 = arith.addf %add3A_1294, %mul3A_1407 : vector<2048x256xf32>
    %get3A_1409 = arith.constant 13 : index
    %get3A_1410 = arith.constant 2 : index
    %get3A_1411 = memref.load %arg1[%get3A_1409, %get3A_1410] : memref<17x4xf32, #tpu.memory_space<smem>>
    %mul3A_1412 = vector.broadcast %get3A_1411 : f32 to vector<2048x256xf32>
    %mul3A_1413 = arith.mulf %mul3A_1412, %concatenate3A_1396 : vector<2048x256xf32>
    %add3A_1414 = arith.addf %add3A_1300, %mul3A_1413 : vector<2048x256xf32>
    %get3A_1415 = arith.constant 13 : index
    %get3A_1416 = arith.constant 3 : index
    %get3A_1417 = memref.load %arg1[%get3A_1415, %get3A_1416] : memref<17x4xf32, #tpu.memory_space<smem>>
    %mul3A_1418 = vector.broadcast %get3A_1417 : f32 to vector<2048x256xf32>
    %mul3A_1419 = arith.mulf %mul3A_1418, %concatenate3A_1396 : vector<2048x256xf32>
    %add3A_1420 = arith.addf %add3A_1306, %mul3A_1419 : vector<2048x256xf32>
    %convert_element_type3A_1421 = arith.truncf %concatenate3A_1396 : vector<2048x256xf32> to vector<2048x256xbf16>
    %get3A_1422 = arith.constant 0 : index
    %get3A_1423 = arith.constant 0 : index
    %get3A_1424 = vector.load %arg2[%get3A_1422, %get3A_1423] : memref<2048x2048xbf16, #tpu.memory_space<vmem>>, vector<256x2048xbf16>
    %dot_general3A_1425 = arith.constant dense<0.000000e+00> : vector<256x256xf32>
    %dot_general3A_1426 = tpu.matmul %get3A_1424, %convert_element_type3A_1421, %dot_general3A_1425 {dimension_numbers = #tpu.dot_dimension_numbers<[1], [0], [0], [1], [0, 0, 1, 1], [], []>, transpose_lhs_hint = false} : vector<256x2048xbf16>, vector<2048x256xbf16>, vector<256x256xf32> -> vector<256x256xf32>
    %mul3A_1427 = arith.constant 2.000000e+00 : f32
    %mul3A_1428 = vector.broadcast %mul3A_1427 : f32 to vector<256x256xf32>
    %mul3A_1429 = arith.mulf %mul3A_1428, %dot_general3A_1426 : vector<256x256xf32>
    %slice3A_1430 = vector.extract_strided_slice %convert_element_type3A_1307 {offsets = [0, 0], sizes = [256, 256], strides = [1, 1]} : vector<2048x256xbf16> to vector<256x256xbf16>
    %convert_element_type3A_1431 = arith.extf %slice3A_1430 : vector<256x256xbf16> to vector<256x256xf32>
    %sub3A_1432 = arith.subf %mul3A_1429, %convert_element_type3A_1431 : vector<256x256xf32>
    %get3A_1433 = arith.constant 256 : index
    %get3A_1434 = arith.constant 0 : index
    %get3A_1435 = vector.load %arg2[%get3A_1433, %get3A_1434] : memref<2048x2048xbf16, #tpu.memory_space<vmem>>, vector<256x2048xbf16>
    %dot_general3A_1436 = arith.constant dense<0.000000e+00> : vector<256x256xf32>
    %dot_general3A_1437 = tpu.matmul %get3A_1435, %convert_element_type3A_1421, %dot_general3A_1436 {dimension_numbers = #tpu.dot_dimension_numbers<[1], [0], [0], [1], [0, 0, 1, 1], [], []>, transpose_lhs_hint = false} : vector<256x2048xbf16>, vector<2048x256xbf16>, vector<256x256xf32> -> vector<256x256xf32>
    %mul3A_1438 = arith.constant 2.000000e+00 : f32
    %mul3A_1439 = vector.broadcast %mul3A_1438 : f32 to vector<256x256xf32>
    %mul3A_1440 = arith.mulf %mul3A_1439, %dot_general3A_1437 : vector<256x256xf32>
    %slice3A_1441 = vector.extract_strided_slice %convert_element_type3A_1307 {offsets = [256, 0], sizes = [256, 256], strides = [1, 1]} : vector<2048x256xbf16> to vector<256x256xbf16>
    %convert_element_type3A_1442 = arith.extf %slice3A_1441 : vector<256x256xbf16> to vector<256x256xf32>
    %sub3A_1443 = arith.subf %mul3A_1440, %convert_element_type3A_1442 : vector<256x256xf32>
    %get3A_1444 = arith.constant 512 : index
    %get3A_1445 = arith.constant 0 : index
    %get3A_1446 = vector.load %arg2[%get3A_1444, %get3A_1445] : memref<2048x2048xbf16, #tpu.memory_space<vmem>>, vector<256x2048xbf16>
    %dot_general3A_1447 = arith.constant dense<0.000000e+00> : vector<256x256xf32>
    %dot_general3A_1448 = tpu.matmul %get3A_1446, %convert_element_type3A_1421, %dot_general3A_1447 {dimension_numbers = #tpu.dot_dimension_numbers<[1], [0], [0], [1], [0, 0, 1, 1], [], []>, transpose_lhs_hint = false} : vector<256x2048xbf16>, vector<2048x256xbf16>, vector<256x256xf32> -> vector<256x256xf32>
    %mul3A_1449 = arith.constant 2.000000e+00 : f32
    %mul3A_1450 = vector.broadcast %mul3A_1449 : f32 to vector<256x256xf32>
    %mul3A_1451 = arith.mulf %mul3A_1450, %dot_general3A_1448 : vector<256x256xf32>
    %slice3A_1452 = vector.extract_strided_slice %convert_element_type3A_1307 {offsets = [512, 0], sizes = [256, 256], strides = [1, 1]} : vector<2048x256xbf16> to vector<256x256xbf16>
    %convert_element_type3A_1453 = arith.extf %slice3A_1452 : vector<256x256xbf16> to vector<256x256xf32>
    %sub3A_1454 = arith.subf %mul3A_1451, %convert_element_type3A_1453 : vector<256x256xf32>
    %get3A_1455 = arith.constant 768 : index
    %get3A_1456 = arith.constant 0 : index
    %get3A_1457 = vector.load %arg2[%get3A_1455, %get3A_1456] : memref<2048x2048xbf16, #tpu.memory_space<vmem>>, vector<256x2048xbf16>
    %dot_general3A_1458 = arith.constant dense<0.000000e+00> : vector<256x256xf32>
    %dot_general3A_1459 = tpu.matmul %get3A_1457, %convert_element_type3A_1421, %dot_general3A_1458 {dimension_numbers = #tpu.dot_dimension_numbers<[1], [0], [0], [1], [0, 0, 1, 1], [], []>, transpose_lhs_hint = false} : vector<256x2048xbf16>, vector<2048x256xbf16>, vector<256x256xf32> -> vector<256x256xf32>
    %mul3A_1460 = arith.constant 2.000000e+00 : f32
    %mul3A_1461 = vector.broadcast %mul3A_1460 : f32 to vector<256x256xf32>
    %mul3A_1462 = arith.mulf %mul3A_1461, %dot_general3A_1459 : vector<256x256xf32>
    %slice3A_1463 = vector.extract_strided_slice %convert_element_type3A_1307 {offsets = [768, 0], sizes = [256, 256], strides = [1, 1]} : vector<2048x256xbf16> to vector<256x256xbf16>
    %convert_element_type3A_1464 = arith.extf %slice3A_1463 : vector<256x256xbf16> to vector<256x256xf32>
    %sub3A_1465 = arith.subf %mul3A_1462, %convert_element_type3A_1464 : vector<256x256xf32>
    %get3A_1466 = arith.constant 1024 : index
    %get3A_1467 = arith.constant 0 : index
    %get3A_1468 = vector.load %arg2[%get3A_1466, %get3A_1467] : memref<2048x2048xbf16, #tpu.memory_space<vmem>>, vector<256x2048xbf16>
    %dot_general3A_1469 = arith.constant dense<0.000000e+00> : vector<256x256xf32>
    %dot_general3A_1470 = tpu.matmul %get3A_1468, %convert_element_type3A_1421, %dot_general3A_1469 {dimension_numbers = #tpu.dot_dimension_numbers<[1], [0], [0], [1], [0, 0, 1, 1], [], []>, transpose_lhs_hint = false} : vector<256x2048xbf16>, vector<2048x256xbf16>, vector<256x256xf32> -> vector<256x256xf32>
    %mul3A_1471 = arith.constant 2.000000e+00 : f32
    %mul3A_1472 = vector.broadcast %mul3A_1471 : f32 to vector<256x256xf32>
    %mul3A_1473 = arith.mulf %mul3A_1472, %dot_general3A_1470 : vector<256x256xf32>
    %slice3A_1474 = vector.extract_strided_slice %convert_element_type3A_1307 {offsets = [1024, 0], sizes = [256, 256], strides = [1, 1]} : vector<2048x256xbf16> to vector<256x256xbf16>
    %convert_element_type3A_1475 = arith.extf %slice3A_1474 : vector<256x256xbf16> to vector<256x256xf32>
    %sub3A_1476 = arith.subf %mul3A_1473, %convert_element_type3A_1475 : vector<256x256xf32>
    %get3A_1477 = arith.constant 1280 : index
    %get3A_1478 = arith.constant 0 : index
    %get3A_1479 = vector.load %arg2[%get3A_1477, %get3A_1478] : memref<2048x2048xbf16, #tpu.memory_space<vmem>>, vector<256x2048xbf16>
    %dot_general3A_1480 = arith.constant dense<0.000000e+00> : vector<256x256xf32>
    %dot_general3A_1481 = tpu.matmul %get3A_1479, %convert_element_type3A_1421, %dot_general3A_1480 {dimension_numbers = #tpu.dot_dimension_numbers<[1], [0], [0], [1], [0, 0, 1, 1], [], []>, transpose_lhs_hint = false} : vector<256x2048xbf16>, vector<2048x256xbf16>, vector<256x256xf32> -> vector<256x256xf32>
    %mul3A_1482 = arith.constant 2.000000e+00 : f32
    %mul3A_1483 = vector.broadcast %mul3A_1482 : f32 to vector<256x256xf32>
    %mul3A_1484 = arith.mulf %mul3A_1483, %dot_general3A_1481 : vector<256x256xf32>
    %slice3A_1485 = vector.extract_strided_slice %convert_element_type3A_1307 {offsets = [1280, 0], sizes = [256, 256], strides = [1, 1]} : vector<2048x256xbf16> to vector<256x256xbf16>
    %convert_element_type3A_1486 = arith.extf %slice3A_1485 : vector<256x256xbf16> to vector<256x256xf32>
    %sub3A_1487 = arith.subf %mul3A_1484, %convert_element_type3A_1486 : vector<256x256xf32>
    %get3A_1488 = arith.constant 1536 : index
    %get3A_1489 = arith.constant 0 : index
    %get3A_1490 = vector.load %arg2[%get3A_1488, %get3A_1489] : memref<2048x2048xbf16, #tpu.memory_space<vmem>>, vector<256x2048xbf16>
    %dot_general3A_1491 = arith.constant dense<0.000000e+00> : vector<256x256xf32>
    %dot_general3A_1492 = tpu.matmul %get3A_1490, %convert_element_type3A_1421, %dot_general3A_1491 {dimension_numbers = #tpu.dot_dimension_numbers<[1], [0], [0], [1], [0, 0, 1, 1], [], []>, transpose_lhs_hint = false} : vector<256x2048xbf16>, vector<2048x256xbf16>, vector<256x256xf32> -> vector<256x256xf32>
    %mul3A_1493 = arith.constant 2.000000e+00 : f32
    %mul3A_1494 = vector.broadcast %mul3A_1493 : f32 to vector<256x256xf32>
    %mul3A_1495 = arith.mulf %mul3A_1494, %dot_general3A_1492 : vector<256x256xf32>
    %slice3A_1496 = vector.extract_strided_slice %convert_element_type3A_1307 {offsets = [1536, 0], sizes = [256, 256], strides = [1, 1]} : vector<2048x256xbf16> to vector<256x256xbf16>
    %convert_element_type3A_1497 = arith.extf %slice3A_1496 : vector<256x256xbf16> to vector<256x256xf32>
    %sub3A_1498 = arith.subf %mul3A_1495, %convert_element_type3A_1497 : vector<256x256xf32>
    %get3A_1499 = arith.constant 1792 : index
    %get3A_1500 = arith.constant 0 : index
    %get3A_1501 = vector.load %arg2[%get3A_1499, %get3A_1500] : memref<2048x2048xbf16, #tpu.memory_space<vmem>>, vector<256x2048xbf16>
    %dot_general3A_1502 = arith.constant dense<0.000000e+00> : vector<256x256xf32>
    %dot_general3A_1503 = tpu.matmul %get3A_1501, %convert_element_type3A_1421, %dot_general3A_1502 {dimension_numbers = #tpu.dot_dimension_numbers<[1], [0], [0], [1], [0, 0, 1, 1], [], []>, transpose_lhs_hint = false} : vector<256x2048xbf16>, vector<2048x256xbf16>, vector<256x256xf32> -> vector<256x256xf32>
    %mul3A_1504 = arith.constant 2.000000e+00 : f32
    %mul3A_1505 = vector.broadcast %mul3A_1504 : f32 to vector<256x256xf32>
    %mul3A_1506 = arith.mulf %mul3A_1505, %dot_general3A_1503 : vector<256x256xf32>
    %slice3A_1507 = vector.extract_strided_slice %convert_element_type3A_1307 {offsets = [1792, 0], sizes = [256, 256], strides = [1, 1]} : vector<2048x256xbf16> to vector<256x256xbf16>
    %convert_element_type3A_1508 = arith.extf %slice3A_1507 : vector<256x256xbf16> to vector<256x256xf32>
    %sub3A_1509 = arith.subf %mul3A_1506, %convert_element_type3A_1508 : vector<256x256xf32>
    %concatenate3A_1510 = tpu.concatenate %sub3A_1432, %sub3A_1443, %sub3A_1454, %sub3A_1465, %sub3A_1476, %sub3A_1487, %sub3A_1498, %sub3A_1509 in 0 : vector<256x256xf32>, vector<256x256xf32>, vector<256x256xf32>, vector<256x256xf32>, vector<256x256xf32>, vector<256x256xf32>, vector<256x256xf32>, vector<256x256xf32> -> vector<2048x256xf32>
    %get3A_1511 = arith.constant 14 : index
    %get3A_1512 = arith.constant 0 : index
    %get3A_1513 = memref.load %arg1[%get3A_1511, %get3A_1512] : memref<17x4xf32, #tpu.memory_space<smem>>
    %mul3A_1514 = vector.broadcast %get3A_1513 : f32 to vector<2048x256xf32>
    %mul3A_1515 = arith.mulf %mul3A_1514, %concatenate3A_1510 : vector<2048x256xf32>
    %add3A_1516 = arith.addf %add3A_1402, %mul3A_1515 : vector<2048x256xf32>
    %get3A_1517 = arith.constant 14 : index
    %get3A_1518 = arith.constant 1 : index
    %get3A_1519 = memref.load %arg1[%get3A_1517, %get3A_1518] : memref<17x4xf32, #tpu.memory_space<smem>>
    %mul3A_1520 = vector.broadcast %get3A_1519 : f32 to vector<2048x256xf32>
    %mul3A_1521 = arith.mulf %mul3A_1520, %concatenate3A_1510 : vector<2048x256xf32>
    %add3A_1522 = arith.addf %add3A_1408, %mul3A_1521 : vector<2048x256xf32>
    %get3A_1523 = arith.constant 14 : index
    %get3A_1524 = arith.constant 2 : index
    %get3A_1525 = memref.load %arg1[%get3A_1523, %get3A_1524] : memref<17x4xf32, #tpu.memory_space<smem>>
    %mul3A_1526 = vector.broadcast %get3A_1525 : f32 to vector<2048x256xf32>
    %mul3A_1527 = arith.mulf %mul3A_1526, %concatenate3A_1510 : vector<2048x256xf32>
    %add3A_1528 = arith.addf %add3A_1414, %mul3A_1527 : vector<2048x256xf32>
    %get3A_1529 = arith.constant 14 : index
    %get3A_1530 = arith.constant 3 : index
    %get3A_1531 = memref.load %arg1[%get3A_1529, %get3A_1530] : memref<17x4xf32, #tpu.memory_space<smem>>
    %mul3A_1532 = vector.broadcast %get3A_1531 : f32 to vector<2048x256xf32>
    %mul3A_1533 = arith.mulf %mul3A_1532, %concatenate3A_1510 : vector<2048x256xf32>
    %add3A_1534 = arith.addf %add3A_1420, %mul3A_1533 : vector<2048x256xf32>
    %convert_element_type3A_1535 = arith.truncf %concatenate3A_1510 : vector<2048x256xf32> to vector<2048x256xbf16>
    %get3A_1536 = arith.constant 0 : index
    %get3A_1537 = arith.constant 0 : index
    %get3A_1538 = vector.load %arg2[%get3A_1536, %get3A_1537] : memref<2048x2048xbf16, #tpu.memory_space<vmem>>, vector<256x2048xbf16>
    %dot_general3A_1539 = arith.constant dense<0.000000e+00> : vector<256x256xf32>
    %dot_general3A_1540 = tpu.matmul %get3A_1538, %convert_element_type3A_1535, %dot_general3A_1539 {dimension_numbers = #tpu.dot_dimension_numbers<[1], [0], [0], [1], [0, 0, 1, 1], [], []>, transpose_lhs_hint = false} : vector<256x2048xbf16>, vector<2048x256xbf16>, vector<256x256xf32> -> vector<256x256xf32>
    %mul3A_1541 = arith.constant 2.000000e+00 : f32
    %mul3A_1542 = vector.broadcast %mul3A_1541 : f32 to vector<256x256xf32>
    %mul3A_1543 = arith.mulf %mul3A_1542, %dot_general3A_1540 : vector<256x256xf32>
    %slice3A_1544 = vector.extract_strided_slice %convert_element_type3A_1421 {offsets = [0, 0], sizes = [256, 256], strides = [1, 1]} : vector<2048x256xbf16> to vector<256x256xbf16>
    %convert_element_type3A_1545 = arith.extf %slice3A_1544 : vector<256x256xbf16> to vector<256x256xf32>
    %sub3A_1546 = arith.subf %mul3A_1543, %convert_element_type3A_1545 : vector<256x256xf32>
    %get3A_1547 = arith.constant 256 : index
    %get3A_1548 = arith.constant 0 : index
    %get3A_1549 = vector.load %arg2[%get3A_1547, %get3A_1548] : memref<2048x2048xbf16, #tpu.memory_space<vmem>>, vector<256x2048xbf16>
    %dot_general3A_1550 = arith.constant dense<0.000000e+00> : vector<256x256xf32>
    %dot_general3A_1551 = tpu.matmul %get3A_1549, %convert_element_type3A_1535, %dot_general3A_1550 {dimension_numbers = #tpu.dot_dimension_numbers<[1], [0], [0], [1], [0, 0, 1, 1], [], []>, transpose_lhs_hint = false} : vector<256x2048xbf16>, vector<2048x256xbf16>, vector<256x256xf32> -> vector<256x256xf32>
    %mul3A_1552 = arith.constant 2.000000e+00 : f32
    %mul3A_1553 = vector.broadcast %mul3A_1552 : f32 to vector<256x256xf32>
    %mul3A_1554 = arith.mulf %mul3A_1553, %dot_general3A_1551 : vector<256x256xf32>
    %slice3A_1555 = vector.extract_strided_slice %convert_element_type3A_1421 {offsets = [256, 0], sizes = [256, 256], strides = [1, 1]} : vector<2048x256xbf16> to vector<256x256xbf16>
    %convert_element_type3A_1556 = arith.extf %slice3A_1555 : vector<256x256xbf16> to vector<256x256xf32>
    %sub3A_1557 = arith.subf %mul3A_1554, %convert_element_type3A_1556 : vector<256x256xf32>
    %get3A_1558 = arith.constant 512 : index
    %get3A_1559 = arith.constant 0 : index
    %get3A_1560 = vector.load %arg2[%get3A_1558, %get3A_1559] : memref<2048x2048xbf16, #tpu.memory_space<vmem>>, vector<256x2048xbf16>
    %dot_general3A_1561 = arith.constant dense<0.000000e+00> : vector<256x256xf32>
    %dot_general3A_1562 = tpu.matmul %get3A_1560, %convert_element_type3A_1535, %dot_general3A_1561 {dimension_numbers = #tpu.dot_dimension_numbers<[1], [0], [0], [1], [0, 0, 1, 1], [], []>, transpose_lhs_hint = false} : vector<256x2048xbf16>, vector<2048x256xbf16>, vector<256x256xf32> -> vector<256x256xf32>
    %mul3A_1563 = arith.constant 2.000000e+00 : f32
    %mul3A_1564 = vector.broadcast %mul3A_1563 : f32 to vector<256x256xf32>
    %mul3A_1565 = arith.mulf %mul3A_1564, %dot_general3A_1562 : vector<256x256xf32>
    %slice3A_1566 = vector.extract_strided_slice %convert_element_type3A_1421 {offsets = [512, 0], sizes = [256, 256], strides = [1, 1]} : vector<2048x256xbf16> to vector<256x256xbf16>
    %convert_element_type3A_1567 = arith.extf %slice3A_1566 : vector<256x256xbf16> to vector<256x256xf32>
    %sub3A_1568 = arith.subf %mul3A_1565, %convert_element_type3A_1567 : vector<256x256xf32>
    %get3A_1569 = arith.constant 768 : index
    %get3A_1570 = arith.constant 0 : index
    %get3A_1571 = vector.load %arg2[%get3A_1569, %get3A_1570] : memref<2048x2048xbf16, #tpu.memory_space<vmem>>, vector<256x2048xbf16>
    %dot_general3A_1572 = arith.constant dense<0.000000e+00> : vector<256x256xf32>
    %dot_general3A_1573 = tpu.matmul %get3A_1571, %convert_element_type3A_1535, %dot_general3A_1572 {dimension_numbers = #tpu.dot_dimension_numbers<[1], [0], [0], [1], [0, 0, 1, 1], [], []>, transpose_lhs_hint = false} : vector<256x2048xbf16>, vector<2048x256xbf16>, vector<256x256xf32> -> vector<256x256xf32>
    %mul3A_1574 = arith.constant 2.000000e+00 : f32
    %mul3A_1575 = vector.broadcast %mul3A_1574 : f32 to vector<256x256xf32>
    %mul3A_1576 = arith.mulf %mul3A_1575, %dot_general3A_1573 : vector<256x256xf32>
    %slice3A_1577 = vector.extract_strided_slice %convert_element_type3A_1421 {offsets = [768, 0], sizes = [256, 256], strides = [1, 1]} : vector<2048x256xbf16> to vector<256x256xbf16>
    %convert_element_type3A_1578 = arith.extf %slice3A_1577 : vector<256x256xbf16> to vector<256x256xf32>
    %sub3A_1579 = arith.subf %mul3A_1576, %convert_element_type3A_1578 : vector<256x256xf32>
    %get3A_1580 = arith.constant 1024 : index
    %get3A_1581 = arith.constant 0 : index
    %get3A_1582 = vector.load %arg2[%get3A_1580, %get3A_1581] : memref<2048x2048xbf16, #tpu.memory_space<vmem>>, vector<256x2048xbf16>
    %dot_general3A_1583 = arith.constant dense<0.000000e+00> : vector<256x256xf32>
    %dot_general3A_1584 = tpu.matmul %get3A_1582, %convert_element_type3A_1535, %dot_general3A_1583 {dimension_numbers = #tpu.dot_dimension_numbers<[1], [0], [0], [1], [0, 0, 1, 1], [], []>, transpose_lhs_hint = false} : vector<256x2048xbf16>, vector<2048x256xbf16>, vector<256x256xf32> -> vector<256x256xf32>
    %mul3A_1585 = arith.constant 2.000000e+00 : f32
    %mul3A_1586 = vector.broadcast %mul3A_1585 : f32 to vector<256x256xf32>
    %mul3A_1587 = arith.mulf %mul3A_1586, %dot_general3A_1584 : vector<256x256xf32>
    %slice3A_1588 = vector.extract_strided_slice %convert_element_type3A_1421 {offsets = [1024, 0], sizes = [256, 256], strides = [1, 1]} : vector<2048x256xbf16> to vector<256x256xbf16>
    %convert_element_type3A_1589 = arith.extf %slice3A_1588 : vector<256x256xbf16> to vector<256x256xf32>
    %sub3A_1590 = arith.subf %mul3A_1587, %convert_element_type3A_1589 : vector<256x256xf32>
    %get3A_1591 = arith.constant 1280 : index
    %get3A_1592 = arith.constant 0 : index
    %get3A_1593 = vector.load %arg2[%get3A_1591, %get3A_1592] : memref<2048x2048xbf16, #tpu.memory_space<vmem>>, vector<256x2048xbf16>
    %dot_general3A_1594 = arith.constant dense<0.000000e+00> : vector<256x256xf32>
    %dot_general3A_1595 = tpu.matmul %get3A_1593, %convert_element_type3A_1535, %dot_general3A_1594 {dimension_numbers = #tpu.dot_dimension_numbers<[1], [0], [0], [1], [0, 0, 1, 1], [], []>, transpose_lhs_hint = false} : vector<256x2048xbf16>, vector<2048x256xbf16>, vector<256x256xf32> -> vector<256x256xf32>
    %mul3A_1596 = arith.constant 2.000000e+00 : f32
    %mul3A_1597 = vector.broadcast %mul3A_1596 : f32 to vector<256x256xf32>
    %mul3A_1598 = arith.mulf %mul3A_1597, %dot_general3A_1595 : vector<256x256xf32>
    %slice3A_1599 = vector.extract_strided_slice %convert_element_type3A_1421 {offsets = [1280, 0], sizes = [256, 256], strides = [1, 1]} : vector<2048x256xbf16> to vector<256x256xbf16>
    %convert_element_type3A_1600 = arith.extf %slice3A_1599 : vector<256x256xbf16> to vector<256x256xf32>
    %sub3A_1601 = arith.subf %mul3A_1598, %convert_element_type3A_1600 : vector<256x256xf32>
    %get3A_1602 = arith.constant 1536 : index
    %get3A_1603 = arith.constant 0 : index
    %get3A_1604 = vector.load %arg2[%get3A_1602, %get3A_1603] : memref<2048x2048xbf16, #tpu.memory_space<vmem>>, vector<256x2048xbf16>
    %dot_general3A_1605 = arith.constant dense<0.000000e+00> : vector<256x256xf32>
    %dot_general3A_1606 = tpu.matmul %get3A_1604, %convert_element_type3A_1535, %dot_general3A_1605 {dimension_numbers = #tpu.dot_dimension_numbers<[1], [0], [0], [1], [0, 0, 1, 1], [], []>, transpose_lhs_hint = false} : vector<256x2048xbf16>, vector<2048x256xbf16>, vector<256x256xf32> -> vector<256x256xf32>
    %mul3A_1607 = arith.constant 2.000000e+00 : f32
    %mul3A_1608 = vector.broadcast %mul3A_1607 : f32 to vector<256x256xf32>
    %mul3A_1609 = arith.mulf %mul3A_1608, %dot_general3A_1606 : vector<256x256xf32>
    %slice3A_1610 = vector.extract_strided_slice %convert_element_type3A_1421 {offsets = [1536, 0], sizes = [256, 256], strides = [1, 1]} : vector<2048x256xbf16> to vector<256x256xbf16>
    %convert_element_type3A_1611 = arith.extf %slice3A_1610 : vector<256x256xbf16> to vector<256x256xf32>
    %sub3A_1612 = arith.subf %mul3A_1609, %convert_element_type3A_1611 : vector<256x256xf32>
    %get3A_1613 = arith.constant 1792 : index
    %get3A_1614 = arith.constant 0 : index
    %get3A_1615 = vector.load %arg2[%get3A_1613, %get3A_1614] : memref<2048x2048xbf16, #tpu.memory_space<vmem>>, vector<256x2048xbf16>
    %dot_general3A_1616 = arith.constant dense<0.000000e+00> : vector<256x256xf32>
    %dot_general3A_1617 = tpu.matmul %get3A_1615, %convert_element_type3A_1535, %dot_general3A_1616 {dimension_numbers = #tpu.dot_dimension_numbers<[1], [0], [0], [1], [0, 0, 1, 1], [], []>, transpose_lhs_hint = false} : vector<256x2048xbf16>, vector<2048x256xbf16>, vector<256x256xf32> -> vector<256x256xf32>
    %mul3A_1618 = arith.constant 2.000000e+00 : f32
    %mul3A_1619 = vector.broadcast %mul3A_1618 : f32 to vector<256x256xf32>
    %mul3A_1620 = arith.mulf %mul3A_1619, %dot_general3A_1617 : vector<256x256xf32>
    %slice3A_1621 = vector.extract_strided_slice %convert_element_type3A_1421 {offsets = [1792, 0], sizes = [256, 256], strides = [1, 1]} : vector<2048x256xbf16> to vector<256x256xbf16>
    %convert_element_type3A_1622 = arith.extf %slice3A_1621 : vector<256x256xbf16> to vector<256x256xf32>
    %sub3A_1623 = arith.subf %mul3A_1620, %convert_element_type3A_1622 : vector<256x256xf32>
    %concatenate3A_1624 = tpu.concatenate %sub3A_1546, %sub3A_1557, %sub3A_1568, %sub3A_1579, %sub3A_1590, %sub3A_1601, %sub3A_1612, %sub3A_1623 in 0 : vector<256x256xf32>, vector<256x256xf32>, vector<256x256xf32>, vector<256x256xf32>, vector<256x256xf32>, vector<256x256xf32>, vector<256x256xf32>, vector<256x256xf32> -> vector<2048x256xf32>
    %get3A_1625 = arith.constant 15 : index
    %get3A_1626 = arith.constant 0 : index
    %get3A_1627 = memref.load %arg1[%get3A_1625, %get3A_1626] : memref<17x4xf32, #tpu.memory_space<smem>>
    %mul3A_1628 = vector.broadcast %get3A_1627 : f32 to vector<2048x256xf32>
    %mul3A_1629 = arith.mulf %mul3A_1628, %concatenate3A_1624 : vector<2048x256xf32>
    %add3A_1630 = arith.addf %add3A_1516, %mul3A_1629 : vector<2048x256xf32>
    %get3A_1631 = arith.constant 15 : index
    %get3A_1632 = arith.constant 1 : index
    %get3A_1633 = memref.load %arg1[%get3A_1631, %get3A_1632] : memref<17x4xf32, #tpu.memory_space<smem>>
    %mul3A_1634 = vector.broadcast %get3A_1633 : f32 to vector<2048x256xf32>
    %mul3A_1635 = arith.mulf %mul3A_1634, %concatenate3A_1624 : vector<2048x256xf32>
    %add3A_1636 = arith.addf %add3A_1522, %mul3A_1635 : vector<2048x256xf32>
    %get3A_1637 = arith.constant 15 : index
    %get3A_1638 = arith.constant 2 : index
    %get3A_1639 = memref.load %arg1[%get3A_1637, %get3A_1638] : memref<17x4xf32, #tpu.memory_space<smem>>
    %mul3A_1640 = vector.broadcast %get3A_1639 : f32 to vector<2048x256xf32>
    %mul3A_1641 = arith.mulf %mul3A_1640, %concatenate3A_1624 : vector<2048x256xf32>
    %add3A_1642 = arith.addf %add3A_1528, %mul3A_1641 : vector<2048x256xf32>
    %get3A_1643 = arith.constant 15 : index
    %get3A_1644 = arith.constant 3 : index
    %get3A_1645 = memref.load %arg1[%get3A_1643, %get3A_1644] : memref<17x4xf32, #tpu.memory_space<smem>>
    %mul3A_1646 = vector.broadcast %get3A_1645 : f32 to vector<2048x256xf32>
    %mul3A_1647 = arith.mulf %mul3A_1646, %concatenate3A_1624 : vector<2048x256xf32>
    %add3A_1648 = arith.addf %add3A_1534, %mul3A_1647 : vector<2048x256xf32>
    %convert_element_type3A_1649 = arith.truncf %concatenate3A_1624 : vector<2048x256xf32> to vector<2048x256xbf16>
    %get3A_1650 = arith.constant 0 : index
    %get3A_1651 = arith.constant 0 : index
    %get3A_1652 = vector.load %arg2[%get3A_1650, %get3A_1651] : memref<2048x2048xbf16, #tpu.memory_space<vmem>>, vector<256x2048xbf16>
    %dot_general3A_1653 = arith.constant dense<0.000000e+00> : vector<256x256xf32>
    %dot_general3A_1654 = tpu.matmul %get3A_1652, %convert_element_type3A_1649, %dot_general3A_1653 {dimension_numbers = #tpu.dot_dimension_numbers<[1], [0], [0], [1], [0, 0, 1, 1], [], []>, transpose_lhs_hint = false} : vector<256x2048xbf16>, vector<2048x256xbf16>, vector<256x256xf32> -> vector<256x256xf32>
    %mul3A_1655 = arith.constant 2.000000e+00 : f32
    %mul3A_1656 = vector.broadcast %mul3A_1655 : f32 to vector<256x256xf32>
    %mul3A_1657 = arith.mulf %mul3A_1656, %dot_general3A_1654 : vector<256x256xf32>
    %slice3A_1658 = vector.extract_strided_slice %convert_element_type3A_1535 {offsets = [0, 0], sizes = [256, 256], strides = [1, 1]} : vector<2048x256xbf16> to vector<256x256xbf16>
    %convert_element_type3A_1659 = arith.extf %slice3A_1658 : vector<256x256xbf16> to vector<256x256xf32>
    %sub3A_1660 = arith.subf %mul3A_1657, %convert_element_type3A_1659 : vector<256x256xf32>
    %get3A_1661 = arith.constant 256 : index
    %get3A_1662 = arith.constant 0 : index
    %get3A_1663 = vector.load %arg2[%get3A_1661, %get3A_1662] : memref<2048x2048xbf16, #tpu.memory_space<vmem>>, vector<256x2048xbf16>
    %dot_general3A_1664 = arith.constant dense<0.000000e+00> : vector<256x256xf32>
    %dot_general3A_1665 = tpu.matmul %get3A_1663, %convert_element_type3A_1649, %dot_general3A_1664 {dimension_numbers = #tpu.dot_dimension_numbers<[1], [0], [0], [1], [0, 0, 1, 1], [], []>, transpose_lhs_hint = false} : vector<256x2048xbf16>, vector<2048x256xbf16>, vector<256x256xf32> -> vector<256x256xf32>
    %mul3A_1666 = arith.constant 2.000000e+00 : f32
    %mul3A_1667 = vector.broadcast %mul3A_1666 : f32 to vector<256x256xf32>
    %mul3A_1668 = arith.mulf %mul3A_1667, %dot_general3A_1665 : vector<256x256xf32>
    %slice3A_1669 = vector.extract_strided_slice %convert_element_type3A_1535 {offsets = [256, 0], sizes = [256, 256], strides = [1, 1]} : vector<2048x256xbf16> to vector<256x256xbf16>
    %convert_element_type3A_1670 = arith.extf %slice3A_1669 : vector<256x256xbf16> to vector<256x256xf32>
    %sub3A_1671 = arith.subf %mul3A_1668, %convert_element_type3A_1670 : vector<256x256xf32>
    %get3A_1672 = arith.constant 512 : index
    %get3A_1673 = arith.constant 0 : index
    %get3A_1674 = vector.load %arg2[%get3A_1672, %get3A_1673] : memref<2048x2048xbf16, #tpu.memory_space<vmem>>, vector<256x2048xbf16>
    %dot_general3A_1675 = arith.constant dense<0.000000e+00> : vector<256x256xf32>
    %dot_general3A_1676 = tpu.matmul %get3A_1674, %convert_element_type3A_1649, %dot_general3A_1675 {dimension_numbers = #tpu.dot_dimension_numbers<[1], [0], [0], [1], [0, 0, 1, 1], [], []>, transpose_lhs_hint = false} : vector<256x2048xbf16>, vector<2048x256xbf16>, vector<256x256xf32> -> vector<256x256xf32>
    %mul3A_1677 = arith.constant 2.000000e+00 : f32
    %mul3A_1678 = vector.broadcast %mul3A_1677 : f32 to vector<256x256xf32>
    %mul3A_1679 = arith.mulf %mul3A_1678, %dot_general3A_1676 : vector<256x256xf32>
    %slice3A_1680 = vector.extract_strided_slice %convert_element_type3A_1535 {offsets = [512, 0], sizes = [256, 256], strides = [1, 1]} : vector<2048x256xbf16> to vector<256x256xbf16>
    %convert_element_type3A_1681 = arith.extf %slice3A_1680 : vector<256x256xbf16> to vector<256x256xf32>
    %sub3A_1682 = arith.subf %mul3A_1679, %convert_element_type3A_1681 : vector<256x256xf32>
    %get3A_1683 = arith.constant 768 : index
    %get3A_1684 = arith.constant 0 : index
    %get3A_1685 = vector.load %arg2[%get3A_1683, %get3A_1684] : memref<2048x2048xbf16, #tpu.memory_space<vmem>>, vector<256x2048xbf16>
    %dot_general3A_1686 = arith.constant dense<0.000000e+00> : vector<256x256xf32>
    %dot_general3A_1687 = tpu.matmul %get3A_1685, %convert_element_type3A_1649, %dot_general3A_1686 {dimension_numbers = #tpu.dot_dimension_numbers<[1], [0], [0], [1], [0, 0, 1, 1], [], []>, transpose_lhs_hint = false} : vector<256x2048xbf16>, vector<2048x256xbf16>, vector<256x256xf32> -> vector<256x256xf32>
    %mul3A_1688 = arith.constant 2.000000e+00 : f32
    %mul3A_1689 = vector.broadcast %mul3A_1688 : f32 to vector<256x256xf32>
    %mul3A_1690 = arith.mulf %mul3A_1689, %dot_general3A_1687 : vector<256x256xf32>
    %slice3A_1691 = vector.extract_strided_slice %convert_element_type3A_1535 {offsets = [768, 0], sizes = [256, 256], strides = [1, 1]} : vector<2048x256xbf16> to vector<256x256xbf16>
    %convert_element_type3A_1692 = arith.extf %slice3A_1691 : vector<256x256xbf16> to vector<256x256xf32>
    %sub3A_1693 = arith.subf %mul3A_1690, %convert_element_type3A_1692 : vector<256x256xf32>
    %get3A_1694 = arith.constant 1024 : index
    %get3A_1695 = arith.constant 0 : index
    %get3A_1696 = vector.load %arg2[%get3A_1694, %get3A_1695] : memref<2048x2048xbf16, #tpu.memory_space<vmem>>, vector<256x2048xbf16>
    %dot_general3A_1697 = arith.constant dense<0.000000e+00> : vector<256x256xf32>
    %dot_general3A_1698 = tpu.matmul %get3A_1696, %convert_element_type3A_1649, %dot_general3A_1697 {dimension_numbers = #tpu.dot_dimension_numbers<[1], [0], [0], [1], [0, 0, 1, 1], [], []>, transpose_lhs_hint = false} : vector<256x2048xbf16>, vector<2048x256xbf16>, vector<256x256xf32> -> vector<256x256xf32>
    %mul3A_1699 = arith.constant 2.000000e+00 : f32
    %mul3A_1700 = vector.broadcast %mul3A_1699 : f32 to vector<256x256xf32>
    %mul3A_1701 = arith.mulf %mul3A_1700, %dot_general3A_1698 : vector<256x256xf32>
    %slice3A_1702 = vector.extract_strided_slice %convert_element_type3A_1535 {offsets = [1024, 0], sizes = [256, 256], strides = [1, 1]} : vector<2048x256xbf16> to vector<256x256xbf16>
    %convert_element_type3A_1703 = arith.extf %slice3A_1702 : vector<256x256xbf16> to vector<256x256xf32>
    %sub3A_1704 = arith.subf %mul3A_1701, %convert_element_type3A_1703 : vector<256x256xf32>
    %get3A_1705 = arith.constant 1280 : index
    %get3A_1706 = arith.constant 0 : index
    %get3A_1707 = vector.load %arg2[%get3A_1705, %get3A_1706] : memref<2048x2048xbf16, #tpu.memory_space<vmem>>, vector<256x2048xbf16>
    %dot_general3A_1708 = arith.constant dense<0.000000e+00> : vector<256x256xf32>
    %dot_general3A_1709 = tpu.matmul %get3A_1707, %convert_element_type3A_1649, %dot_general3A_1708 {dimension_numbers = #tpu.dot_dimension_numbers<[1], [0], [0], [1], [0, 0, 1, 1], [], []>, transpose_lhs_hint = false} : vector<256x2048xbf16>, vector<2048x256xbf16>, vector<256x256xf32> -> vector<256x256xf32>
    %mul3A_1710 = arith.constant 2.000000e+00 : f32
    %mul3A_1711 = vector.broadcast %mul3A_1710 : f32 to vector<256x256xf32>
    %mul3A_1712 = arith.mulf %mul3A_1711, %dot_general3A_1709 : vector<256x256xf32>
    %slice3A_1713 = vector.extract_strided_slice %convert_element_type3A_1535 {offsets = [1280, 0], sizes = [256, 256], strides = [1, 1]} : vector<2048x256xbf16> to vector<256x256xbf16>
    %convert_element_type3A_1714 = arith.extf %slice3A_1713 : vector<256x256xbf16> to vector<256x256xf32>
    %sub3A_1715 = arith.subf %mul3A_1712, %convert_element_type3A_1714 : vector<256x256xf32>
    %get3A_1716 = arith.constant 1536 : index
    %get3A_1717 = arith.constant 0 : index
    %get3A_1718 = vector.load %arg2[%get3A_1716, %get3A_1717] : memref<2048x2048xbf16, #tpu.memory_space<vmem>>, vector<256x2048xbf16>
    %dot_general3A_1719 = arith.constant dense<0.000000e+00> : vector<256x256xf32>
    %dot_general3A_1720 = tpu.matmul %get3A_1718, %convert_element_type3A_1649, %dot_general3A_1719 {dimension_numbers = #tpu.dot_dimension_numbers<[1], [0], [0], [1], [0, 0, 1, 1], [], []>, transpose_lhs_hint = false} : vector<256x2048xbf16>, vector<2048x256xbf16>, vector<256x256xf32> -> vector<256x256xf32>
    %mul3A_1721 = arith.constant 2.000000e+00 : f32
    %mul3A_1722 = vector.broadcast %mul3A_1721 : f32 to vector<256x256xf32>
    %mul3A_1723 = arith.mulf %mul3A_1722, %dot_general3A_1720 : vector<256x256xf32>
    %slice3A_1724 = vector.extract_strided_slice %convert_element_type3A_1535 {offsets = [1536, 0], sizes = [256, 256], strides = [1, 1]} : vector<2048x256xbf16> to vector<256x256xbf16>
    %convert_element_type3A_1725 = arith.extf %slice3A_1724 : vector<256x256xbf16> to vector<256x256xf32>
    %sub3A_1726 = arith.subf %mul3A_1723, %convert_element_type3A_1725 : vector<256x256xf32>
    %get3A_1727 = arith.constant 1792 : index
    %get3A_1728 = arith.constant 0 : index
    %get3A_1729 = vector.load %arg2[%get3A_1727, %get3A_1728] : memref<2048x2048xbf16, #tpu.memory_space<vmem>>, vector<256x2048xbf16>
    %dot_general3A_1730 = arith.constant dense<0.000000e+00> : vector<256x256xf32>
    %dot_general3A_1731 = tpu.matmul %get3A_1729, %convert_element_type3A_1649, %dot_general3A_1730 {dimension_numbers = #tpu.dot_dimension_numbers<[1], [0], [0], [1], [0, 0, 1, 1], [], []>, transpose_lhs_hint = false} : vector<256x2048xbf16>, vector<2048x256xbf16>, vector<256x256xf32> -> vector<256x256xf32>
    %mul3A_1732 = arith.constant 2.000000e+00 : f32
    %mul3A_1733 = vector.broadcast %mul3A_1732 : f32 to vector<256x256xf32>
    %mul3A_1734 = arith.mulf %mul3A_1733, %dot_general3A_1731 : vector<256x256xf32>
    %slice3A_1735 = vector.extract_strided_slice %convert_element_type3A_1535 {offsets = [1792, 0], sizes = [256, 256], strides = [1, 1]} : vector<2048x256xbf16> to vector<256x256xbf16>
    %convert_element_type3A_1736 = arith.extf %slice3A_1735 : vector<256x256xbf16> to vector<256x256xf32>
    %sub3A_1737 = arith.subf %mul3A_1734, %convert_element_type3A_1736 : vector<256x256xf32>
    %concatenate3A_1738 = tpu.concatenate %sub3A_1660, %sub3A_1671, %sub3A_1682, %sub3A_1693, %sub3A_1704, %sub3A_1715, %sub3A_1726, %sub3A_1737 in 0 : vector<256x256xf32>, vector<256x256xf32>, vector<256x256xf32>, vector<256x256xf32>, vector<256x256xf32>, vector<256x256xf32>, vector<256x256xf32>, vector<256x256xf32> -> vector<2048x256xf32>
    %get3A_1739 = arith.constant 16 : index
    %get3A_1740 = arith.constant 0 : index
    %get3A_1741 = memref.load %arg1[%get3A_1739, %get3A_1740] : memref<17x4xf32, #tpu.memory_space<smem>>
    %mul3A_1742 = vector.broadcast %get3A_1741 : f32 to vector<2048x256xf32>
    %mul3A_1743 = arith.mulf %mul3A_1742, %concatenate3A_1738 : vector<2048x256xf32>
    %add3A_1744 = arith.addf %add3A_1630, %mul3A_1743 : vector<2048x256xf32>
    %get3A_1745 = arith.constant 16 : index
    %get3A_1746 = arith.constant 1 : index
    %get3A_1747 = memref.load %arg1[%get3A_1745, %get3A_1746] : memref<17x4xf32, #tpu.memory_space<smem>>
    %mul3A_1748 = vector.broadcast %get3A_1747 : f32 to vector<2048x256xf32>
    %mul3A_1749 = arith.mulf %mul3A_1748, %concatenate3A_1738 : vector<2048x256xf32>
    %add3A_1750 = arith.addf %add3A_1636, %mul3A_1749 : vector<2048x256xf32>
    %get3A_1751 = arith.constant 16 : index
    %get3A_1752 = arith.constant 2 : index
    %get3A_1753 = memref.load %arg1[%get3A_1751, %get3A_1752] : memref<17x4xf32, #tpu.memory_space<smem>>
    %mul3A_1754 = vector.broadcast %get3A_1753 : f32 to vector<2048x256xf32>
    %mul3A_1755 = arith.mulf %mul3A_1754, %concatenate3A_1738 : vector<2048x256xf32>
    %add3A_1756 = arith.addf %add3A_1642, %mul3A_1755 : vector<2048x256xf32>
    %get3A_1757 = arith.constant 16 : index
    %get3A_1758 = arith.constant 3 : index
    %get3A_1759 = memref.load %arg1[%get3A_1757, %get3A_1758] : memref<17x4xf32, #tpu.memory_space<smem>>
    %mul3A_1760 = vector.broadcast %get3A_1759 : f32 to vector<2048x256xf32>
    %mul3A_1761 = arith.mulf %mul3A_1760, %concatenate3A_1738 : vector<2048x256xf32>
    %add3A_1762 = arith.addf %add3A_1648, %mul3A_1761 : vector<2048x256xf32>
    %gt3A = arith.constant 0.000000e+00 : f32
    %gt3A_1763 = vector.broadcast %gt3A : f32 to vector<2048x256xf32>
    %gt3A_1764 = arith.cmpf ogt, %add3A_1744, %gt3A_1763 : vector<2048x256xf32>
    %mul3A_1765 = arith.constant 2.000000e-01 : f32
    %mul3A_1766 = vector.broadcast %mul3A_1765 : f32 to vector<2048x256xf32>
    %mul3A_1767 = arith.mulf %mul3A_1766, %add3A_1744 : vector<2048x256xf32>
    %select_n3A_1768 = arith.select %gt3A_1764, %add3A_1744, %mul3A_1767 : vector<2048x256xi1>, vector<2048x256xf32>
    %ne3A = arith.cmpf one, %select_n3A_1768, %select_n3A_1768 : vector<2048x256xf32>
    %eq3A_1769 = arith.constant 0.000000e+00 : f32
    %eq3A_1770 = vector.broadcast %eq3A_1769 : f32 to vector<2048x256xf32>
    %eq3A_1771 = arith.cmpf oeq, %select_n3A_1768, %eq3A_1770 : vector<2048x256xf32>
    %or3A = arith.ori %ne3A, %eq3A_1771 : vector<2048x256xi1>
    %jit3A_1772 = arith.constant -9.000000e+15 : f32
    %broadcast_in_dim3A_1773 = vector.broadcast %jit3A_1772 : f32 to vector<2048x256xf32>
    %select_n3A_1774 = arith.select %or3A, %broadcast_in_dim3A_1773, %select_n3A_1768 : vector<2048x256xi1>, vector<2048x256xf32>
    %min3A = arith.constant 3.673600e+01 : f32
    %min3A_1775 = vector.broadcast %min3A : f32 to vector<2048x256xf32>
    %min3A_1776 = arith.minimumf %select_n3A_1774, %min3A_1775 : vector<2048x256xf32>
    %exp3A = math.exp %min3A_1776 : vector<2048x256xf32>
    %reduce_sum3A = arith.constant dense<0.000000e+00> : vector<256xf32>
    %reduce_sum3A_1777 = vector.multi_reduction <add>, %exp3A, %reduce_sum3A [0] : vector<2048x256xf32> to vector<256xf32>
    %broadcast_in_dim3A_1778 = vector.shape_cast %reduce_sum3A_1777 : vector<256xf32> to vector<1x256xf32>
    %eq3A_1779 = arith.constant 0.000000e+00 : f32
    %eq3A_1780 = vector.broadcast %eq3A_1779 : f32 to vector<1x256xf32>
    %eq3A_1781 = arith.cmpf oeq, %broadcast_in_dim3A_1778, %eq3A_1780 : vector<1x256xf32>
    %jit3A_1782 = arith.constant 1.000000e+00 : f32
    %broadcast_in_dim3A_1783 = vector.broadcast %jit3A_1782 : f32 to vector<1x256xf32>
    %select_n3A_1784 = arith.select %eq3A_1781, %broadcast_in_dim3A_1783, %broadcast_in_dim3A_1778 : vector<1x256xi1>, vector<1x256xf32>
    %div3A = vector.broadcast %select_n3A_1784 : vector<1x256xf32> to vector<2048x256xf32>
    %div3A_1785 = arith.divf %exp3A, %div3A : vector<2048x256xf32>
    %transpose3A = tpu.transpose %div3A_1785, [1, 0] : vector<2048x256xf32> -> vector<256x2048xf32>
    %swap3A = arith.constant 0 : index
    %swap3A_1786 = arith.constant 0 : index
    %swap3A_1787 = arith.constant 0 : index
    %swap3A_1788 = vector.load %arg5[%swap3A, %swap3A_1786, %swap3A_1787] : memref<4x256x2048xf32, #tpu.memory_space<vmem>>, vector<1x256x2048xf32>
    %swap3A_1789 = vector.shape_cast %swap3A_1788 : vector<1x256x2048xf32> to vector<256x2048xf32>
    %swap3A_1790 = vector.shape_cast %transpose3A : vector<256x2048xf32> to vector<1x256x2048xf32>
    tpu.vector_store %arg5[%swap3A, %swap3A_1786, %swap3A_1787], %swap3A_1790 {strides = array<i32>} : memref<4x256x2048xf32, #tpu.memory_space<vmem>>, vector<1x256x2048xf32>,
    %dot_general3A_1791 = arith.constant dense<0.000000e+00> : vector<256x16xf32>
    %dot_general3A_1792 = tpu.matmul %transpose3A, %get3A_2, %dot_general3A_1791 {dimension_numbers = #tpu.dot_dimension_numbers<[1], [0], [0], [1], [0, 0, 1, 1], [], []>, transpose_lhs_hint = false} : vector<256x2048xf32>, vector<2048x16xf32>, vector<256x16xf32> -> vector<256x16xf32>
    %gt3A_1793 = arith.constant 0.000000e+00 : f32
    %gt3A_1794 = vector.broadcast %gt3A_1793 : f32 to vector<256x16xf32>
    %gt3A_1795 = arith.cmpf ogt, %dot_general3A_1792, %gt3A_1794 : vector<256x16xf32>
    %min3A_1796 = arith.constant 0.000000e+00 : f32
    %min3A_1797 = vector.broadcast %min3A_1796 : f32 to vector<256x16xf32>
    %min3A_1798 = arith.minimumf %dot_general3A_1792, %min3A_1797 : vector<256x16xf32>
    %exp3A_1799 = math.exp %min3A_1798 : vector<256x16xf32>
    %sub3A_1800 = arith.constant 1.000000e+00 : f32
    %sub3A_1801 = vector.broadcast %sub3A_1800 : f32 to vector<256x16xf32>
    %sub3A_1802 = arith.subf %exp3A_1799, %sub3A_1801 : vector<256x16xf32>
    %select_n3A_1803 = arith.select %gt3A_1795, %dot_general3A_1792, %sub3A_1802 : vector<256x16xi1>, vector<256x16xf32>
    %gt3A_1804 = arith.constant 0.000000e+00 : f32
    %gt3A_1805 = vector.broadcast %gt3A_1804 : f32 to vector<2048x256xf32>
    %gt3A_1806 = arith.cmpf ogt, %add3A_1750, %gt3A_1805 : vector<2048x256xf32>
    %mul3A_1807 = arith.constant 2.000000e-01 : f32
    %mul3A_1808 = vector.broadcast %mul3A_1807 : f32 to vector<2048x256xf32>
    %mul3A_1809 = arith.mulf %mul3A_1808, %add3A_1750 : vector<2048x256xf32>
    %select_n3A_1810 = arith.select %gt3A_1806, %add3A_1750, %mul3A_1809 : vector<2048x256xi1>, vector<2048x256xf32>
    %ne3A_1811 = arith.cmpf one, %select_n3A_1810, %select_n3A_1810 : vector<2048x256xf32>
    %eq3A_1812 = arith.constant 0.000000e+00 : f32
    %eq3A_1813 = vector.broadcast %eq3A_1812 : f32 to vector<2048x256xf32>
    %eq3A_1814 = arith.cmpf oeq, %select_n3A_1810, %eq3A_1813 : vector<2048x256xf32>
    %or3A_1815 = arith.ori %ne3A_1811, %eq3A_1814 : vector<2048x256xi1>
    %jit3A_1816 = arith.constant -9.000000e+15 : f32
    %broadcast_in_dim3A_1817 = vector.broadcast %jit3A_1816 : f32 to vector<2048x256xf32>
    %select_n3A_1818 = arith.select %or3A_1815, %broadcast_in_dim3A_1817, %select_n3A_1810 : vector<2048x256xi1>, vector<2048x256xf32>
    %min3A_1819 = arith.constant 3.673600e+01 : f32
    %min3A_1820 = vector.broadcast %min3A_1819 : f32 to vector<2048x256xf32>
    %min3A_1821 = arith.minimumf %select_n3A_1818, %min3A_1820 : vector<2048x256xf32>
    %exp3A_1822 = math.exp %min3A_1821 : vector<2048x256xf32>
    %reduce_sum3A_1823 = arith.constant dense<0.000000e+00> : vector<256xf32>
    %reduce_sum3A_1824 = vector.multi_reduction <add>, %exp3A_1822, %reduce_sum3A_1823 [0] : vector<2048x256xf32> to vector<256xf32>
    %broadcast_in_dim3A_1825 = vector.shape_cast %reduce_sum3A_1824 : vector<256xf32> to vector<1x256xf32>
    %eq3A_1826 = arith.constant 0.000000e+00 : f32
    %eq3A_1827 = vector.broadcast %eq3A_1826 : f32 to vector<1x256xf32>
    %eq3A_1828 = arith.cmpf oeq, %broadcast_in_dim3A_1825, %eq3A_1827 : vector<1x256xf32>
    %jit3A_1829 = arith.constant 1.000000e+00 : f32
    %broadcast_in_dim3A_1830 = vector.broadcast %jit3A_1829 : f32 to vector<1x256xf32>
    %select_n3A_1831 = arith.select %eq3A_1828, %broadcast_in_dim3A_1830, %broadcast_in_dim3A_1825 : vector<1x256xi1>, vector<1x256xf32>
    %div3A_1832 = vector.broadcast %select_n3A_1831 : vector<1x256xf32> to vector<2048x256xf32>
    %div3A_1833 = arith.divf %exp3A_1822, %div3A_1832 : vector<2048x256xf32>
    %transpose3A_1834 = tpu.transpose %div3A_1833, [1, 0] : vector<2048x256xf32> -> vector<256x2048xf32>
    %swap3A_1835 = arith.constant 1 : index
    %swap3A_1836 = arith.constant 0 : index
    %swap3A_1837 = arith.constant 0 : index
    %swap3A_1838 = vector.load %arg5[%swap3A_1835, %swap3A_1836, %swap3A_1837] : memref<4x256x2048xf32, #tpu.memory_space<vmem>>, vector<1x256x2048xf32>
    %swap3A_1839 = vector.shape_cast %swap3A_1838 : vector<1x256x2048xf32> to vector<256x2048xf32>
    %swap3A_1840 = vector.shape_cast %transpose3A_1834 : vector<256x2048xf32> to vector<1x256x2048xf32>
    tpu.vector_store %arg5[%swap3A_1835, %swap3A_1836, %swap3A_1837], %swap3A_1840 {strides = array<i32>} : memref<4x256x2048xf32, #tpu.memory_space<vmem>>, vector<1x256x2048xf32>,
    %dot_general3A_1841 = arith.constant dense<0.000000e+00> : vector<256x16xf32>
    %dot_general3A_1842 = tpu.matmul %transpose3A_1834, %get3A_2, %dot_general3A_1841 {dimension_numbers = #tpu.dot_dimension_numbers<[1], [0], [0], [1], [0, 0, 1, 1], [], []>, transpose_lhs_hint = false} : vector<256x2048xf32>, vector<2048x16xf32>, vector<256x16xf32> -> vector<256x16xf32>
    %gt3A_1843 = arith.constant 0.000000e+00 : f32
    %gt3A_1844 = vector.broadcast %gt3A_1843 : f32 to vector<256x16xf32>
    %gt3A_1845 = arith.cmpf ogt, %dot_general3A_1842, %gt3A_1844 : vector<256x16xf32>
    %min3A_1846 = arith.constant 0.000000e+00 : f32
    %min3A_1847 = vector.broadcast %min3A_1846 : f32 to vector<256x16xf32>
    %min3A_1848 = arith.minimumf %dot_general3A_1842, %min3A_1847 : vector<256x16xf32>
    %exp3A_1849 = math.exp %min3A_1848 : vector<256x16xf32>
    %sub3A_1850 = arith.constant 1.000000e+00 : f32
    %sub3A_1851 = vector.broadcast %sub3A_1850 : f32 to vector<256x16xf32>
    %sub3A_1852 = arith.subf %exp3A_1849, %sub3A_1851 : vector<256x16xf32>
    %select_n3A_1853 = arith.select %gt3A_1845, %dot_general3A_1842, %sub3A_1852 : vector<256x16xi1>, vector<256x16xf32>
    %gt3A_1854 = arith.constant 0.000000e+00 : f32
    %gt3A_1855 = vector.broadcast %gt3A_1854 : f32 to vector<2048x256xf32>
    %gt3A_1856 = arith.cmpf ogt, %add3A_1756, %gt3A_1855 : vector<2048x256xf32>
    %mul3A_1857 = arith.constant 2.000000e-01 : f32
    %mul3A_1858 = vector.broadcast %mul3A_1857 : f32 to vector<2048x256xf32>
    %mul3A_1859 = arith.mulf %mul3A_1858, %add3A_1756 : vector<2048x256xf32>
    %select_n3A_1860 = arith.select %gt3A_1856, %add3A_1756, %mul3A_1859 : vector<2048x256xi1>, vector<2048x256xf32>
    %ne3A_1861 = arith.cmpf one, %select_n3A_1860, %select_n3A_1860 : vector<2048x256xf32>
    %eq3A_1862 = arith.constant 0.000000e+00 : f32
    %eq3A_1863 = vector.broadcast %eq3A_1862 : f32 to vector<2048x256xf32>
    %eq3A_1864 = arith.cmpf oeq, %select_n3A_1860, %eq3A_1863 : vector<2048x256xf32>
    %or3A_1865 = arith.ori %ne3A_1861, %eq3A_1864 : vector<2048x256xi1>
    %jit3A_1866 = arith.constant -9.000000e+15 : f32
    %broadcast_in_dim3A_1867 = vector.broadcast %jit3A_1866 : f32 to vector<2048x256xf32>
    %select_n3A_1868 = arith.select %or3A_1865, %broadcast_in_dim3A_1867, %select_n3A_1860 : vector<2048x256xi1>, vector<2048x256xf32>
    %min3A_1869 = arith.constant 3.673600e+01 : f32
    %min3A_1870 = vector.broadcast %min3A_1869 : f32 to vector<2048x256xf32>
    %min3A_1871 = arith.minimumf %select_n3A_1868, %min3A_1870 : vector<2048x256xf32>
    %exp3A_1872 = math.exp %min3A_1871 : vector<2048x256xf32>
    %reduce_sum3A_1873 = arith.constant dense<0.000000e+00> : vector<256xf32>
    %reduce_sum3A_1874 = vector.multi_reduction <add>, %exp3A_1872, %reduce_sum3A_1873 [0] : vector<2048x256xf32> to vector<256xf32>
    %broadcast_in_dim3A_1875 = vector.shape_cast %reduce_sum3A_1874 : vector<256xf32> to vector<1x256xf32>
    %eq3A_1876 = arith.constant 0.000000e+00 : f32
    %eq3A_1877 = vector.broadcast %eq3A_1876 : f32 to vector<1x256xf32>
    %eq3A_1878 = arith.cmpf oeq, %broadcast_in_dim3A_1875, %eq3A_1877 : vector<1x256xf32>
    %jit3A_1879 = arith.constant 1.000000e+00 : f32
    %broadcast_in_dim3A_1880 = vector.broadcast %jit3A_1879 : f32 to vector<1x256xf32>
    %select_n3A_1881 = arith.select %eq3A_1878, %broadcast_in_dim3A_1880, %broadcast_in_dim3A_1875 : vector<1x256xi1>, vector<1x256xf32>
    %div3A_1882 = vector.broadcast %select_n3A_1881 : vector<1x256xf32> to vector<2048x256xf32>
    %div3A_1883 = arith.divf %exp3A_1872, %div3A_1882 : vector<2048x256xf32>
    %transpose3A_1884 = tpu.transpose %div3A_1883, [1, 0] : vector<2048x256xf32> -> vector<256x2048xf32>
    %swap3A_1885 = arith.constant 2 : index
    %swap3A_1886 = arith.constant 0 : index
    %swap3A_1887 = arith.constant 0 : index
    %swap3A_1888 = vector.load %arg5[%swap3A_1885, %swap3A_1886, %swap3A_1887] : memref<4x256x2048xf32, #tpu.memory_space<vmem>>, vector<1x256x2048xf32>
    %swap3A_1889 = vector.shape_cast %swap3A_1888 : vector<1x256x2048xf32> to vector<256x2048xf32>
    %swap3A_1890 = vector.shape_cast %transpose3A_1884 : vector<256x2048xf32> to vector<1x256x2048xf32>
    tpu.vector_store %arg5[%swap3A_1885, %swap3A_1886, %swap3A_1887], %swap3A_1890 {strides = array<i32>} : memref<4x256x2048xf32, #tpu.memory_space<vmem>>, vector<1x256x2048xf32>,
    %dot_general3A_1891 = arith.constant dense<0.000000e+00> : vector<256x16xf32>
    %dot_general3A_1892 = tpu.matmul %transpose3A_1884, %get3A_2, %dot_general3A_1891 {dimension_numbers = #tpu.dot_dimension_numbers<[1], [0], [0], [1], [0, 0, 1, 1], [], []>, transpose_lhs_hint = false} : vector<256x2048xf32>, vector<2048x16xf32>, vector<256x16xf32> -> vector<256x16xf32>
    %gt3A_1893 = arith.constant 0.000000e+00 : f32
    %gt3A_1894 = vector.broadcast %gt3A_1893 : f32 to vector<256x16xf32>
    %gt3A_1895 = arith.cmpf ogt, %dot_general3A_1892, %gt3A_1894 : vector<256x16xf32>
    %min3A_1896 = arith.constant 0.000000e+00 : f32
    %min3A_1897 = vector.broadcast %min3A_1896 : f32 to vector<256x16xf32>
    %min3A_1898 = arith.minimumf %dot_general3A_1892, %min3A_1897 : vector<256x16xf32>
    %exp3A_1899 = math.exp %min3A_1898 : vector<256x16xf32>
    %sub3A_1900 = arith.constant 1.000000e+00 : f32
    %sub3A_1901 = vector.broadcast %sub3A_1900 : f32 to vector<256x16xf32>
    %sub3A_1902 = arith.subf %exp3A_1899, %sub3A_1901 : vector<256x16xf32>
    %select_n3A_1903 = arith.select %gt3A_1895, %dot_general3A_1892, %sub3A_1902 : vector<256x16xi1>, vector<256x16xf32>
    %gt3A_1904 = arith.constant 0.000000e+00 : f32
    %gt3A_1905 = vector.broadcast %gt3A_1904 : f32 to vector<2048x256xf32>
    %gt3A_1906 = arith.cmpf ogt, %add3A_1762, %gt3A_1905 : vector<2048x256xf32>
    %mul3A_1907 = arith.constant 2.000000e-01 : f32
    %mul3A_1908 = vector.broadcast %mul3A_1907 : f32 to vector<2048x256xf32>
    %mul3A_1909 = arith.mulf %mul3A_1908, %add3A_1762 : vector<2048x256xf32>
    %select_n3A_1910 = arith.select %gt3A_1906, %add3A_1762, %mul3A_1909 : vector<2048x256xi1>, vector<2048x256xf32>
    %ne3A_1911 = arith.cmpf one, %select_n3A_1910, %select_n3A_1910 : vector<2048x256xf32>
    %eq3A_1912 = arith.constant 0.000000e+00 : f32
    %eq3A_1913 = vector.broadcast %eq3A_1912 : f32 to vector<2048x256xf32>
    %eq3A_1914 = arith.cmpf oeq, %select_n3A_1910, %eq3A_1913 : vector<2048x256xf32>
    %or3A_1915 = arith.ori %ne3A_1911, %eq3A_1914 : vector<2048x256xi1>
    %jit3A_1916 = arith.constant -9.000000e+15 : f32
    %broadcast_in_dim3A_1917 = vector.broadcast %jit3A_1916 : f32 to vector<2048x256xf32>
    %select_n3A_1918 = arith.select %or3A_1915, %broadcast_in_dim3A_1917, %select_n3A_1910 : vector<2048x256xi1>, vector<2048x256xf32>
    %min3A_1919 = arith.constant 3.673600e+01 : f32
    %min3A_1920 = vector.broadcast %min3A_1919 : f32 to vector<2048x256xf32>
    %min3A_1921 = arith.minimumf %select_n3A_1918, %min3A_1920 : vector<2048x256xf32>
    %exp3A_1922 = math.exp %min3A_1921 : vector<2048x256xf32>
    %reduce_sum3A_1923 = arith.constant dense<0.000000e+00> : vector<256xf32>
    %reduce_sum3A_1924 = vector.multi_reduction <add>, %exp3A_1922, %reduce_sum3A_1923 [0] : vector<2048x256xf32> to vector<256xf32>
    %broadcast_in_dim3A_1925 = vector.shape_cast %reduce_sum3A_1924 : vector<256xf32> to vector<1x256xf32>
    %eq3A_1926 = arith.constant 0.000000e+00 : f32
    %eq3A_1927 = vector.broadcast %eq3A_1926 : f32 to vector<1x256xf32>
    %eq3A_1928 = arith.cmpf oeq, %broadcast_in_dim3A_1925, %eq3A_1927 : vector<1x256xf32>
    %jit3A_1929 = arith.constant 1.000000e+00 : f32
    %broadcast_in_dim3A_1930 = vector.broadcast %jit3A_1929 : f32 to vector<1x256xf32>
    %select_n3A_1931 = arith.select %eq3A_1928, %broadcast_in_dim3A_1930, %broadcast_in_dim3A_1925 : vector<1x256xi1>, vector<1x256xf32>
    %div3A_1932 = vector.broadcast %select_n3A_1931 : vector<1x256xf32> to vector<2048x256xf32>
    %div3A_1933 = arith.divf %exp3A_1922, %div3A_1932 : vector<2048x256xf32>
    %transpose3A_1934 = tpu.transpose %div3A_1933, [1, 0] : vector<2048x256xf32> -> vector<256x2048xf32>
    %swap3A_1935 = arith.constant 3 : index
    %swap3A_1936 = arith.constant 0 : index
    %swap3A_1937 = arith.constant 0 : index
    %swap3A_1938 = vector.load %arg5[%swap3A_1935, %swap3A_1936, %swap3A_1937] : memref<4x256x2048xf32, #tpu.memory_space<vmem>>, vector<1x256x2048xf32>
    %swap3A_1939 = vector.shape_cast %swap3A_1938 : vector<1x256x2048xf32> to vector<256x2048xf32>
    %swap3A_1940 = vector.shape_cast %transpose3A_1934 : vector<256x2048xf32> to vector<1x256x2048xf32>
    tpu.vector_store %arg5[%swap3A_1935, %swap3A_1936, %swap3A_1937], %swap3A_1940 {strides = array<i32>} : memref<4x256x2048xf32, #tpu.memory_space<vmem>>, vector<1x256x2048xf32>,
    %dot_general3A_1941 = arith.constant dense<0.000000e+00> : vector<256x16xf32>
    %dot_general3A_1942 = tpu.matmul %transpose3A_1934, %get3A_2, %dot_general3A_1941 {dimension_numbers = #tpu.dot_dimension_numbers<[1], [0], [0], [1], [0, 0, 1, 1], [], []>, transpose_lhs_hint = false} : vector<256x2048xf32>, vector<2048x16xf32>, vector<256x16xf32> -> vector<256x16xf32>
    %gt3A_1943 = arith.constant 0.000000e+00 : f32
    %gt3A_1944 = vector.broadcast %gt3A_1943 : f32 to vector<256x16xf32>
    %gt3A_1945 = arith.cmpf ogt, %dot_general3A_1942, %gt3A_1944 : vector<256x16xf32>
    %min3A_1946 = arith.constant 0.000000e+00 : f32
    %min3A_1947 = vector.broadcast %min3A_1946 : f32 to vector<256x16xf32>
    %min3A_1948 = arith.minimumf %dot_general3A_1942, %min3A_1947 : vector<256x16xf32>
    %exp3A_1949 = math.exp %min3A_1948 : vector<256x16xf32>
    %sub3A_1950 = arith.constant 1.000000e+00 : f32
    %sub3A_1951 = vector.broadcast %sub3A_1950 : f32 to vector<256x16xf32>
    %sub3A_1952 = arith.subf %exp3A_1949, %sub3A_1951 : vector<256x16xf32>
    %select_n3A_1953 = arith.select %gt3A_1945, %dot_general3A_1942, %sub3A_1952 : vector<256x16xi1>, vector<256x16xf32>
    %concatenate3A_1954 = tpu.concatenate %select_n3A_1803, %select_n3A_1853, %select_n3A_1903, %select_n3A_1953 in 1 : vector<256x16xf32>, vector<256x16xf32>, vector<256x16xf32>, vector<256x16xf32> -> vector<256x64xf32>
    %swap3A_1955 = arith.constant 0 : index
    %swap3A_1956 = arith.constant 0 : index
    %swap3A_1957 = vector.load %arg4[%swap3A_1955, %swap3A_1956] : memref<256x64xf32, #tpu.memory_space<vmem>>, vector<256x64xf32>
    tpu.vector_store %arg4[%swap3A_1955, %swap3A_1956], %concatenate3A_1954 {strides = array<i32>} : memref<256x64xf32, #tpu.memory_space<vmem>>, vector<256x64xf32>,
    return
  }
  func.func @transform_0(%arg0: i32) -> (i32, i32) {
    %c0_i32 = arith.constant 0 : i32
    %c0_i32_0 = arith.constant 0 : i32
    %c0_i32_1 = arith.constant 0 : i32
    return %c0_i32, %c0_i32_0 : i32, i32
  }
  func.func @transform_1(%arg0: i32) -> (i32, i32) {
    %c0_i32 = arith.constant 0 : i32
    %c0_i32_0 = arith.constant 0 : i32
    %c0_i32_1 = arith.constant 0 : i32
    return %c0_i32, %c0_i32_0 : i32, i32
  }
  func.func @transform_2(%arg0: i32) -> (i32, i32) {
    %c0_i32 = arith.constant 0 : i32
    %c0_i32_0 = arith.constant 0 : i32
    %c0_i32_1 = arith.constant 0 : i32
    return %c0_i32, %c0_i32_0 : i32, i32
  }
  func.func @transform_3(%arg0: i32) -> (i32, i32) {
    %c0_i32 = arith.constant 0 : i32
    %c0_i32_0 = arith.constant 0 : i32
    return %arg0, %c0_i32 : i32, i32
  }
  func.func @transform_4(%arg0: i32) -> (i32, i32, i32) {
    %c0_i32 = arith.constant 0 : i32
    %c0_i32_0 = arith.constant 0 : i32
    %c0_i32_1 = arith.constant 0 : i32
    return %c0_i32, %arg0, %c0_i32_0 : i32, i32, i32
  }
}

</mosaic_0001>

<sc_bundles>
// kernel: kernel.5.cloned.1.call-start
scs
__scs_entry_jumppad:
0x0: {  	(pc) =	sbr.rel $0x88, $3  }
0x1: {  	(tag) =	ssettag $0x0;
	lr =	simm.s32 $0x1  }
0x2: {  	[smem:$0x3F96] =	sst lr;
	_ =	strace $0xD0000000  }
0x3: {  	_ = 	snop  }
0x4: {  	_ = 	snop  }
0x5: {  	_ = 	snop  }
0x6: {  	_ = 	snop  }
0x7: {  	_ = 	snop  }
__scs_overlays_trampoline_lowered:
0x8: {  	[smem:$0x3FA5] =	sst s0  }
0x9: {  	[smem:$0x3FA6] =	sst s1  }
0xa: {  	[smem:$0x3FA7] =	sst s2  }
0xb: {  	[smem:$0x3FA8] =	sst s3  }
0xc: {  	[smem:$0x3FA9] =	sst s4  }
0xd: {  	[smem:$0x3FAA] =	sst s5  }
0xe: {  	[smem:$0x3FAB] =	sst s6  }
0xf: {  	[smem:$0x3FAC] =	sst s7  }
0x10: {  	[smem:$0x3FAD] =	sst s8  }
0x11: {  	[smem:$0x3FAE] =	sst s9;
	s0 =	simm.s32 @!p0 $0x0  }
0x12: {  	s1 =	sld [smem:$0x3F94];
	s0 =	simm.s32 @p0 $0x1  }
0x13: {  	[smem:$0x3FAF] =	sst s0;
	s0 =	simm.s32 @!p1 $0x0  }
0x14: {  	s2 =	sld [smem:$0x3F93];
	s0 =	simm.s32 @p1 $0x1  }
0x15: {  	[smem:$0x3FB0] =	sst s0;
	s0 =	simm.s32 @!p2 $0x0  }
0x16: {  	s3 =	sld [smem:$0x3FDB];
	s0 =	simm.s32 @p2 $0x1  }
0x17: {  	s4 =	simm.s32 $0x1BF5;
	[smem:$0x3FB2] =	sst s0  }
0x18: {  	s0 =	sld [smem:$0x3F95];
	_ =	swait.ge [sflag:s4], $0x0  }
0x19: {  	s7 =	sld [smem:$0x3F96]  }
0x1a: {  	s8 =	sadd.s32 $0xFFFFE003, lr  }
0x1b: {  	s9 =	sadd.s32 $0xFFFFFEF7, lr;
	s5 =	simm.s32 $0xFFFFFFFF;
	p2 =	slt.u32 s8, $0xFFFFF086  }
0x1c: {  	p1 =	slt.u32 s9, $0xF7A;
	s5 =	simm.s32 @!p2 $0x0  }
0x1d: {  	s5 =	simm.s32 @p1 $0x1;
	p0 =	seq.s32 s7, s2  }
0x1e: {  	s7 =	smul.u32 @!p0 $0xF7A, s2;
	p2 =	seq.s32 @!p0 s5, $0x0  }
0x1f: {  	s9 =	smul.u32 $0xF7A, s1;
	s8 =	simm.s32 @!p0 $0x1BF5;
	p2 =	por !p2, p0  }
0x20: {  	[sflag:s8] =	ssyncset.s32 @!p0 $0xFFFFF086;
	s6 =	sadd.s32 @!p0 s3, s7;
	s7 =	simm.s32 @!p0 $0x108  }
0x21: {  	s3 =	sadd.s32 s3, s9;
	s6 =	sadd.s32 @!p0 $0x88, s6;
	s7 =	simm.s32 @p2 $0x1082  }
0x22: {  	[simem:s7], [sflag:s8] =	dma.local @!p0 [hbm:s6], $0xF7A  }
0x23: {  	s9 =	sor.u32 $0xD0000000, s2;
	s6 =	simm.s32 $0x108;
	_ =	swait.ge @!p0 [sflag:s8], $0x0  }
0x24: {  	s3 =	sadd.s32 $0x88, s3;
	s6 =	simm.s32 @!p1 $0x1082;
	[sflag:s4] =	ssyncset.s32 $0xFFFFF086  }
0x25: {  	[simem:s6], [sflag:s4] =	dma.local [hbm:s3], $0xF7A  }
0x26: {  	[smem:$0x3F96] =	sst s1;
	(tag) =	ssettag s2;
	_ =	strace s9  }
0x27: {  	s1 =	sld [smem:$0x3FA6]  }
0x28: {  	s2 =	sld [smem:$0x3FA7]  }
0x29: {  	s4 =	sld [smem:$0x3FA9]  }
0x2a: {  	p0 =	seq.s32 s5, $0x0;
	s5 =	sld [smem:$0x3FAA]  }
0x2b: {  	s6 =	sld [smem:$0x3FAB]  }
0x2c: {  	s7 =	sld [smem:$0x3FAC]  }
0x2d: {  	s3 =	simm.s32 $0x108;
	s8 =	sld [smem:$0x3FAD]  }
0x2e: {  	s3 =	simm.s32 @!p0 $0x1082;
	s9 =	sld [smem:$0x3FAE]  }
0x2f: {  	lr =	sadd.s32 s0, s3;
	s0 =	sld [smem:$0x3FA5]  }
0x30: {  	s3 =	sld [smem:$0x3FA8]  }
0x31: {  	[smem:$0x3FB1] =	sst s10  }
0x32: {  	s10 =	sld [smem:$0x3FAF];
	_ =	sdelay $0x3  }
0x33: {  	p0 =	seq.s32 s10, $0x1;
	s10 =	sld [smem:$0x3FB1];
	_ =	sdelay $0x3  }
0x34: {  	[smem:$0x3FB1] =	sst s10  }
0x35: {  	s10 =	sld [smem:$0x3FB0];
	_ =	sdelay $0x3  }
0x36: {  	p1 =	seq.s32 s10, $0x1;
	s10 =	sld [smem:$0x3FB1];
	_ =	sdelay $0x3  }
0x37: {  	[smem:$0x3FB1] =	sst s10  }
0x38: {  	s10 =	sld [smem:$0x3FB2]  }
0x39: {  	_ = 	snop;
	(pc) =	sbr.ind lr, $3  }
0x3a: {  	_ = 	snop  }
0x3b: {  	_ = 	snop  }
0x3c: {  	p2 =	seq.s32 s10, $0x1;
	s10 =	sld [smem:$0x3FB1]  }
0x3d: {  	_ =	shalt  }
0x3e: {  	_ =	shalt  }
0x3f: {  	_ =	shalt  }
0x40: {  	_ =	shalt  }
0x41: {  	_ =	shalt  }
0x42: {  	_ =	shalt  }
0x43: {  	_ =	shalt  }
0x44: {  	_ =	shalt  }
0x45: {  	_ =	shalt  }
0x46: {  	_ =	shalt  }
0x47: {  	_ =	shalt  }
0x48: {  	_ =	shalt  }
0x49: {  	_ =	shalt  }
0x4a: {  	_ =	shalt  }
0x4b: {  	_ =	shalt  }
0x4c: {  	_ =	shalt  }
0x4d: {  	_ =	shalt  }
0x4e: {  	_ =	shalt  }
0x4f: {  	_ =	shalt  }
0x50: {  	_ =	shalt  }
0x51: {  	_ =	shalt  }
0x52: {  	_ =	shalt  }
0x53: {  	_ =	shalt  }
0x54: {  	_ =	shalt  }
0x55: {  	_ =	shalt  }
0x56: {  	_ =	shalt  }
0x57: {  	_ =	shalt  }
0x58: {  	_ =	shalt  }
0x59: {  	_ =	shalt  }
0x5a: {  	_ =	shalt  }
0x5b: {  	_ =	shalt  }
0x5c: {  	_ =	shalt  }
0x5d: {  	_ =	shalt  }
0x5e: {  	_ =	shalt  }
0x5f: {  	_ =	shalt  }
0x60: {  	_ =	shalt  }
0x61: {  	_ =	shalt  }
0x62: {  	_ =	shalt  }
0x63: {  	_ =	shalt  }
0x64: {  	_ =	shalt  }
0x65: {  	_ =	shalt  }
0x66: {  	_ =	shalt  }
0x67: {  	_ =	shalt  }
0x68: {  	_ =	shalt  }
0x69: {  	_ =	shalt  }
0x6a: {  	_ =	shalt  }
0x6b: {  	_ =	shalt  }
0x6c: {  	_ =	shalt  }
0x6d: {  	_ =	shalt  }
0x6e: {  	_ =	shalt  }
0x6f: {  	_ =	shalt  }
0x70: {  	_ =	shalt  }
0x71: {  	_ =	shalt  }
0x72: {  	_ =	shalt  }
0x73: {  	_ =	shalt  }
0x74: {  	_ =	shalt  }
0x75: {  	_ =	shalt  }
0x76: {  	_ =	shalt  }
0x77: {  	_ =	shalt  }
0x78: {  	_ =	shalt  }
0x79: {  	_ =	shalt  }
0x7a: {  	_ =	shalt  }
0x7b: {  	_ =	shalt  }
0x7c: {  	_ =	shalt  }
0x7d: {  	_ =	shalt  }
0x7e: {  	_ =	shalt  }
0x7f: {  	_ =	shalt  }
0x80: {  	_ =	shalt  }
0x81: {  	_ =	shalt  }
0x82: {  	_ =	shalt  }
0x83: {  	_ =	shalt  }
0x84: {  	_ =	shalt  }
0x85: {  	_ =	shalt  }
0x86: {  	_ =	shalt  }
0x87: {  	_ =	shalt  }
.Lfunc_end0:
.L_simem_size_0:
called_computation_lowered:
.L_overlay_start_0:
0x88: {  	s2 =	sld [smem:$0x3FD9]  }
0x89: {  	s3 =	sld [smem:$0x3FFE];
	_ =	sdelay $0x1  }
0x8a: {  	s1 =	srdreg.scid  }
0x8b: {  	s0 =	sand.u32 $0x1, s1  }
0x8c: {  	s15 =	sshll.u32 s0, $0xA;
	s2 =	sadd.s32 s3, s2  }
0x8d: {  	s2 =	sadd.s32 s2, s15  }
0x8e: {  	[smem:$0x3FBD] =	sst s2  }
0x8f: {  	_ = 	snop  }
0x90: {  	s2 =	sld [smem:$0x3FD0];
	_ =	sdelay $0x2  }
0x91: {  	s4 =	simm.s32 $0xA;
	s5 =	simm.s32 $0x10;
	s16 =	sld [smem:$0x3FC8]  }
0x92: {  	[smem:s5], [sflag:s4] =	dma.local [hbm:s2], $0x1  }
0x93: {  	_ =	swait.eq [sflag:s4], $0x1  }
0x94: {  	[sflag:s4] =	ssyncset.done $0x0  }
0x95: {  	s17 =	sld [smem:$0x10];
	[sflag:s4] =	ssyncadd.s32 $0xFFFFFFFF  }
0x96: {  	s18 =	sld [smem:$0x11];
	(tm) =	ssettm $0x1  }
0x97: {  	s19 =	sld [smem:$0x3FFB];
	_ =	sdelay $0x3  }
0x98: {  	_ =	strace s19  }
0x99: {  	s5 =	sld [smem:$0x3FFC];
	_ =	sdelay $0x3  }
0x9a: {  	_ =	strace s5  }
0x9b: {  	s5 =	sld [smem:$0x3FFD];
	_ =	sdelay $0x3  }
0x9c: {  	_ =	strace s5  }
0x9d: {  	_ =	strace $0x8FFFFFFF  }
0x9e: {  	s20 =	sld [smem:$0x3FDB];
	_ =	sdelay $0x1  }
0x9f: {  	s6 =	simm.s32 $_scs_section_size  }
0xa0: {  	s7 =	simm.s32 $_size__tile_overlayer_lowered;
	s8 =	simm.s32 $_tile_overlayer_lowered  }
0xa1: {  	s23 =	simm.s32 $0x1BFF;
	s22 =	sshll.u32 s8, $0x1;
	s5 =	sadd.s32 s6, s20  }
0xa2: {  	s9 =	simm.s32 $0x0;
	s21 =	sshll.u32 s7, $0x1;
	s7 =	sadd.s32 s22, s5  }
0xa3: {  	[timem:s9], [sflag:s23] =	dma.local [hbm:s7], s21  }
0xa4: {  	_ =	swait.ge [sflag:s23], s21  }
0xa5: {  	s6 =	ssub.s32 $0x0, s21;
	[sflag:s23] =	ssyncset.done $0x0  }
0xa6: {  	[sflag:s23] =	ssyncadd.s32 s6;
	_ =	sdelay $0x1  }
0xa7: {  	s24 =	simm.s32 $0x1B8B  }
0xa8: {  	_ =	swait.ge [sflag:s24], $0x1  }
0xa9: {  	[sflag:s24] =	ssyncset.done $0x0  }
0xaa: {  	s25 =	simm.s32 $0x1B8E;
	[sflag:s24] =	ssyncadd.s32 $0xFFFFFFFF  }
0xab: {  	s26 =	simm.s32 $execute0_lowered;
	[smem:$0x3FD2] =	sst s25  }
0xac: {  	s6 =	sshll.u32 s26, $0x1;
	_ =	strace $0x80000046;
	[dreg:$0x1] =	wrdreg $0xFFFFFFFF  }
0xad: {  	s28 =	simm.s32 $_size_execute0_lowered;
	s5 =	sadd.s32 s5, s6;
	[dreg:$0x0] =	wrdreg $0x0  }
0xae: {  	s6 =	sshll.u32 s28, $0x1;
	[dreg:$0x2] =	wrdreg s5  }
0xaf: {  	[dreg:$0x3] =	wrdreg s6  }
0xb0: {  	[dreg:$0x4] =	wrdreg $0xC0  }
0xb1: {  	_ =	task [dreg:s9], $0x5FFFF  }
0xb2: {  	[dreg:$0x1] =	wrdreg $0xFFFFFFFF  }
0xb3: {  	[dreg:$0x0] =	wrdreg $0x60  }
0xb4: {  	[dreg:$0x2] =	wrdreg s17  }
0xb5: {  	[dreg:$0x3] =	wrdreg s16  }
0xb6: {  	[dreg:$0x4] =	wrdreg s18  }
0xb7: {  	[dreg:$0x5] =	wrdreg $0x9  }
0xb8: {  	_ =	task.clear_ibuf [dreg:s9], $0x6FFFF;
	_ =	strace $0x90000046  }
0xb9: {  	s29 =	simm.s32 $0x9;
	_ =	strace $0x80000048  }
0xba: {  	_ =	swait.ge [sflag:s29], $0x1  }
0xbb: {  	[sflag:s29] =	ssyncadd.s32 $0xFFFFFFFF  }
0xbc: {  	_ =	strace $0x90000048  }
0xbd: {  	_ =	sfence  }
0xbe: {  	s30 =	sld [smem:$0x0];
	_ =	sdelay $0x2  }
0xbf: {  	s31 =	sshll.u32 s1, $0xD;
	s1 =	sshrl.u32 s1, $0x2  }
0xc0: {  	s3 =	sand.u32 $0x4000, s31;
	s1 =	sadd.s32 s1, s30  }
0xc1: {  	s0 =	sor.u32 s3, s0;
	s1 =	sshll.u32 s1, $0x11  }
0xc2: {  	s0 =	sor.u32 s1, s0  }
0xc3: {  	s0 =	sadd.s32 $0x8F2B, s0  }
0xc4: {  	[sflag:s0] =	ssyncadd.remote.s32 $0x1  }
0xc5: {  	_ =	sfence.sel $0xFFFF  }
0xc6: {  	[dreg:$0x0] =	wrdreg $0xFFFFFFFF;
	(pc) =	sbr.abs _section_cstart, $3  }
0xc7: {  	[dreg:$0x1] =	wrdreg $0xFFFFFFFF  }
0xc8: {  	_ =	task.clear_ibuf [dreg:s9], $0x2FFFF;
	_ =	strace $0x9FFFFFFF  }
0xc9: {  	(tm) =	ssettm $0x7FFFFFFF  }
tec
execute0_lowered:
.L_overlay_start_1:
0x0: {  	(tag) =	ssettag $0x1  }
0x1: {  	s1 =	rddreg [dreg:$0x0]  }
0x2: {  	s2 =	rddreg [dreg:$0x1]  }
0x3: {  	s8 =	rddreg [dreg:$0x2];
	s3 =	srdreg.scid  }
0x4: {  	s0 =	rddreg [dreg:$0x3];
	s4 =	simm.s32 $0x0;
	s11 =	simm.s32 $0x2  }
0x5: {  	s12 =	simm.s32 $0x1;
	s14 =	simm.s32 $0x3;
	s15 =	simm.s32 $0x0  }
0x6: {  	s5 =	sand.u32 $0x1, s3;
	[smem:$0x7FF] =	sst s4;
	s3 =	stileid.u32  }
0x7: {  	s6 =	ssub.s32 $0x2, s5;
	s5 =	sshll.u32 s5, $0xA;
	s9 =	sshll.u32 s3, $0x6  }
0x8: {  	_ =	strace $0x80000047;
	s7 =	sshrl.u32 s6, $0x1;
	s13 =	sor.u32 s9, s5  }
0x9: {  	s5 =	sadd.s32 $0x800, s2;
	s10 =	ssub.s32 s6, s7;
	s6 =	sadd.s32 $0x1000, s2  }
0xa: {  	s9 =	sshll.u32 s13, $0x7;
	s7 =	sadd.s32 $0x1800, s2;
	v0 =	vmov s13;
	s13 =	simm.s32 $0x14000  }
0xb: {  	v1 =	vimm.s32 $0x10000;
	s8 =	sadd.s32 s8, s9;
	s9 =	smax.u32 s10, $0x1;
	s10 =	simm.s32 $0x10000  }
.LBB2_1:
0xc: {  	[tilespmem:s4], [sflag:$0x2] =	stream.linear.gather [hbm4b:s1+s4], $0x10000, $0x38;
	[tilespmem:$0x18000] =	vst v63  }
0xd: {  	_ = 	snop  }
0xe: {  	[tilespmem:s10], [sflag:$0x1] =	stream.linear.gather [hbm4b:s2+s4], $0x4000, $0x38;
	[tilespmem:$0x18000] =	vst v63  }
0xf: {  	_ =	swait.ge [sflag:s11], $0x10000  }
0x10: {  	[sflag:s11] =	ssyncset.done $0x0  }
0x11: {  	[sflag:s11] =	ssyncadd.s32 $0xFFFF0000  }
0x12: {  	_ =	swait.ge [sflag:s12], $0x4000  }
0x13: {  	[sflag:s12] =	ssyncset.done $0x0  }
0x14: {  	s16 =	simm.s32 $0x0;
	s17 =	simm.s32 $0x0;
	[sflag:s12] =	ssyncadd.s32 $0xFFFFC000  }
0x15: {  	[tilespmem:s13], [sflag:$0x2] =	stream.linear.gather [hbm4b:s5+s4], $0x4000, $0x38;
	[tilespmem:$0x18000] =	vst v63  }
.LBB2_2:
0x16: {  	s18 =	sand.u32 $0x60, s17;
	s19 =	sand.u32 $0x3F00, s16  }
0x17: {  	s18 =	sor.u32 s18, s19  }
0x18: {  	v2 =	vld [tilespmem:s18+$0x10080]  }
0x19: {  	v3 =	vld [tilespmem:s18+$0x10000];
	_ =	sdelay $0x3  }
0x1a: {  	vm0 =	vlt.s32 v2, $0x400;
	v4 =	vadd.s32 $0xFFFFFC00, v2  }
0x1b: {  	v5 =	vsub.s32 v3, v0;
	v2 =	vsel vm0, v2, v4  }
0x1c: {  	v59 =	vshll.u32 v5, $0xA;
	v6 =	vshll.u32 v2, $0x3  }
0x1d: {  	v3 =	vshll.u32 v3, $0x7;
	v4 =	vand.u32 $0xFFFFE000, v59;
	v6 =	vand.u32 $0xFFFFFC00, v6  }
0x1e: {  	v3 =	vand.u32 $0x380, v3;
	v4 =	vadd.s32 v4, v6  }
0x1f: {  	vm1 =	vlt.u32 v5, $0x40;
	v2 =	vand.u32 $0x7F, v2;
	v3 =	vor.u32 v3, v4  }
0x20: {  	v2 =	vor.u32 v2, v3;
	_ =	sdelay $0x3  }
0x21: {  	v3 =	vsel vm0, $0x1, v1  }
0x22: {  	[tilespmem:v2+s4+$0x0] =	vst.idx.add.s32.msk vm1, v3  }
0x23: {  	v2 =	vld [tilespmem:s18+$0x10090]  }
0x24: {  	v3 =	vld [tilespmem:s18+$0x10010];
	_ =	sdelay $0x3  }
0x25: {  	vm14 =	vlt.s32 v2, $0x400;
	v60 =	vadd.s32 $0xFFFFFC00, v2  }
0x26: {  	v61 =	vsub.s32 v3, v0;
	v2 =	vsel vm14, v2, v60  }
0x27: {  	v62 =	vshll.u32 v61, $0xA;
	v63 =	vshll.u32 v2, $0x3  }
0x28: {  	v3 =	vshll.u32 v3, $0x7;
	v4 =	vand.u32 $0xFFFFE000, v62;
	v6 =	vand.u32 $0xFFFFFC00, v63  }
0x29: {  	v3 =	vand.u32 $0x380, v3;
	v4 =	vadd.s32 v4, v6  }
0x2a: {  	vm15 =	vlt.u32 v61, $0x40;
	v2 =	vand.u32 $0x7F, v2;
	v3 =	vor.u32 v3, v4  }
0x2b: {  	p0 =	sne.s32 s17, $0x1FE0;
	v2 =	vor.u32 v2, v3  }
.Ltmp0:
0x2c: {  	_ = 	snop;
	(pc) =	sbr.rel @p0 .LBB2_2-.Ltmp0, $3  }
0x2d: {  	_ =	sdelay $0x1  }
0x2e: {  	v3 =	vsel vm14, $0x1, v1  }
0x2f: {  	s16 =	sadd.s32 $0x40, s16;
	s17 =	sadd.s32 $0x20, s17;
	[tilespmem:v2+s4+$0x0] =	vst.idx.add.s32.msk vm15, v3  }
0x30: {  	_ =	swait.ge [sflag:s11], $0x4000  }
0x31: {  	[sflag:s11] =	ssyncset.done $0x0  }
0x32: {  	s16 =	simm.s32 $0x0;
	s17 =	simm.s32 $0x0;
	[sflag:s11] =	ssyncadd.s32 $0xFFFFC000  }
0x33: {  	[tilespmem:s10], [sflag:$0x1] =	stream.linear.gather [hbm4b:s6+s16], $0x4000, $0x38;
	[tilespmem:$0x18000] =	vst v63  }
.LBB2_4:
0x34: {  	s18 =	sand.u32 $0x60, s17;
	s19 =	sand.u32 $0x3F00, s16  }
0x35: {  	s18 =	sor.u32 s18, s19  }
0x36: {  	v2 =	vld [tilespmem:s18+$0x14080]  }
0x37: {  	v3 =	vld [tilespmem:s18+$0x14000];
	_ =	sdelay $0x3  }
0x38: {  	vm0 =	vlt.s32 v2, $0x400;
	v4 =	vadd.s32 $0xFFFFFC00, v2  }
0x39: {  	v5 =	vsub.s32 v3, v0;
	v2 =	vsel vm0, v2, v4  }
0x3a: {  	v59 =	vshll.u32 v5, $0xA;
	v6 =	vshll.u32 v2, $0x3  }
0x3b: {  	v3 =	vshll.u32 v3, $0x7;
	v4 =	vand.u32 $0xFFFFE000, v59;
	v6 =	vand.u32 $0xFFFFFC00, v6  }
0x3c: {  	v3 =	vand.u32 $0x380, v3;
	v4 =	vadd.s32 v4, v6  }
0x3d: {  	vm1 =	vlt.u32 v5, $0x40;
	v2 =	vand.u32 $0x7F, v2;
	v3 =	vor.u32 v3, v4  }
0x3e: {  	v2 =	vor.u32 v2, v3;
	_ =	sdelay $0x3  }
0x3f: {  	v3 =	vsel vm0, $0x1, v1  }
0x40: {  	[tilespmem:v2+s4+$0x0] =	vst.idx.add.s32.msk vm1, v3  }
0x41: {  	v2 =	vld [tilespmem:s18+$0x14090]  }
0x42: {  	v3 =	vld [tilespmem:s18+$0x14010];
	_ =	sdelay $0x3  }
0x43: {  	vm14 =	vlt.s32 v2, $0x400;
	v60 =	vadd.s32 $0xFFFFFC00, v2  }
0x44: {  	v61 =	vsub.s32 v3, v0;
	v2 =	vsel vm14, v2, v60  }
0x45: {  	v62 =	vshll.u32 v61, $0xA;
	v63 =	vshll.u32 v2, $0x3  }
0x46: {  	v3 =	vshll.u32 v3, $0x7;
	v4 =	vand.u32 $0xFFFFE000, v62;
	v6 =	vand.u32 $0xFFFFFC00, v63  }
0x47: {  	v3 =	vand.u32 $0x380, v3;
	v4 =	vadd.s32 v4, v6  }
0x48: {  	vm15 =	vlt.u32 v61, $0x40;
	v2 =	vand.u32 $0x7F, v2;
	v3 =	vor.u32 v3, v4  }
0x49: {  	p0 =	sne.s32 s17, $0x1FE0;
	v2 =	vor.u32 v2, v3  }
.Ltmp1:
0x4a: {  	_ = 	snop;
	(pc) =	sbr.rel @p0 .LBB2_4-.Ltmp1, $3  }
0x4b: {  	_ =	sdelay $0x1  }
0x4c: {  	v3 =	vsel vm14, $0x1, v1  }
0x4d: {  	s16 =	sadd.s32 $0x40, s16;
	s17 =	sadd.s32 $0x20, s17;
	[tilespmem:v2+s4+$0x0] =	vst.idx.add.s32.msk vm15, v3  }
0x4e: {  	_ =	swait.ge [sflag:s12], $0x4000  }
0x4f: {  	[sflag:s12] =	ssyncset.done $0x0  }
0x50: {  	s16 =	simm.s32 $0x0;
	s17 =	simm.s32 $0x0;
	[sflag:s12] =	ssyncadd.s32 $0xFFFFC000  }
0x51: {  	[tilespmem:s13], [sflag:$0x2] =	stream.linear.gather [hbm4b:s7+s16], $0x4000, $0x38;
	[tilespmem:$0x18000] =	vst v63  }
.LBB2_6:
0x52: {  	s18 =	sand.u32 $0x60, s17;
	s19 =	sand.u32 $0x3F00, s16  }
0x53: {  	s18 =	sor.u32 s18, s19  }
0x54: {  	v2 =	vld [tilespmem:s18+$0x10080]  }
0x55: {  	v3 =	vld [tilespmem:s18+$0x10000];
	_ =	sdelay $0x3  }
0x56: {  	vm0 =	vlt.s32 v2, $0x400;
	v4 =	vadd.s32 $0xFFFFFC00, v2  }
0x57: {  	v5 =	vsub.s32 v3, v0;
	v2 =	vsel vm0, v2, v4  }
0x58: {  	v59 =	vshll.u32 v5, $0xA;
	v6 =	vshll.u32 v2, $0x3  }
0x59: {  	v3 =	vshll.u32 v3, $0x7;
	v4 =	vand.u32 $0xFFFFE000, v59;
	v6 =	vand.u32 $0xFFFFFC00, v6  }
0x5a: {  	v3 =	vand.u32 $0x380, v3;
	v4 =	vadd.s32 v4, v6  }
0x5b: {  	vm1 =	vlt.u32 v5, $0x40;
	v2 =	vand.u32 $0x7F, v2;
	v3 =	vor.u32 v3, v4  }
0x5c: {  	v2 =	vor.u32 v2, v3;
	_ =	sdelay $0x3  }
0x5d: {  	v3 =	vsel vm0, $0x1, v1  }
0x5e: {  	[tilespmem:v2+s4+$0x0] =	vst.idx.add.s32.msk vm1, v3  }
0x5f: {  	v2 =	vld [tilespmem:s18+$0x10090]  }
0x60: {  	v3 =	vld [tilespmem:s18+$0x10010];
	_ =	sdelay $0x3  }
0x61: {  	vm14 =	vlt.s32 v2, $0x400;
	v60 =	vadd.s32 $0xFFFFFC00, v2  }
0x62: {  	v61 =	vsub.s32 v3, v0;
	v2 =	vsel vm14, v2, v60  }
0x63: {  	v62 =	vshll.u32 v61, $0xA;
	v63 =	vshll.u32 v2, $0x3  }
0x64: {  	v3 =	vshll.u32 v3, $0x7;
	v4 =	vand.u32 $0xFFFFE000, v62;
	v6 =	vand.u32 $0xFFFFFC00, v63  }
0x65: {  	v3 =	vand.u32 $0x380, v3;
	v4 =	vadd.s32 v4, v6  }
0x66: {  	vm15 =	vlt.u32 v61, $0x40;
	v2 =	vand.u32 $0x7F, v2;
	v3 =	vor.u32 v3, v4  }
0x67: {  	p0 =	sne.s32 s17, $0x1FE0;
	v2 =	vor.u32 v2, v3  }
.Ltmp2:
0x68: {  	_ = 	snop;
	(pc) =	sbr.rel @p0 .LBB2_6-.Ltmp2, $3  }
0x69: {  	_ =	sdelay $0x1  }
0x6a: {  	v3 =	vsel vm14, $0x1, v1  }
0x6b: {  	s16 =	sadd.s32 $0x40, s16;
	s17 =	sadd.s32 $0x20, s17;
	[tilespmem:v2+s4+$0x0] =	vst.idx.add.s32.msk vm15, v3  }
0x6c: {  	_ =	swait.ge [sflag:s11], $0x4000  }
0x6d: {  	[sflag:s11] =	ssyncset.done $0x0  }
0x6e: {  	s16 =	simm.s32 $0x0;
	s17 =	simm.s32 $0x0;
	[sflag:s11] =	ssyncadd.s32 $0xFFFFC000  }
.LBB2_8:
0x6f: {  	s18 =	sand.u32 $0x60, s17;
	s19 =	sand.u32 $0x3F00, s16  }
0x70: {  	s18 =	sor.u32 s18, s19  }
0x71: {  	v2 =	vld [tilespmem:s18+$0x14080]  }
0x72: {  	v3 =	vld [tilespmem:s18+$0x14000];
	_ =	sdelay $0x3  }
0x73: {  	vm0 =	vlt.s32 v2, $0x400;
	v4 =	vadd.s32 $0xFFFFFC00, v2  }
0x74: {  	v5 =	vsub.s32 v3, v0;
	v2 =	vsel vm0, v2, v4  }
0x75: {  	v59 =	vshll.u32 v5, $0xA;
	v6 =	vshll.u32 v2, $0x3  }
0x76: {  	v3 =	vshll.u32 v3, $0x7;
	v4 =	vand.u32 $0xFFFFE000, v59;
	v6 =	vand.u32 $0xFFFFFC00, v6  }
0x77: {  	v3 =	vand.u32 $0x380, v3;
	v4 =	vadd.s32 v4, v6  }
0x78: {  	vm1 =	vlt.u32 v5, $0x40;
	v2 =	vand.u32 $0x7F, v2;
	v3 =	vor.u32 v3, v4  }
0x79: {  	v2 =	vor.u32 v2, v3;
	_ =	sdelay $0x3  }
0x7a: {  	v3 =	vsel vm0, $0x1, v1  }
0x7b: {  	[tilespmem:v2+s4+$0x0] =	vst.idx.add.s32.msk vm1, v3  }
0x7c: {  	v2 =	vld [tilespmem:s18+$0x14090]  }
0x7d: {  	v3 =	vld [tilespmem:s18+$0x14010];
	_ =	sdelay $0x3  }
0x7e: {  	vm14 =	vlt.s32 v2, $0x400;
	v60 =	vadd.s32 $0xFFFFFC00, v2  }
0x7f: {  	v61 =	vsub.s32 v3, v0;
	v2 =	vsel vm14, v2, v60  }
0x80: {  	v62 =	vshll.u32 v61, $0xA;
	v63 =	vshll.u32 v2, $0x3  }
0x81: {  	v3 =	vshll.u32 v3, $0x7;
	v4 =	vand.u32 $0xFFFFE000, v62;
	v6 =	vand.u32 $0xFFFFFC00, v63  }
0x82: {  	v3 =	vand.u32 $0x380, v3;
	v4 =	vadd.s32 v4, v6  }
0x83: {  	vm15 =	vlt.u32 v61, $0x40;
	v2 =	vand.u32 $0x7F, v2;
	v3 =	vor.u32 v3, v4  }
0x84: {  	p0 =	sne.s32 s17, $0x1FE0;
	v2 =	vor.u32 v2, v3  }
.Ltmp3:
0x85: {  	_ = 	snop;
	(pc) =	sbr.rel @p0 .LBB2_8-.Ltmp3, $3  }
0x86: {  	_ =	sdelay $0x1  }
0x87: {  	v3 =	vsel vm14, $0x1, v1  }
0x88: {  	s16 =	sadd.s32 $0x40, s16;
	s17 =	sadd.s32 $0x20, s17;
	[tilespmem:v2+s4+$0x0] =	vst.idx.add.s32.msk vm15, v3  }
0x89: {  	s15 =	sadd.s32 $0x1, s15  }
0x8a: {  	p0 =	sne.s32 s15, s9  }
.Ltmp4:
0x8b: {  	_ = 	snop;
	(pc) =	sbr.rel @p0 .LBB2_1-.Ltmp4, $4  }
0x8c: {  	[hbm4b:s8+s4] =	stream.linear.scatter [tilespmem:s4], [sflag:$0x3], $0x10000, $0x38;
	[tilespmem:$0x18000] =	vst v63  }
0x8d: {  	_ =	swait.ge [sflag:s14], $0x10000  }
0x8e: {  	[sflag:s14] =	ssyncset.done $0x0  }
0x8f: {  	[sflag:s14] =	ssyncadd.s32 $0xFFFF0000  }
0x90: {  	_ =	sfence.sel $0x180000  }
0x91: {  	[bflag:$0x0] =	sbarrier.arrive $0xFFFF  }
0x92: {  	p0 =	sne.s32 s3, $0x0;
	_ =	strace $0x90000047  }
0x93: {  	s0 =	sadd.s32 @!p0 $0x100000, s0;
	[bflag:$0x2] =	sbarrier.arrive $0xFFFF  }
0x94: {  	[sflag:s0] =	ssyncadd.tile.s32 @!p0 $0x1;
	_ =	shalt  }
.Lfunc_end2:
_tile_overlayer_lowered:
.L_overlay_start_2:
0x95: {  	(tag) =	ssettag $0x2  }
0x96: {  	s0 =	rddreg [dreg:$0x0];
	s2 =	stileid.u32  }
0x97: {  	s1 =	rddreg [dreg:$0x1];
	p0 =	sne.s32 s2, $0x0  }
0x98: {  	s3 =	rddreg [dreg:$0x2];
	[bflag:$0x3] =	sbarrier.arrive $0xFFFF;
	s2 =	simm.s32 @!p0 $0x1C03  }
0x99: {  	[timem:s3], [sflag:s2] =	dma.local @!p0 [hbm:s0], s1  }
0x9a: {  	s0 =	simm.s32 @!p0 $0x3  }
0x9b: {  	_ =	swait.ge @!p0 [sflag:s0], s1  }
0x9c: {  	s1 =	ssub.s32 @!p0 $0x0, s1;
	[sflag:s0] =	ssyncset.done @!p0 $0x0  }
0x9d: {  	[sflag:s0] =	ssyncadd.s32 @!p0 s1  }
0x9e: {  	[bflag:$0x3] =	sbarrier.arrive $0xFFFF  }
0x9f: {  	_ =	shalt  }

</sc_bundles>
